<compile_context>
chip_gen: v7x
topology: tpu7x:2x2x1
jax: 0.10.2.dev20260603
libtpu: 0.0.44.dev20260713+nightly
codegen_flags: <defaults>
</compile_context>

<pallas_src>
import functools

import jax
import jax.numpy as jnp
from jax import lax
from jax.experimental import pallas as pl
from jax.experimental.pallas import tpu as pltpu
from jax.experimental.pallas import tpu_sc as plsc

B = 16384
D = 64
NC, NS = 2, 16
NW = NC * NS
BPW = B // NW
CHUNK = 256
NCHUNK = BPW // CHUNK
G = 16

N_USER = 1000000
HALF = N_USER // 2


def _sc_gather(u3, emb_a, emb_c, lin_u1, lin_a1, lin_c1,
               idx_u, idx_a, idx_c):
    mesh = plsc.VectorSubcoreMesh(core_axis_name="c", subcore_axis_name="s")
    f32 = jnp.float32
    out_types = (
        jax.ShapeDtypeStruct((B, D), f32),
        jax.ShapeDtypeStruct((B, D), f32),
        jax.ShapeDtypeStruct((B, D), f32),
        jax.ShapeDtypeStruct((B,), f32),
        jax.ShapeDtypeStruct((B,), f32),
        jax.ShapeDtypeStruct((B,), f32),
    )
    scratch = (
        [pltpu.VMEM((CHUNK,), jnp.int32) for _ in range(3)]
        + [pltpu.VMEM((CHUNK, D), f32) for _ in range(3)]
        + [pltpu.VMEM((CHUNK,), f32) for _ in range(3)]
        + [pltpu.SemaphoreType.DMA, pltpu.SemaphoreType.DMA]
    )

    @functools.partial(pl.kernel, mesh=mesh, out_type=out_types,
                       scratch_types=scratch)
    def k(u3_h, ea_h, ec_h, lu_h, la_h, lc_h,
          iu_h, ia_h, ic_h,
          oeu, oea, oec, olu, ola, olc,
          viu, via, vic, veu, vea, vec, vlu, vla, vlc, sem, lsem):
        wid = lax.axis_index("s") * NC + lax.axis_index("c")
        base = wid * BPW
        for c in range(NCHUNK):
            off = base + c * CHUNK
            pltpu.sync_copy(iu_h.at[pl.ds(off, CHUNK)], viu)
            pltpu.sync_copy(ia_h.at[pl.ds(off, CHUNK)], via)
            pltpu.sync_copy(ic_h.at[pl.ds(off, CHUNK)], vic)
            hl = [pltpu.async_copy(lu_h.at[viu], vlu, lsem),
                  pltpu.async_copy(la_h.at[via], vla, lsem),
                  pltpu.async_copy(lc_h.at[vic], vlc, lsem)]

            @pl.loop(0, CHUNK // G)
            def _(g):
                vu = viu[pl.ds(g * G, G)]
                va = via[pl.ds(g * G, G)]
                vc = vic[pl.ds(g * G, G)]
                for j in range(G):
                    p = g * G + j
                    iu = vu[j]
                    hi = (iu >= HALF).astype(jnp.int32)
                    r2 = iu - hi * HALF
                    pltpu.async_copy(u3_h.at[hi].at[pl.ds(r2, 1)],
                                     veu.at[pl.ds(p, 1)], sem)
                    pltpu.async_copy(
                        ea_h.at[pl.ds(va[j], 1)], vea.at[pl.ds(p, 1)], sem)
                    pltpu.async_copy(
                        ec_h.at[pl.ds(vc[j], 1)], vec.at[pl.ds(p, 1)], sem)

            pltpu.make_async_copy(ea_h.at[pl.ds(0, CHUNK)], veu, sem).wait()
            pltpu.make_async_copy(ea_h.at[pl.ds(0, CHUNK)], vea, sem).wait()
            pltpu.make_async_copy(ea_h.at[pl.ds(0, CHUNK)], vec, sem).wait()
            for h in hl:
                h.wait()
            pltpu.sync_copy(veu, oeu.at[pl.ds(off, CHUNK)])
            pltpu.sync_copy(vea, oea.at[pl.ds(off, CHUNK)])
            pltpu.sync_copy(vec, oec.at[pl.ds(off, CHUNK)])
            pltpu.sync_copy(vlu, olu.at[pl.ds(off, CHUNK)])
            pltpu.sync_copy(vla, ola.at[pl.ds(off, CHUNK)])
            pltpu.sync_copy(vlc, olc.at[pl.ds(off, CHUNK)])

    return k(u3, emb_a, emb_c, lin_u1, lin_a1, lin_c1,
             idx_u, idx_a, idx_c)


def _tc_body(eu_r, ea_r, ec_r, lt_r,
             W1_r, b1_r, W2_r, b2_r, w3_r, off_r, o_r):
    eu = eu_r[...]
    ea = ea_r[...]
    ec = ec_r[...]
    s = eu + ea + ec
    sum_sq = jnp.sum(s * s, axis=1, keepdims=True)
    sq_sum = jnp.sum(eu * eu + ea * ea + ec * ec, axis=1, keepdims=True)
    interaction = 0.5 * (sum_sq - sq_sum)
    W1 = W1_r[...]
    f32 = jnp.float32
    h = (jnp.dot(eu, W1[0:D, :], preferred_element_type=f32)
         + jnp.dot(ea, W1[D:2 * D, :], preferred_element_type=f32)
         + jnp.dot(ec, W1[2 * D:3 * D, :], preferred_element_type=f32)
         + b1_r[...])
    h = jnp.maximum(h, 0.0)
    h = jnp.dot(h, W2_r[...], preferred_element_type=f32) + b2_r[...]
    h = jnp.maximum(h, 0.0)
    deep = jnp.sum(h * w3_r[...], axis=1, keepdims=True)
    o_r[...] = jax.nn.sigmoid(off_r[...] + lt_r[...] + interaction + deep)


def _tc_dense(eu, ea, ec, lt, W1, b1, W2, b2, w3, off):
    grid = (B // BLK,)
    bs_emb = pl.BlockSpec((BLK, D), lambda i: (i, 0))
    bs_col = pl.BlockSpec((BLK, 1), lambda i: (i, 0))
    rep = lambda shape: pl.BlockSpec(shape, lambda i: (0, 0))
    return pl.pallas_call(
        _tc_body,
        grid=grid,
        in_specs=[
            bs_emb, bs_emb, bs_emb, bs_col,
            rep((3 * D, 128)), rep((1, 128)),
            rep((128, D)), rep((1, D)),
            rep((1, D)), rep((1, 1)),
        ],
        out_specs=pl.BlockSpec((BLK, 1), lambda i: (i, 0)),
        out_shape=jax.ShapeDtypeStruct((B, 1), jnp.float32),
    )(eu, ea, ec, lt, W1, b1, W2, b2, w3, off)


BLK = 1024


def kernel(user_id, ad_id, context_id, lin_user, lin_ad, lin_ctx,
           emb_user, emb_ad, emb_ctx, bias, W1, b1, W2, b2, W3, b3):
    lu1 = lin_user.reshape(-1)
    la1 = lin_ad.reshape(-1)
    lc1 = lin_ctx.reshape(-1)
    uid = user_id.astype(jnp.int32)
    aid = ad_id.astype(jnp.int32)
    cid = context_id.astype(jnp.int32)

    u3 = emb_user.reshape(2, HALF, D)

    geu, gea, gec, glu, gla, glc = _sc_gather(
        u3, emb_ad, emb_ctx, lu1, la1, lc1, uid, aid, cid)

    lt = (glu + gla + glc).reshape(B, 1)
    off = (bias + b3).reshape(1, 1)
    out = _tc_dense(geu, gea, gec, lt,
                    W1, b1.reshape(1, 128), W2, b2.reshape(1, D),
                    W3.reshape(1, D), off)
    return out.reshape(B)

# --- scband reference (transcript-rebuilt; emitter-appended) ---
"""Pipeline reference for scband-fmctrpredictor-7438883356956 (READ-ONLY COPY).

The authoritative reference and input builder live on the scoring server;
editing this copy changes nothing except your own understanding.
"""

import jax, jax.numpy as jnp
import numpy as np

N_USERS = 1000000
N_ADS = 100000
N_CTX = 1000
EMB_DIM = 64
BATCH = 16384


def setup_inputs(seed: int = 0) -> dict:
    key = jax.random.key(seed)
    ks = jax.random.split(key, 20)
    user_id = jax.random.randint(ks[0], (BATCH,), 0, N_USERS, dtype=jnp.int64 if jax.config.jax_enable_x64 else jnp.int32)
    ad_id = jax.random.randint(ks[1], (BATCH,), 0, N_ADS, dtype=jnp.int32)
    context_id = jax.random.randint(ks[2], (BATCH,), 0, N_CTX, dtype=jnp.int32)
    # linear (order-1) embedding tables, dim=1
    lin_user = jax.random.normal(ks[3], (N_USERS, 1), dtype=jnp.float32) * 0.01
    lin_ad = jax.random.normal(ks[4], (N_ADS, 1), dtype=jnp.float32) * 0.01
    lin_ctx = jax.random.normal(ks[5], (N_CTX, 1), dtype=jnp.float32) * 0.01
    # interaction (order-2) embedding tables
    emb_user = jax.random.normal(ks[6], (N_USERS, EMB_DIM), dtype=jnp.float32) * 0.01
    emb_ad = jax.random.normal(ks[7], (N_ADS, EMB_DIM), dtype=jnp.float32) * 0.01
    emb_ctx = jax.random.normal(ks[8], (N_CTX, EMB_DIM), dtype=jnp.float32) * 0.01
    bias = jnp.zeros((1,), dtype=jnp.float32)
    # deep tower: Linear(192,128) -> ReLU -> Linear(128,64) -> ReLU -> Linear(64,1)
    W1 = jax.random.normal(ks[9], (EMB_DIM * 3, 128), dtype=jnp.float32) * (1.0 / np.sqrt(EMB_DIM * 3))
    b1 = jnp.zeros((128,), dtype=jnp.float32)
    W2 = jax.random.normal(ks[10], (128, 64), dtype=jnp.float32) * (1.0 / np.sqrt(128))
    b2 = jnp.zeros((64,), dtype=jnp.float32)
    W3 = jax.random.normal(ks[11], (64, 1), dtype=jnp.float32) * (1.0 / np.sqrt(64))
    b3 = jnp.zeros((1,), dtype=jnp.float32)
    return {
        'user_id': user_id, 'ad_id': ad_id, 'context_id': context_id,
        'lin_user': lin_user, 'lin_ad': lin_ad, 'lin_ctx': lin_ctx,
        'emb_user': emb_user, 'emb_ad': emb_ad, 'emb_ctx': emb_ctx,
        'bias': bias,
        'W1': W1, 'b1': b1, 'W2': W2, 'b2': b2, 'W3': W3, 'b3': b3,
    }


def reference(user_id, ad_id, context_id,
              lin_user, lin_ad, lin_ctx,
              emb_user, emb_ad, emb_ctx,
              bias, W1, b1, W2, b2, W3, b3):
    # linear (order-1) terms: gather dim-1 embeddings
    lt_u = jnp.take(lin_user, user_id, axis=0)
    lt_a = jnp.take(lin_ad, ad_id, axis=0)
    lt_c = jnp.take(lin_ctx, context_id, axis=0)
    linear_sum = (lt_u + lt_a + lt_c).squeeze(-1)  # [B]
    # interaction (order-2) embeddings
    e_u = jnp.take(emb_user, user_id, axis=0)   # [B, D]
    e_a = jnp.take(emb_ad, ad_id, axis=0)       # [B, D]
    e_c = jnp.take(emb_ctx, context_id, axis=0) # [B, D]
    stacked = jnp.stack([e_u, e_a, e_c], axis=1)         # [B, 3, D]
    sum_of_embs = jnp.sum(stacked, axis=1)                # [B, D]
    sum_of_squares = jnp.sum(sum_of_embs ** 2, axis=1)    # [B]
    square_of_sums = jnp.sum(stacked ** 2, axis=(1, 2))   # [B]
    interaction = 0.5 * (sum_of_squares - square_of_sums)
    output = bias + linear_sum + interaction
    # deep tower (dropout is identity at inference)
    concat = jnp.concatenate([e_u, e_a, e_c], axis=1)     # [B, 3D]
    h = jax.nn.relu(concat @ W1 + b1)
    h = jax.nn.relu(h @ W2 + b2)
    deep_out = (h @ W3 + b3).squeeze(-1)
    output = output + deep_out
    return jax.nn.sigmoid(output)

if __name__ == "__main__":
    import jax
    _d = setup_inputs()
    print(jax.jit(kernel)(*tuple(_d.values())))

</pallas_src>

<mosaic_0001>
#map = affine_map<(d0, d1) -> (0, 0, 0)>
#map1 = affine_map<(d0, d1) -> (0, 0)>
#map2 = affine_map<(d0, d1) -> (0)>
module attributes {stable_mosaic.version = 14 : i64} {
  func.func @k(%arg0: i32, %arg1: i32, %arg2: memref<2x500000x64xf32, #tpu.memory_space<hbm>>, %arg3: memref<100000x64xf32, #tpu.memory_space<hbm>>, %arg4: memref<1000x64xf32, #tpu.memory_space<hbm>>, %arg5: memref<1000000xf32, #tpu.memory_space<hbm>>, %arg6: memref<100000xf32, #tpu.memory_space<hbm>>, %arg7: memref<1000xf32, #tpu.memory_space<hbm>>, %arg8: memref<16384xi32, #tpu.memory_space<hbm>>, %arg9: memref<16384xi32, #tpu.memory_space<hbm>>, %arg10: memref<16384xi32, #tpu.memory_space<hbm>>, %arg11: memref<16384x64xf32, #tpu.memory_space<hbm>>, %arg12: memref<16384x64xf32, #tpu.memory_space<hbm>>, %arg13: memref<16384x64xf32, #tpu.memory_space<hbm>>, %arg14: memref<16384xf32, #tpu.memory_space<hbm>>, %arg15: memref<16384xf32, #tpu.memory_space<hbm>>, %arg16: memref<16384xf32, #tpu.memory_space<hbm>>, %arg17: memref<256xi32, #tpu.memory_space<vmem>>, %arg18: memref<256xi32, #tpu.memory_space<vmem>>, %arg19: memref<256xi32, #tpu.memory_space<vmem>>, %arg20: memref<256x64xf32, #tpu.memory_space<vmem>>, %arg21: memref<256x64xf32, #tpu.memory_space<vmem>>, %arg22: memref<256x64xf32, #tpu.memory_space<vmem>>, %arg23: memref<256xf32, #tpu.memory_space<vmem>>, %arg24: memref<256xf32, #tpu.memory_space<vmem>>, %arg25: memref<256xf32, #tpu.memory_space<vmem>>, %arg26: memref<!tpu.dma_semaphore, #tpu.memory_space<semaphore_mem>>, %arg27: memref<!tpu.dma_semaphore, #tpu.memory_space<semaphore_mem>>) attributes {dimension_semantics = [#tpu.dimension_semantics<core_parallel>, #tpu.dimension_semantics<subcore_parallel>], iteration_bounds = array<i64: 2, 16>, scalar_prefetch = 0 : i64, scratch_operands = 11 : i64, tpu.core_type = #tpu.core_type<sc_vector_subcore>, window_params = [{transform_indices = #map}, {transform_indices = #map1}, {transform_indices = #map1}, {transform_indices = #map2}, {transform_indices = #map2}, {transform_indices = #map2}, {transform_indices = #map2}, {transform_indices = #map2}, {transform_indices = #map2}, {transform_indices = #map1}, {transform_indices = #map1}, {transform_indices = #map1}, {transform_indices = #map2}, {transform_indices = #map2}, {transform_indices = #map2}]} {
    %mul3A = arith.constant 2 : i32
    %mul3A_0 = arith.muli %arg1, %mul3A : i32
    %add3A = arith.addi %mul3A_0, %arg0 : i32
    %mul3A_1 = arith.constant 512 : i32
    %mul3A_2 = arith.muli %add3A, %mul3A_1 : i32
    %add3A_3 = arith.constant 0 : i32
    %add3A_4 = arith.addi %mul3A_2, %add3A_3 : i32
    "tpu.region"() ({
      %run_scoped3A = tpu.sem_alloc : memref<!tpu.dma_semaphore, #tpu.memory_space<semaphore_mem>>
      %dma_start3A_74 = tpu.memref_slice %arg8[%add3A_4] : memref<16384xi32, #tpu.memory_space<hbm>> -> memref<256xi32, #tpu.memory_space<hbm>>
      %dma_start3A_75 = tpu.memref_slice %arg8[%add3A_4] : memref<16384xi32, #tpu.memory_space<hbm>> -> memref<256xi32, #tpu.memory_space<hbm>>
      tpu.enqueue_dma source(%dma_start3A_75 : memref<256xi32, #tpu.memory_space<hbm>>) target(%arg17 : memref<256xi32, #tpu.memory_space<vmem>>) target_semaphore(%run_scoped3A : memref<!tpu.dma_semaphore, #tpu.memory_space<semaphore_mem>>)
      %dma_wait3A_76 = tpu.memref_slice %arg8[%add3A_4] : memref<16384xi32, #tpu.memory_space<hbm>> -> memref<256xi32, #tpu.memory_space<hbm>>
      %dma_wait3A_77 = tpu.memref_slice %arg8[%add3A_4] : memref<16384xi32, #tpu.memory_space<hbm>> -> memref<256xi32, #tpu.memory_space<hbm>>
      tpu.wait_dma2 semaphore(%run_scoped3A : memref<!tpu.dma_semaphore, #tpu.memory_space<semaphore_mem>>) src(%dma_wait3A_77 : memref<256xi32, #tpu.memory_space<hbm>>) dst(%arg17 : memref<256xi32, #tpu.memory_space<vmem>>)
      tpu.yield
    }) : () -> ()
    "tpu.region"() ({
      %run_scoped3A = tpu.sem_alloc : memref<!tpu.dma_semaphore, #tpu.memory_space<semaphore_mem>>
      %dma_start3A_74 = tpu.memref_slice %arg9[%add3A_4] : memref<16384xi32, #tpu.memory_space<hbm>> -> memref<256xi32, #tpu.memory_space<hbm>>
      %dma_start3A_75 = tpu.memref_slice %arg9[%add3A_4] : memref<16384xi32, #tpu.memory_space<hbm>> -> memref<256xi32, #tpu.memory_space<hbm>>
      tpu.enqueue_dma source(%dma_start3A_75 : memref<256xi32, #tpu.memory_space<hbm>>) target(%arg18 : memref<256xi32, #tpu.memory_space<vmem>>) target_semaphore(%run_scoped3A : memref<!tpu.dma_semaphore, #tpu.memory_space<semaphore_mem>>)
      %dma_wait3A_76 = tpu.memref_slice %arg9[%add3A_4] : memref<16384xi32, #tpu.memory_space<hbm>> -> memref<256xi32, #tpu.memory_space<hbm>>
      %dma_wait3A_77 = tpu.memref_slice %arg9[%add3A_4] : memref<16384xi32, #tpu.memory_space<hbm>> -> memref<256xi32, #tpu.memory_space<hbm>>
      tpu.wait_dma2 semaphore(%run_scoped3A : memref<!tpu.dma_semaphore, #tpu.memory_space<semaphore_mem>>) src(%dma_wait3A_77 : memref<256xi32, #tpu.memory_space<hbm>>) dst(%arg18 : memref<256xi32, #tpu.memory_space<vmem>>)
      tpu.yield
    }) : () -> ()
    "tpu.region"() ({
      %run_scoped3A = tpu.sem_alloc : memref<!tpu.dma_semaphore, #tpu.memory_space<semaphore_mem>>
      %dma_start3A_74 = tpu.memref_slice %arg10[%add3A_4] : memref<16384xi32, #tpu.memory_space<hbm>> -> memref<256xi32, #tpu.memory_space<hbm>>
      %dma_start3A_75 = tpu.memref_slice %arg10[%add3A_4] : memref<16384xi32, #tpu.memory_space<hbm>> -> memref<256xi32, #tpu.memory_space<hbm>>
      tpu.enqueue_dma source(%dma_start3A_75 : memref<256xi32, #tpu.memory_space<hbm>>) target(%arg19 : memref<256xi32, #tpu.memory_space<vmem>>) target_semaphore(%run_scoped3A : memref<!tpu.dma_semaphore, #tpu.memory_space<semaphore_mem>>)
      %dma_wait3A_76 = tpu.memref_slice %arg10[%add3A_4] : memref<16384xi32, #tpu.memory_space<hbm>> -> memref<256xi32, #tpu.memory_space<hbm>>
      %dma_wait3A_77 = tpu.memref_slice %arg10[%add3A_4] : memref<16384xi32, #tpu.memory_space<hbm>> -> memref<256xi32, #tpu.memory_space<hbm>>
      tpu.wait_dma2 semaphore(%run_scoped3A : memref<!tpu.dma_semaphore, #tpu.memory_space<semaphore_mem>>) src(%dma_wait3A_77 : memref<256xi32, #tpu.memory_space<hbm>>) dst(%arg19 : memref<256xi32, #tpu.memory_space<vmem>>)
      tpu.yield
    }) : () -> ()
    %dma_start3A = arith.constant 0 : i32
    %dma_start3A_5 = tpu.memref_slice %arg5[%dma_start3A] : memref<1000000xf32, #tpu.memory_space<hbm>> -> memref<1000000xf32, #tpu.memory_space<hbm>>
    tpu.enqueue_indirect_dma source(%dma_start3A_5 : memref<1000000xf32, #tpu.memory_space<hbm>>) target(%arg23 : memref<256xf32, #tpu.memory_space<vmem>>) offsets(%arg17 : memref<256xi32, #tpu.memory_space<vmem>>) semaphore(%arg27 : memref<!tpu.dma_semaphore, #tpu.memory_space<semaphore_mem>>)
    %dma_start3A_6 = arith.constant 0 : i32
    %dma_start3A_7 = tpu.memref_slice %arg6[%dma_start3A_6] : memref<100000xf32, #tpu.memory_space<hbm>> -> memref<100000xf32, #tpu.memory_space<hbm>>
    tpu.enqueue_indirect_dma source(%dma_start3A_7 : memref<100000xf32, #tpu.memory_space<hbm>>) target(%arg24 : memref<256xf32, #tpu.memory_space<vmem>>) offsets(%arg18 : memref<256xi32, #tpu.memory_space<vmem>>) semaphore(%arg27 : memref<!tpu.dma_semaphore, #tpu.memory_space<semaphore_mem>>)
    %dma_start3A_8 = arith.constant 0 : i32
    %dma_start3A_9 = tpu.memref_slice %arg7[%dma_start3A_8] : memref<1000xf32, #tpu.memory_space<hbm>> -> memref<1000xf32, #tpu.memory_space<hbm>>
    tpu.enqueue_indirect_dma source(%dma_start3A_9 : memref<1000xf32, #tpu.memory_space<hbm>>) target(%arg25 : memref<256xf32, #tpu.memory_space<vmem>>) offsets(%arg19 : memref<256xi32, #tpu.memory_space<vmem>>) semaphore(%arg27 : memref<!tpu.dma_semaphore, #tpu.memory_space<semaphore_mem>>)
    %scan3A = arith.constant 0 : i32
    %scan3A_10 = arith.constant 16 : i32
    %scan3A_11 = arith.addi %scan3A, %scan3A_10 : i32
    %scan3A_12 = arith.constant 1 : i32
    scf.for %scan3A_74 = %scan3A to %scan3A_11 step %scan3A_12  : i32 {
      %mul3A_75 = arith.constant 1 : i32
      %mul3A_76 = arith.muli %scan3A_74, %mul3A_75 : i32
      %add3A_77 = arith.constant 0 : i32
      %add3A_78 = arith.addi %add3A_77, %mul3A_76 : i32
      %mul3A_79 = arith.constant 16 : i32
      %mul3A_80 = arith.muli %add3A_78, %mul3A_79 : i32
      %get3A = arith.index_cast %mul3A_80 : i32 to index
      %get3A_81 = tpu.vector_load %arg17[%get3A] {strides = array<i32>} : memref<256xi32, #tpu.memory_space<vmem>>, vector<16xi32>,
      %get3A_82 = vector.shape_cast %get3A_81 : vector<16xi32> to vector<16xi32>
      %mul3A_83 = arith.constant 16 : i32
      %mul3A_84 = arith.muli %add3A_78, %mul3A_83 : i32
      %get3A_85 = arith.index_cast %mul3A_84 : i32 to index
      %get3A_86 = tpu.vector_load %arg18[%get3A_85] {strides = array<i32>} : memref<256xi32, #tpu.memory_space<vmem>>, vector<16xi32>,
      %get3A_87 = vector.shape_cast %get3A_86 : vector<16xi32> to vector<16xi32>
      %mul3A_88 = arith.constant 16 : i32
      %mul3A_89 = arith.muli %add3A_78, %mul3A_88 : i32
      %get3A_90 = arith.index_cast %mul3A_89 : i32 to index
      %get3A_91 = tpu.vector_load %arg19[%get3A_90] {strides = array<i32>} : memref<256xi32, #tpu.memory_space<vmem>>, vector<16xi32>,
      %get3A_92 = vector.shape_cast %get3A_91 : vector<16xi32> to vector<16xi32>
      %mul3A_93 = arith.constant 16 : i32
      %mul3A_94 = arith.muli %add3A_78, %mul3A_93 : i32
      %add3A_95 = arith.constant 0 : i32
      %add3A_96 = arith.addi %mul3A_94, %add3A_95 : i32
      %slice3A = vector.extract_strided_slice %get3A_82 {offsets = [0], sizes = [1], strides = [1]} : vector<16xi32> to vector<1xi32>
      %squeeze3A = vector.extract %slice3A[0] : i32 from vector<1xi32>
      %ge3A = arith.constant 500000 : i32
      %ge3A_97 = arith.cmpi sge, %squeeze3A, %ge3A : i32
      %convert_element_type3A = arith.extui %ge3A_97 : i1 to i32
      %mul3A_98 = arith.constant 500000 : i32
      %mul3A_99 = arith.muli %convert_element_type3A, %mul3A_98 : i32
      %sub3A = arith.subi %squeeze3A, %mul3A_99 : i32
      %dma_start3A_100 = arith.constant 0 : i32
      %dma_start3A_101 = tpu.memref_slice %arg20[%add3A_96, %dma_start3A_100] : memref<256x64xf32, #tpu.memory_space<vmem>> -> memref<1x64xf32, #tpu.memory_space<vmem>>
      %dma_start3A_102 = arith.constant 0 : i32
      %dma_start3A_103 = arith.constant 0 : i32
      %dma_start3A_104 = tpu.memref_slice %arg2[%convert_element_type3A, %dma_start3A_102, %dma_start3A_103] : memref<2x500000x64xf32, #tpu.memory_space<hbm>> -> memref<1x500000x64xf32, #tpu.memory_space<hbm>>
      %dma_start3A_105 = tpu.memref_squeeze %dma_start3A_104 : memref<1x500000x64xf32, #tpu.memory_space<hbm>> -> memref<500000x64xf32, #tpu.memory_space<hbm>>
      %dma_start3A_106 = arith.constant 0 : i32
      %dma_start3A_107 = tpu.memref_slice %dma_start3A_105[%sub3A, %dma_start3A_106] : memref<500000x64xf32, #tpu.memory_space<hbm>> -> memref<1x64xf32, #tpu.memory_space<hbm>>
      %dma_start3A_108 = arith.constant 0 : i32
      %dma_start3A_109 = tpu.memref_slice %arg20[%add3A_96, %dma_start3A_108] : memref<256x64xf32, #tpu.memory_space<vmem>> -> memref<1x64xf32, #tpu.memory_space<vmem>>
      %dma_start3A_110 = arith.constant 0 : i32
      %dma_start3A_111 = arith.constant 0 : i32
      %dma_start3A_112 = tpu.memref_slice %arg2[%convert_element_type3A, %dma_start3A_110, %dma_start3A_111] : memref<2x500000x64xf32, #tpu.memory_space<hbm>> -> memref<1x500000x64xf32, #tpu.memory_space<hbm>>
      %dma_start3A_113 = tpu.memref_squeeze %dma_start3A_112 : memref<1x500000x64xf32, #tpu.memory_space<hbm>> -> memref<500000x64xf32, #tpu.memory_space<hbm>>
      %dma_start3A_114 = arith.constant 0 : i32
      %dma_start3A_115 = tpu.memref_slice %dma_start3A_113[%sub3A, %dma_start3A_114] : memref<500000x64xf32, #tpu.memory_space<hbm>> -> memref<1x64xf32, #tpu.memory_space<hbm>>
      tpu.enqueue_dma source(%dma_start3A_115 : memref<1x64xf32, #tpu.memory_space<hbm>>) target(%dma_start3A_109 : memref<1x64xf32, #tpu.memory_space<vmem>>) target_semaphore(%arg26 : memref<!tpu.dma_semaphore, #tpu.memory_space<semaphore_mem>>)
      %slice3A_116 = vector.extract_strided_slice %get3A_87 {offsets = [0], sizes = [1], strides = [1]} : vector<16xi32> to vector<1xi32>
      %squeeze3A_117 = vector.extract %slice3A_116[0] : i32 from vector<1xi32>
      %dma_start3A_118 = arith.constant 0 : i32
      %dma_start3A_119 = tpu.memref_slice %arg21[%add3A_96, %dma_start3A_118] : memref<256x64xf32, #tpu.memory_space<vmem>> -> memref<1x64xf32, #tpu.memory_space<vmem>>
      %dma_start3A_120 = arith.constant 0 : i32
      %dma_start3A_121 = tpu.memref_slice %arg3[%squeeze3A_117, %dma_start3A_120] : memref<100000x64xf32, #tpu.memory_space<hbm>> -> memref<1x64xf32, #tpu.memory_space<hbm>>
      %dma_start3A_122 = arith.constant 0 : i32
      %dma_start3A_123 = tpu.memref_slice %arg21[%add3A_96, %dma_start3A_122] : memref<256x64xf32, #tpu.memory_space<vmem>> -> memref<1x64xf32, #tpu.memory_space<vmem>>
      %dma_start3A_124 = arith.constant 0 : i32
      %dma_start3A_125 = tpu.memref_slice %arg3[%squeeze3A_117, %dma_start3A_124] : memref<100000x64xf32, #tpu.memory_space<hbm>> -> memref<1x64xf32, #tpu.memory_space<hbm>>
      tpu.enqueue_dma source(%dma_start3A_125 : memref<1x64xf32, #tpu.memory_space<hbm>>) target(%dma_start3A_123 : memref<1x64xf32, #tpu.memory_space<vmem>>) target_semaphore(%arg26 : memref<!tpu.dma_semaphore, #tpu.memory_space<semaphore_mem>>)
      %slice3A_126 = vector.extract_strided_slice %get3A_92 {offsets = [0], sizes = [1], strides = [1]} : vector<16xi32> to vector<1xi32>
      %squeeze3A_127 = vector.extract %slice3A_126[0] : i32 from vector<1xi32>
      %dma_start3A_128 = arith.constant 0 : i32
      %dma_start3A_129 = tpu.memref_slice %arg22[%add3A_96, %dma_start3A_128] : memref<256x64xf32, #tpu.memory_space<vmem>> -> memref<1x64xf32, #tpu.memory_space<vmem>>
      %dma_start3A_130 = arith.constant 0 : i32
      %dma_start3A_131 = tpu.memref_slice %arg4[%squeeze3A_127, %dma_start3A_130] : memref<1000x64xf32, #tpu.memory_space<hbm>> -> memref<1x64xf32, #tpu.memory_space<hbm>>
      %dma_start3A_132 = arith.constant 0 : i32
      %dma_start3A_133 = tpu.memref_slice %arg22[%add3A_96, %dma_start3A_132] : memref<256x64xf32, #tpu.memory_space<vmem>> -> memref<1x64xf32, #tpu.memory_space<vmem>>
      %dma_start3A_134 = arith.constant 0 : i32
      %dma_start3A_135 = tpu.memref_slice %arg4[%squeeze3A_127, %dma_start3A_134] : memref<1000x64xf32, #tpu.memory_space<hbm>> -> memref<1x64xf32, #tpu.memory_space<hbm>>
      tpu.enqueue_dma source(%dma_start3A_135 : memref<1x64xf32, #tpu.memory_space<hbm>>) target(%dma_start3A_133 : memref<1x64xf32, #tpu.memory_space<vmem>>) target_semaphore(%arg26 : memref<!tpu.dma_semaphore, #tpu.memory_space<semaphore_mem>>)
      %mul3A_136 = arith.constant 16 : i32
      %mul3A_137 = arith.muli %add3A_78, %mul3A_136 : i32
      %add3A_138 = arith.constant 1 : i32
      %add3A_139 = arith.addi %mul3A_137, %add3A_138 : i32
      %slice3A_140 = vector.extract_strided_slice %get3A_82 {offsets = [1], sizes = [1], strides = [1]} : vector<16xi32> to vector<1xi32>
      %squeeze3A_141 = vector.extract %slice3A_140[0] : i32 from vector<1xi32>
      %ge3A_142 = arith.constant 500000 : i32
      %ge3A_143 = arith.cmpi sge, %squeeze3A_141, %ge3A_142 : i32
      %convert_element_type3A_144 = arith.extui %ge3A_143 : i1 to i32
      %mul3A_145 = arith.constant 500000 : i32
      %mul3A_146 = arith.muli %convert_element_type3A_144, %mul3A_145 : i32
      %sub3A_147 = arith.subi %squeeze3A_141, %mul3A_146 : i32
      %dma_start3A_148 = arith.constant 0 : i32
      %dma_start3A_149 = tpu.memref_slice %arg20[%add3A_139, %dma_start3A_148] : memref<256x64xf32, #tpu.memory_space<vmem>> -> memref<1x64xf32, #tpu.memory_space<vmem>>
      %dma_start3A_150 = arith.constant 0 : i32
      %dma_start3A_151 = arith.constant 0 : i32
      %dma_start3A_152 = tpu.memref_slice %arg2[%convert_element_type3A_144, %dma_start3A_150, %dma_start3A_151] : memref<2x500000x64xf32, #tpu.memory_space<hbm>> -> memref<1x500000x64xf32, #tpu.memory_space<hbm>>
      %dma_start3A_153 = tpu.memref_squeeze %dma_start3A_152 : memref<1x500000x64xf32, #tpu.memory_space<hbm>> -> memref<500000x64xf32, #tpu.memory_space<hbm>>
      %dma_start3A_154 = arith.constant 0 : i32
      %dma_start3A_155 = tpu.memref_slice %dma_start3A_153[%sub3A_147, %dma_start3A_154] : memref<500000x64xf32, #tpu.memory_space<hbm>> -> memref<1x64xf32, #tpu.memory_space<hbm>>
      %dma_start3A_156 = arith.constant 0 : i32
      %dma_start3A_157 = tpu.memref_slice %arg20[%add3A_139, %dma_start3A_156] : memref<256x64xf32, #tpu.memory_space<vmem>> -> memref<1x64xf32, #tpu.memory_space<vmem>>
      %dma_start3A_158 = arith.constant 0 : i32
      %dma_start3A_159 = arith.constant 0 : i32
      %dma_start3A_160 = tpu.memref_slice %arg2[%convert_element_type3A_144, %dma_start3A_158, %dma_start3A_159] : memref<2x500000x64xf32, #tpu.memory_space<hbm>> -> memref<1x500000x64xf32, #tpu.memory_space<hbm>>
      %dma_start3A_161 = tpu.memref_squeeze %dma_start3A_160 : memref<1x500000x64xf32, #tpu.memory_space<hbm>> -> memref<500000x64xf32, #tpu.memory_space<hbm>>
      %dma_start3A_162 = arith.constant 0 : i32
      %dma_start3A_163 = tpu.memref_slice %dma_start3A_161[%sub3A_147, %dma_start3A_162] : memref<500000x64xf32, #tpu.memory_space<hbm>> -> memref<1x64xf32, #tpu.memory_space<hbm>>
      tpu.enqueue_dma source(%dma_start3A_163 : memref<1x64xf32, #tpu.memory_space<hbm>>) target(%dma_start3A_157 : memref<1x64xf32, #tpu.memory_space<vmem>>) target_semaphore(%arg26 : memref<!tpu.dma_semaphore, #tpu.memory_space<semaphore_mem>>)
      %slice3A_164 = vector.extract_strided_slice %get3A_87 {offsets = [1], sizes = [1], strides = [1]} : vector<16xi32> to vector<1xi32>
      %squeeze3A_165 = vector.extract %slice3A_164[0] : i32 from vector<1xi32>
      %dma_start3A_166 = arith.constant 0 : i32
      %dma_start3A_167 = tpu.memref_slice %arg21[%add3A_139, %dma_start3A_166] : memref<256x64xf32, #tpu.memory_space<vmem>> -> memref<1x64xf32, #tpu.memory_space<vmem>>
      %dma_start3A_168 = arith.constant 0 : i32
      %dma_start3A_169 = tpu.memref_slice %arg3[%squeeze3A_165, %dma_start3A_168] : memref<100000x64xf32, #tpu.memory_space<hbm>> -> memref<1x64xf32, #tpu.memory_space<hbm>>
      %dma_start3A_170 = arith.constant 0 : i32
      %dma_start3A_171 = tpu.memref_slice %arg21[%add3A_139, %dma_start3A_170] : memref<256x64xf32, #tpu.memory_space<vmem>> -> memref<1x64xf32, #tpu.memory_space<vmem>>
      %dma_start3A_172 = arith.constant 0 : i32
      %dma_start3A_173 = tpu.memref_slice %arg3[%squeeze3A_165, %dma_start3A_172] : memref<100000x64xf32, #tpu.memory_space<hbm>> -> memref<1x64xf32, #tpu.memory_space<hbm>>
      tpu.enqueue_dma source(%dma_start3A_173 : memref<1x64xf32, #tpu.memory_space<hbm>>) target(%dma_start3A_171 : memref<1x64xf32, #tpu.memory_space<vmem>>) target_semaphore(%arg26 : memref<!tpu.dma_semaphore, #tpu.memory_space<semaphore_mem>>)
      %slice3A_174 = vector.extract_strided_slice %get3A_92 {offsets = [1], sizes = [1], strides = [1]} : vector<16xi32> to vector<1xi32>
      %squeeze3A_175 = vector.extract %slice3A_174[0] : i32 from vector<1xi32>
      %dma_start3A_176 = arith.constant 0 : i32
      %dma_start3A_177 = tpu.memref_slice %arg22[%add3A_139, %dma_start3A_176] : memref<256x64xf32, #tpu.memory_space<vmem>> -> memref<1x64xf32, #tpu.memory_space<vmem>>
      %dma_start3A_178 = arith.constant 0 : i32
      %dma_start3A_179 = tpu.memref_slice %arg4[%squeeze3A_175, %dma_start3A_178] : memref<1000x64xf32, #tpu.memory_space<hbm>> -> memref<1x64xf32, #tpu.memory_space<hbm>>
      %dma_start3A_180 = arith.constant 0 : i32
      %dma_start3A_181 = tpu.memref_slice %arg22[%add3A_139, %dma_start3A_180] : memref<256x64xf32, #tpu.memory_space<vmem>> -> memref<1x64xf32, #tpu.memory_space<vmem>>
      %dma_start3A_182 = arith.constant 0 : i32
      %dma_start3A_183 = tpu.memref_slice %arg4[%squeeze3A_175, %dma_start3A_182] : memref<1000x64xf32, #tpu.memory_space<hbm>> -> memref<1x64xf32, #tpu.memory_space<hbm>>
      tpu.enqueue_dma source(%dma_start3A_183 : memref<1x64xf32, #tpu.memory_space<hbm>>) target(%dma_start3A_181 : memref<1x64xf32, #tpu.memory_space<vmem>>) target_semaphore(%arg26 : memref<!tpu.dma_semaphore, #tpu.memory_space<semaphore_mem>>)
      %mul3A_184 = arith.constant 16 : i32
      %mul3A_185 = arith.muli %add3A_78, %mul3A_184 : i32
      %add3A_186 = arith.constant 2 : i32
      %add3A_187 = arith.addi %mul3A_185, %add3A_186 : i32
      %slice3A_188 = vector.extract_strided_slice %get3A_82 {offsets = [2], sizes = [1], strides = [1]} : vector<16xi32> to vector<1xi32>
      %squeeze3A_189 = vector.extract %slice3A_188[0] : i32 from vector<1xi32>
      %ge3A_190 = arith.constant 500000 : i32
      %ge3A_191 = arith.cmpi sge, %squeeze3A_189, %ge3A_190 : i32
      %convert_element_type3A_192 = arith.extui %ge3A_191 : i1 to i32
      %mul3A_193 = arith.constant 500000 : i32
      %mul3A_194 = arith.muli %convert_element_type3A_192, %mul3A_193 : i32
      %sub3A_195 = arith.subi %squeeze3A_189, %mul3A_194 : i32
      %dma_start3A_196 = arith.constant 0 : i32
      %dma_start3A_197 = tpu.memref_slice %arg20[%add3A_187, %dma_start3A_196] : memref<256x64xf32, #tpu.memory_space<vmem>> -> memref<1x64xf32, #tpu.memory_space<vmem>>
      %dma_start3A_198 = arith.constant 0 : i32
      %dma_start3A_199 = arith.constant 0 : i32
      %dma_start3A_200 = tpu.memref_slice %arg2[%convert_element_type3A_192, %dma_start3A_198, %dma_start3A_199] : memref<2x500000x64xf32, #tpu.memory_space<hbm>> -> memref<1x500000x64xf32, #tpu.memory_space<hbm>>
      %dma_start3A_201 = tpu.memref_squeeze %dma_start3A_200 : memref<1x500000x64xf32, #tpu.memory_space<hbm>> -> memref<500000x64xf32, #tpu.memory_space<hbm>>
      %dma_start3A_202 = arith.constant 0 : i32
      %dma_start3A_203 = tpu.memref_slice %dma_start3A_201[%sub3A_195, %dma_start3A_202] : memref<500000x64xf32, #tpu.memory_space<hbm>> -> memref<1x64xf32, #tpu.memory_space<hbm>>
      %dma_start3A_204 = arith.constant 0 : i32
      %dma_start3A_205 = tpu.memref_slice %arg20[%add3A_187, %dma_start3A_204] : memref<256x64xf32, #tpu.memory_space<vmem>> -> memref<1x64xf32, #tpu.memory_space<vmem>>
      %dma_start3A_206 = arith.constant 0 : i32
      %dma_start3A_207 = arith.constant 0 : i32
      %dma_start3A_208 = tpu.memref_slice %arg2[%convert_element_type3A_192, %dma_start3A_206, %dma_start3A_207] : memref<2x500000x64xf32, #tpu.memory_space<hbm>> -> memref<1x500000x64xf32, #tpu.memory_space<hbm>>
      %dma_start3A_209 = tpu.memref_squeeze %dma_start3A_208 : memref<1x500000x64xf32, #tpu.memory_space<hbm>> -> memref<500000x64xf32, #tpu.memory_space<hbm>>
      %dma_start3A_210 = arith.constant 0 : i32
      %dma_start3A_211 = tpu.memref_slice %dma_start3A_209[%sub3A_195, %dma_start3A_210] : memref<500000x64xf32, #tpu.memory_space<hbm>> -> memref<1x64xf32, #tpu.memory_space<hbm>>
      tpu.enqueue_dma source(%dma_start3A_211 : memref<1x64xf32, #tpu.memory_space<hbm>>) target(%dma_start3A_205 : memref<1x64xf32, #tpu.memory_space<vmem>>) target_semaphore(%arg26 : memref<!tpu.dma_semaphore, #tpu.memory_space<semaphore_mem>>)
      %slice3A_212 = vector.extract_strided_slice %get3A_87 {offsets = [2], sizes = [1], strides = [1]} : vector<16xi32> to vector<1xi32>
      %squeeze3A_213 = vector.extract %slice3A_212[0] : i32 from vector<1xi32>
      %dma_start3A_214 = arith.constant 0 : i32
      %dma_start3A_215 = tpu.memref_slice %arg21[%add3A_187, %dma_start3A_214] : memref<256x64xf32, #tpu.memory_space<vmem>> -> memref<1x64xf32, #tpu.memory_space<vmem>>
      %dma_start3A_216 = arith.constant 0 : i32
      %dma_start3A_217 = tpu.memref_slice %arg3[%squeeze3A_213, %dma_start3A_216] : memref<100000x64xf32, #tpu.memory_space<hbm>> -> memref<1x64xf32, #tpu.memory_space<hbm>>
      %dma_start3A_218 = arith.constant 0 : i32
      %dma_start3A_219 = tpu.memref_slice %arg21[%add3A_187, %dma_start3A_218] : memref<256x64xf32, #tpu.memory_space<vmem>> -> memref<1x64xf32, #tpu.memory_space<vmem>>
      %dma_start3A_220 = arith.constant 0 : i32
      %dma_start3A_221 = tpu.memref_slice %arg3[%squeeze3A_213, %dma_start3A_220] : memref<100000x64xf32, #tpu.memory_space<hbm>> -> memref<1x64xf32, #tpu.memory_space<hbm>>
      tpu.enqueue_dma source(%dma_start3A_221 : memref<1x64xf32, #tpu.memory_space<hbm>>) target(%dma_start3A_219 : memref<1x64xf32, #tpu.memory_space<vmem>>) target_semaphore(%arg26 : memref<!tpu.dma_semaphore, #tpu.memory_space<semaphore_mem>>)
      %slice3A_222 = vector.extract_strided_slice %get3A_92 {offsets = [2], sizes = [1], strides = [1]} : vector<16xi32> to vector<1xi32>
      %squeeze3A_223 = vector.extract %slice3A_222[0] : i32 from vector<1xi32>
      %dma_start3A_224 = arith.constant 0 : i32
      %dma_start3A_225 = tpu.memref_slice %arg22[%add3A_187, %dma_start3A_224] : memref<256x64xf32, #tpu.memory_space<vmem>> -> memref<1x64xf32, #tpu.memory_space<vmem>>
      %dma_start3A_226 = arith.constant 0 : i32
      %dma_start3A_227 = tpu.memref_slice %arg4[%squeeze3A_223, %dma_start3A_226] : memref<1000x64xf32, #tpu.memory_space<hbm>> -> memref<1x64xf32, #tpu.memory_space<hbm>>
      %dma_start3A_228 = arith.constant 0 : i32
      %dma_start3A_229 = tpu.memref_slice %arg22[%add3A_187, %dma_start3A_228] : memref<256x64xf32, #tpu.memory_space<vmem>> -> memref<1x64xf32, #tpu.memory_space<vmem>>
      %dma_start3A_230 = arith.constant 0 : i32
      %dma_start3A_231 = tpu.memref_slice %arg4[%squeeze3A_223, %dma_start3A_230] : memref<1000x64xf32, #tpu.memory_space<hbm>> -> memref<1x64xf32, #tpu.memory_space<hbm>>
      tpu.enqueue_dma source(%dma_start3A_231 : memref<1x64xf32, #tpu.memory_space<hbm>>) target(%dma_start3A_229 : memref<1x64xf32, #tpu.memory_space<vmem>>) target_semaphore(%arg26 : memref<!tpu.dma_semaphore, #tpu.memory_space<semaphore_mem>>)
      %mul3A_232 = arith.constant 16 : i32
      %mul3A_233 = arith.muli %add3A_78, %mul3A_232 : i32
      %add3A_234 = arith.constant 3 : i32
      %add3A_235 = arith.addi %mul3A_233, %add3A_234 : i32
      %slice3A_236 = vector.extract_strided_slice %get3A_82 {offsets = [3], sizes = [1], strides = [1]} : vector<16xi32> to vector<1xi32>
      %squeeze3A_237 = vector.extract %slice3A_236[0] : i32 from vector<1xi32>
      %ge3A_238 = arith.constant 500000 : i32
      %ge3A_239 = arith.cmpi sge, %squeeze3A_237, %ge3A_238 : i32
      %convert_element_type3A_240 = arith.extui %ge3A_239 : i1 to i32
      %mul3A_241 = arith.constant 500000 : i32
      %mul3A_242 = arith.muli %convert_element_type3A_240, %mul3A_241 : i32
      %sub3A_243 = arith.subi %squeeze3A_237, %mul3A_242 : i32
      %dma_start3A_244 = arith.constant 0 : i32
      %dma_start3A_245 = tpu.memref_slice %arg20[%add3A_235, %dma_start3A_244] : memref<256x64xf32, #tpu.memory_space<vmem>> -> memref<1x64xf32, #tpu.memory_space<vmem>>
      %dma_start3A_246 = arith.constant 0 : i32
      %dma_start3A_247 = arith.constant 0 : i32
      %dma_start3A_248 = tpu.memref_slice %arg2[%convert_element_type3A_240, %dma_start3A_246, %dma_start3A_247] : memref<2x500000x64xf32, #tpu.memory_space<hbm>> -> memref<1x500000x64xf32, #tpu.memory_space<hbm>>
      %dma_start3A_249 = tpu.memref_squeeze %dma_start3A_248 : memref<1x500000x64xf32, #tpu.memory_space<hbm>> -> memref<500000x64xf32, #tpu.memory_space<hbm>>
      %dma_start3A_250 = arith.constant 0 : i32
      %dma_start3A_251 = tpu.memref_slice %dma_start3A_249[%sub3A_243, %dma_start3A_250] : memref<500000x64xf32, #tpu.memory_space<hbm>> -> memref<1x64xf32, #tpu.memory_space<hbm>>
      %dma_start3A_252 = arith.constant 0 : i32
      %dma_start3A_253 = tpu.memref_slice %arg20[%add3A_235, %dma_start3A_252] : memref<256x64xf32, #tpu.memory_space<vmem>> -> memref<1x64xf32, #tpu.memory_space<vmem>>
      %dma_start3A_254 = arith.constant 0 : i32
      %dma_start3A_255 = arith.constant 0 : i32
      %dma_start3A_256 = tpu.memref_slice %arg2[%convert_element_type3A_240, %dma_start3A_254, %dma_start3A_255] : memref<2x500000x64xf32, #tpu.memory_space<hbm>> -> memref<1x500000x64xf32, #tpu.memory_space<hbm>>
      %dma_start3A_257 = tpu.memref_squeeze %dma_start3A_256 : memref<1x500000x64xf32, #tpu.memory_space<hbm>> -> memref<500000x64xf32, #tpu.memory_space<hbm>>
      %dma_start3A_258 = arith.constant 0 : i32
      %dma_start3A_259 = tpu.memref_slice %dma_start3A_257[%sub3A_243, %dma_start3A_258] : memref<500000x64xf32, #tpu.memory_space<hbm>> -> memref<1x64xf32, #tpu.memory_space<hbm>>
      tpu.enqueue_dma source(%dma_start3A_259 : memref<1x64xf32, #tpu.memory_space<hbm>>) target(%dma_start3A_253 : memref<1x64xf32, #tpu.memory_space<vmem>>) target_semaphore(%arg26 : memref<!tpu.dma_semaphore, #tpu.memory_space<semaphore_mem>>)
      %slice3A_260 = vector.extract_strided_slice %get3A_87 {offsets = [3], sizes = [1], strides = [1]} : vector<16xi32> to vector<1xi32>
      %squeeze3A_261 = vector.extract %slice3A_260[0] : i32 from vector<1xi32>
      %dma_start3A_262 = arith.constant 0 : i32
      %dma_start3A_263 = tpu.memref_slice %arg21[%add3A_235, %dma_start3A_262] : memref<256x64xf32, #tpu.memory_space<vmem>> -> memref<1x64xf32, #tpu.memory_space<vmem>>
      %dma_start3A_264 = arith.constant 0 : i32
      %dma_start3A_265 = tpu.memref_slice %arg3[%squeeze3A_261, %dma_start3A_264] : memref<100000x64xf32, #tpu.memory_space<hbm>> -> memref<1x64xf32, #tpu.memory_space<hbm>>
      %dma_start3A_266 = arith.constant 0 : i32
      %dma_start3A_267 = tpu.memref_slice %arg21[%add3A_235, %dma_start3A_266] : memref<256x64xf32, #tpu.memory_space<vmem>> -> memref<1x64xf32, #tpu.memory_space<vmem>>
      %dma_start3A_268 = arith.constant 0 : i32
      %dma_start3A_269 = tpu.memref_slice %arg3[%squeeze3A_261, %dma_start3A_268] : memref<100000x64xf32, #tpu.memory_space<hbm>> -> memref<1x64xf32, #tpu.memory_space<hbm>>
      tpu.enqueue_dma source(%dma_start3A_269 : memref<1x64xf32, #tpu.memory_space<hbm>>) target(%dma_start3A_267 : memref<1x64xf32, #tpu.memory_space<vmem>>) target_semaphore(%arg26 : memref<!tpu.dma_semaphore, #tpu.memory_space<semaphore_mem>>)
      %slice3A_270 = vector.extract_strided_slice %get3A_92 {offsets = [3], sizes = [1], strides = [1]} : vector<16xi32> to vector<1xi32>
      %squeeze3A_271 = vector.extract %slice3A_270[0] : i32 from vector<1xi32>
      %dma_start3A_272 = arith.constant 0 : i32
      %dma_start3A_273 = tpu.memref_slice %arg22[%add3A_235, %dma_start3A_272] : memref<256x64xf32, #tpu.memory_space<vmem>> -> memref<1x64xf32, #tpu.memory_space<vmem>>
      %dma_start3A_274 = arith.constant 0 : i32
      %dma_start3A_275 = tpu.memref_slice %arg4[%squeeze3A_271, %dma_start3A_274] : memref<1000x64xf32, #tpu.memory_space<hbm>> -> memref<1x64xf32, #tpu.memory_space<hbm>>
      %dma_start3A_276 = arith.constant 0 : i32
      %dma_start3A_277 = tpu.memref_slice %arg22[%add3A_235, %dma_start3A_276] : memref<256x64xf32, #tpu.memory_space<vmem>> -> memref<1x64xf32, #tpu.memory_space<vmem>>
      %dma_start3A_278 = arith.constant 0 : i32
      %dma_start3A_279 = tpu.memref_slice %arg4[%squeeze3A_271, %dma_start3A_278] : memref<1000x64xf32, #tpu.memory_space<hbm>> -> memref<1x64xf32, #tpu.memory_space<hbm>>
      tpu.enqueue_dma source(%dma_start3A_279 : memref<1x64xf32, #tpu.memory_space<hbm>>) target(%dma_start3A_277 : memref<1x64xf32, #tpu.memory_space<vmem>>) target_semaphore(%arg26 : memref<!tpu.dma_semaphore, #tpu.memory_space<semaphore_mem>>)
      %mul3A_280 = arith.constant 16 : i32
      %mul3A_281 = arith.muli %add3A_78, %mul3A_280 : i32
      %add3A_282 = arith.constant 4 : i32
      %add3A_283 = arith.addi %mul3A_281, %add3A_282 : i32
      %slice3A_284 = vector.extract_strided_slice %get3A_82 {offsets = [4], sizes = [1], strides = [1]} : vector<16xi32> to vector<1xi32>
      %squeeze3A_285 = vector.extract %slice3A_284[0] : i32 from vector<1xi32>
      %ge3A_286 = arith.constant 500000 : i32
      %ge3A_287 = arith.cmpi sge, %squeeze3A_285, %ge3A_286 : i32
      %convert_element_type3A_288 = arith.extui %ge3A_287 : i1 to i32
      %mul3A_289 = arith.constant 500000 : i32
      %mul3A_290 = arith.muli %convert_element_type3A_288, %mul3A_289 : i32
      %sub3A_291 = arith.subi %squeeze3A_285, %mul3A_290 : i32
      %dma_start3A_292 = arith.constant 0 : i32
      %dma_start3A_293 = tpu.memref_slice %arg20[%add3A_283, %dma_start3A_292] : memref<256x64xf32, #tpu.memory_space<vmem>> -> memref<1x64xf32, #tpu.memory_space<vmem>>
      %dma_start3A_294 = arith.constant 0 : i32
      %dma_start3A_295 = arith.constant 0 : i32
      %dma_start3A_296 = tpu.memref_slice %arg2[%convert_element_type3A_288, %dma_start3A_294, %dma_start3A_295] : memref<2x500000x64xf32, #tpu.memory_space<hbm>> -> memref<1x500000x64xf32, #tpu.memory_space<hbm>>
      %dma_start3A_297 = tpu.memref_squeeze %dma_start3A_296 : memref<1x500000x64xf32, #tpu.memory_space<hbm>> -> memref<500000x64xf32, #tpu.memory_space<hbm>>
      %dma_start3A_298 = arith.constant 0 : i32
      %dma_start3A_299 = tpu.memref_slice %dma_start3A_297[%sub3A_291, %dma_start3A_298] : memref<500000x64xf32, #tpu.memory_space<hbm>> -> memref<1x64xf32, #tpu.memory_space<hbm>>
      %dma_start3A_300 = arith.constant 0 : i32
      %dma_start3A_301 = tpu.memref_slice %arg20[%add3A_283, %dma_start3A_300] : memref<256x64xf32, #tpu.memory_space<vmem>> -> memref<1x64xf32, #tpu.memory_space<vmem>>
      %dma_start3A_302 = arith.constant 0 : i32
      %dma_start3A_303 = arith.constant 0 : i32
      %dma_start3A_304 = tpu.memref_slice %arg2[%convert_element_type3A_288, %dma_start3A_302, %dma_start3A_303] : memref<2x500000x64xf32, #tpu.memory_space<hbm>> -> memref<1x500000x64xf32, #tpu.memory_space<hbm>>
      %dma_start3A_305 = tpu.memref_squeeze %dma_start3A_304 : memref<1x500000x64xf32, #tpu.memory_space<hbm>> -> memref<500000x64xf32, #tpu.memory_space<hbm>>
      %dma_start3A_306 = arith.constant 0 : i32
      %dma_start3A_307 = tpu.memref_slice %dma_start3A_305[%sub3A_291, %dma_start3A_306] : memref<500000x64xf32, #tpu.memory_space<hbm>> -> memref<1x64xf32, #tpu.memory_space<hbm>>
      tpu.enqueue_dma source(%dma_start3A_307 : memref<1x64xf32, #tpu.memory_space<hbm>>) target(%dma_start3A_301 : memref<1x64xf32, #tpu.memory_space<vmem>>) target_semaphore(%arg26 : memref<!tpu.dma_semaphore, #tpu.memory_space<semaphore_mem>>)
      %slice3A_308 = vector.extract_strided_slice %get3A_87 {offsets = [4], sizes = [1], strides = [1]} : vector<16xi32> to vector<1xi32>
      %squeeze3A_309 = vector.extract %slice3A_308[0] : i32 from vector<1xi32>
      %dma_start3A_310 = arith.constant 0 : i32
      %dma_start3A_311 = tpu.memref_slice %arg21[%add3A_283, %dma_start3A_310] : memref<256x64xf32, #tpu.memory_space<vmem>> -> memref<1x64xf32, #tpu.memory_space<vmem>>
      %dma_start3A_312 = arith.constant 0 : i32
      %dma_start3A_313 = tpu.memref_slice %arg3[%squeeze3A_309, %dma_start3A_312] : memref<100000x64xf32, #tpu.memory_space<hbm>> -> memref<1x64xf32, #tpu.memory_space<hbm>>
      %dma_start3A_314 = arith.constant 0 : i32
      %dma_start3A_315 = tpu.memref_slice %arg21[%add3A_283, %dma_start3A_314] : memref<256x64xf32, #tpu.memory_space<vmem>> -> memref<1x64xf32, #tpu.memory_space<vmem>>
      %dma_start3A_316 = arith.constant 0 : i32
      %dma_start3A_317 = tpu.memref_slice %arg3[%squeeze3A_309, %dma_start3A_316] : memref<100000x64xf32, #tpu.memory_space<hbm>> -> memref<1x64xf32, #tpu.memory_space<hbm>>
      tpu.enqueue_dma source(%dma_start3A_317 : memref<1x64xf32, #tpu.memory_space<hbm>>) target(%dma_start3A_315 : memref<1x64xf32, #tpu.memory_space<vmem>>) target_semaphore(%arg26 : memref<!tpu.dma_semaphore, #tpu.memory_space<semaphore_mem>>)
      %slice3A_318 = vector.extract_strided_slice %get3A_92 {offsets = [4], sizes = [1], strides = [1]} : vector<16xi32> to vector<1xi32>
      %squeeze3A_319 = vector.extract %slice3A_318[0] : i32 from vector<1xi32>
      %dma_start3A_320 = arith.constant 0 : i32
      %dma_start3A_321 = tpu.memref_slice %arg22[%add3A_283, %dma_start3A_320] : memref<256x64xf32, #tpu.memory_space<vmem>> -> memref<1x64xf32, #tpu.memory_space<vmem>>
      %dma_start3A_322 = arith.constant 0 : i32
      %dma_start3A_323 = tpu.memref_slice %arg4[%squeeze3A_319, %dma_start3A_322] : memref<1000x64xf32, #tpu.memory_space<hbm>> -> memref<1x64xf32, #tpu.memory_space<hbm>>
      %dma_start3A_324 = arith.constant 0 : i32
      %dma_start3A_325 = tpu.memref_slice %arg22[%add3A_283, %dma_start3A_324] : memref<256x64xf32, #tpu.memory_space<vmem>> -> memref<1x64xf32, #tpu.memory_space<vmem>>
      %dma_start3A_326 = arith.constant 0 : i32
      %dma_start3A_327 = tpu.memref_slice %arg4[%squeeze3A_319, %dma_start3A_326] : memref<1000x64xf32, #tpu.memory_space<hbm>> -> memref<1x64xf32, #tpu.memory_space<hbm>>
      tpu.enqueue_dma source(%dma_start3A_327 : memref<1x64xf32, #tpu.memory_space<hbm>>) target(%dma_start3A_325 : memref<1x64xf32, #tpu.memory_space<vmem>>) target_semaphore(%arg26 : memref<!tpu.dma_semaphore, #tpu.memory_space<semaphore_mem>>)
      %mul3A_328 = arith.constant 16 : i32
      %mul3A_329 = arith.muli %add3A_78, %mul3A_328 : i32
      %add3A_330 = arith.constant 5 : i32
      %add3A_331 = arith.addi %mul3A_329, %add3A_330 : i32
      %slice3A_332 = vector.extract_strided_slice %get3A_82 {offsets = [5], sizes = [1], strides = [1]} : vector<16xi32> to vector<1xi32>
      %squeeze3A_333 = vector.extract %slice3A_332[0] : i32 from vector<1xi32>
      %ge3A_334 = arith.constant 500000 : i32
      %ge3A_335 = arith.cmpi sge, %squeeze3A_333, %ge3A_334 : i32
      %convert_element_type3A_336 = arith.extui %ge3A_335 : i1 to i32
      %mul3A_337 = arith.constant 500000 : i32
      %mul3A_338 = arith.muli %convert_element_type3A_336, %mul3A_337 : i32
      %sub3A_339 = arith.subi %squeeze3A_333, %mul3A_338 : i32
      %dma_start3A_340 = arith.constant 0 : i32
      %dma_start3A_341 = tpu.memref_slice %arg20[%add3A_331, %dma_start3A_340] : memref<256x64xf32, #tpu.memory_space<vmem>> -> memref<1x64xf32, #tpu.memory_space<vmem>>
      %dma_start3A_342 = arith.constant 0 : i32
      %dma_start3A_343 = arith.constant 0 : i32
      %dma_start3A_344 = tpu.memref_slice %arg2[%convert_element_type3A_336, %dma_start3A_342, %dma_start3A_343] : memref<2x500000x64xf32, #tpu.memory_space<hbm>> -> memref<1x500000x64xf32, #tpu.memory_space<hbm>>
      %dma_start3A_345 = tpu.memref_squeeze %dma_start3A_344 : memref<1x500000x64xf32, #tpu.memory_space<hbm>> -> memref<500000x64xf32, #tpu.memory_space<hbm>>
      %dma_start3A_346 = arith.constant 0 : i32
      %dma_start3A_347 = tpu.memref_slice %dma_start3A_345[%sub3A_339, %dma_start3A_346] : memref<500000x64xf32, #tpu.memory_space<hbm>> -> memref<1x64xf32, #tpu.memory_space<hbm>>
      %dma_start3A_348 = arith.constant 0 : i32
      %dma_start3A_349 = tpu.memref_slice %arg20[%add3A_331, %dma_start3A_348] : memref<256x64xf32, #tpu.memory_space<vmem>> -> memref<1x64xf32, #tpu.memory_space<vmem>>
      %dma_start3A_350 = arith.constant 0 : i32
      %dma_start3A_351 = arith.constant 0 : i32
      %dma_start3A_352 = tpu.memref_slice %arg2[%convert_element_type3A_336, %dma_start3A_350, %dma_start3A_351] : memref<2x500000x64xf32, #tpu.memory_space<hbm>> -> memref<1x500000x64xf32, #tpu.memory_space<hbm>>
      %dma_start3A_353 = tpu.memref_squeeze %dma_start3A_352 : memref<1x500000x64xf32, #tpu.memory_space<hbm>> -> memref<500000x64xf32, #tpu.memory_space<hbm>>
      %dma_start3A_354 = arith.constant 0 : i32
      %dma_start3A_355 = tpu.memref_slice %dma_start3A_353[%sub3A_339, %dma_start3A_354] : memref<500000x64xf32, #tpu.memory_space<hbm>> -> memref<1x64xf32, #tpu.memory_space<hbm>>
      tpu.enqueue_dma source(%dma_start3A_355 : memref<1x64xf32, #tpu.memory_space<hbm>>) target(%dma_start3A_349 : memref<1x64xf32, #tpu.memory_space<vmem>>) target_semaphore(%arg26 : memref<!tpu.dma_semaphore, #tpu.memory_space<semaphore_mem>>)
      %slice3A_356 = vector.extract_strided_slice %get3A_87 {offsets = [5], sizes = [1], strides = [1]} : vector<16xi32> to vector<1xi32>
      %squeeze3A_357 = vector.extract %slice3A_356[0] : i32 from vector<1xi32>
      %dma_start3A_358 = arith.constant 0 : i32
      %dma_start3A_359 = tpu.memref_slice %arg21[%add3A_331, %dma_start3A_358] : memref<256x64xf32, #tpu.memory_space<vmem>> -> memref<1x64xf32, #tpu.memory_space<vmem>>
      %dma_start3A_360 = arith.constant 0 : i32
      %dma_start3A_361 = tpu.memref_slice %arg3[%squeeze3A_357, %dma_start3A_360] : memref<100000x64xf32, #tpu.memory_space<hbm>> -> memref<1x64xf32, #tpu.memory_space<hbm>>
      %dma_start3A_362 = arith.constant 0 : i32
      %dma_start3A_363 = tpu.memref_slice %arg21[%add3A_331, %dma_start3A_362] : memref<256x64xf32, #tpu.memory_space<vmem>> -> memref<1x64xf32, #tpu.memory_space<vmem>>
      %dma_start3A_364 = arith.constant 0 : i32
      %dma_start3A_365 = tpu.memref_slice %arg3[%squeeze3A_357, %dma_start3A_364] : memref<100000x64xf32, #tpu.memory_space<hbm>> -> memref<1x64xf32, #tpu.memory_space<hbm>>
      tpu.enqueue_dma source(%dma_start3A_365 : memref<1x64xf32, #tpu.memory_space<hbm>>) target(%dma_start3A_363 : memref<1x64xf32, #tpu.memory_space<vmem>>) target_semaphore(%arg26 : memref<!tpu.dma_semaphore, #tpu.memory_space<semaphore_mem>>)
      %slice3A_366 = vector.extract_strided_slice %get3A_92 {offsets = [5], sizes = [1], strides = [1]} : vector<16xi32> to vector<1xi32>
      %squeeze3A_367 = vector.extract %slice3A_366[0] : i32 from vector<1xi32>
      %dma_start3A_368 = arith.constant 0 : i32
      %dma_start3A_369 = tpu.memref_slice %arg22[%add3A_331, %dma_start3A_368] : memref<256x64xf32, #tpu.memory_space<vmem>> -> memref<1x64xf32, #tpu.memory_space<vmem>>
      %dma_start3A_370 = arith.constant 0 : i32
      %dma_start3A_371 = tpu.memref_slice %arg4[%squeeze3A_367, %dma_start3A_370] : memref<1000x64xf32, #tpu.memory_space<hbm>> -> memref<1x64xf32, #tpu.memory_space<hbm>>
      %dma_start3A_372 = arith.constant 0 : i32
      %dma_start3A_373 = tpu.memref_slice %arg22[%add3A_331, %dma_start3A_372] : memref<256x64xf32, #tpu.memory_space<vmem>> -> memref<1x64xf32, #tpu.memory_space<vmem>>
      %dma_start3A_374 = arith.constant 0 : i32
      %dma_start3A_375 = tpu.memref_slice %arg4[%squeeze3A_367, %dma_start3A_374] : memref<1000x64xf32, #tpu.memory_space<hbm>> -> memref<1x64xf32, #tpu.memory_space<hbm>>
      tpu.enqueue_dma source(%dma_start3A_375 : memref<1x64xf32, #tpu.memory_space<hbm>>) target(%dma_start3A_373 : memref<1x64xf32, #tpu.memory_space<vmem>>) target_semaphore(%arg26 : memref<!tpu.dma_semaphore, #tpu.memory_space<semaphore_mem>>)
      %mul3A_376 = arith.constant 16 : i32
      %mul3A_377 = arith.muli %add3A_78, %mul3A_376 : i32
      %add3A_378 = arith.constant 6 : i32
      %add3A_379 = arith.addi %mul3A_377, %add3A_378 : i32
      %slice3A_380 = vector.extract_strided_slice %get3A_82 {offsets = [6], sizes = [1], strides = [1]} : vector<16xi32> to vector<1xi32>
      %squeeze3A_381 = vector.extract %slice3A_380[0] : i32 from vector<1xi32>
      %ge3A_382 = arith.constant 500000 : i32
      %ge3A_383 = arith.cmpi sge, %squeeze3A_381, %ge3A_382 : i32
      %convert_element_type3A_384 = arith.extui %ge3A_383 : i1 to i32
      %mul3A_385 = arith.constant 500000 : i32
      %mul3A_386 = arith.muli %convert_element_type3A_384, %mul3A_385 : i32
      %sub3A_387 = arith.subi %squeeze3A_381, %mul3A_386 : i32
      %dma_start3A_388 = arith.constant 0 : i32
      %dma_start3A_389 = tpu.memref_slice %arg20[%add3A_379, %dma_start3A_388] : memref<256x64xf32, #tpu.memory_space<vmem>> -> memref<1x64xf32, #tpu.memory_space<vmem>>
      %dma_start3A_390 = arith.constant 0 : i32
      %dma_start3A_391 = arith.constant 0 : i32
      %dma_start3A_392 = tpu.memref_slice %arg2[%convert_element_type3A_384, %dma_start3A_390, %dma_start3A_391] : memref<2x500000x64xf32, #tpu.memory_space<hbm>> -> memref<1x500000x64xf32, #tpu.memory_space<hbm>>
      %dma_start3A_393 = tpu.memref_squeeze %dma_start3A_392 : memref<1x500000x64xf32, #tpu.memory_space<hbm>> -> memref<500000x64xf32, #tpu.memory_space<hbm>>
      %dma_start3A_394 = arith.constant 0 : i32
      %dma_start3A_395 = tpu.memref_slice %dma_start3A_393[%sub3A_387, %dma_start3A_394] : memref<500000x64xf32, #tpu.memory_space<hbm>> -> memref<1x64xf32, #tpu.memory_space<hbm>>
      %dma_start3A_396 = arith.constant 0 : i32
      %dma_start3A_397 = tpu.memref_slice %arg20[%add3A_379, %dma_start3A_396] : memref<256x64xf32, #tpu.memory_space<vmem>> -> memref<1x64xf32, #tpu.memory_space<vmem>>
      %dma_start3A_398 = arith.constant 0 : i32
      %dma_start3A_399 = arith.constant 0 : i32
      %dma_start3A_400 = tpu.memref_slice %arg2[%convert_element_type3A_384, %dma_start3A_398, %dma_start3A_399] : memref<2x500000x64xf32, #tpu.memory_space<hbm>> -> memref<1x500000x64xf32, #tpu.memory_space<hbm>>
      %dma_start3A_401 = tpu.memref_squeeze %dma_start3A_400 : memref<1x500000x64xf32, #tpu.memory_space<hbm>> -> memref<500000x64xf32, #tpu.memory_space<hbm>>
      %dma_start3A_402 = arith.constant 0 : i32
      %dma_start3A_403 = tpu.memref_slice %dma_start3A_401[%sub3A_387, %dma_start3A_402] : memref<500000x64xf32, #tpu.memory_space<hbm>> -> memref<1x64xf32, #tpu.memory_space<hbm>>
      tpu.enqueue_dma source(%dma_start3A_403 : memref<1x64xf32, #tpu.memory_space<hbm>>) target(%dma_start3A_397 : memref<1x64xf32, #tpu.memory_space<vmem>>) target_semaphore(%arg26 : memref<!tpu.dma_semaphore, #tpu.memory_space<semaphore_mem>>)
      %slice3A_404 = vector.extract_strided_slice %get3A_87 {offsets = [6], sizes = [1], strides = [1]} : vector<16xi32> to vector<1xi32>
      %squeeze3A_405 = vector.extract %slice3A_404[0] : i32 from vector<1xi32>
      %dma_start3A_406 = arith.constant 0 : i32
      %dma_start3A_407 = tpu.memref_slice %arg21[%add3A_379, %dma_start3A_406] : memref<256x64xf32, #tpu.memory_space<vmem>> -> memref<1x64xf32, #tpu.memory_space<vmem>>
      %dma_start3A_408 = arith.constant 0 : i32
      %dma_start3A_409 = tpu.memref_slice %arg3[%squeeze3A_405, %dma_start3A_408] : memref<100000x64xf32, #tpu.memory_space<hbm>> -> memref<1x64xf32, #tpu.memory_space<hbm>>
      %dma_start3A_410 = arith.constant 0 : i32
      %dma_start3A_411 = tpu.memref_slice %arg21[%add3A_379, %dma_start3A_410] : memref<256x64xf32, #tpu.memory_space<vmem>> -> memref<1x64xf32, #tpu.memory_space<vmem>>
      %dma_start3A_412 = arith.constant 0 : i32
      %dma_start3A_413 = tpu.memref_slice %arg3[%squeeze3A_405, %dma_start3A_412] : memref<100000x64xf32, #tpu.memory_space<hbm>> -> memref<1x64xf32, #tpu.memory_space<hbm>>
      tpu.enqueue_dma source(%dma_start3A_413 : memref<1x64xf32, #tpu.memory_space<hbm>>) target(%dma_start3A_411 : memref<1x64xf32, #tpu.memory_space<vmem>>) target_semaphore(%arg26 : memref<!tpu.dma_semaphore, #tpu.memory_space<semaphore_mem>>)
      %slice3A_414 = vector.extract_strided_slice %get3A_92 {offsets = [6], sizes = [1], strides = [1]} : vector<16xi32> to vector<1xi32>
      %squeeze3A_415 = vector.extract %slice3A_414[0] : i32 from vector<1xi32>
      %dma_start3A_416 = arith.constant 0 : i32
      %dma_start3A_417 = tpu.memref_slice %arg22[%add3A_379, %dma_start3A_416] : memref<256x64xf32, #tpu.memory_space<vmem>> -> memref<1x64xf32, #tpu.memory_space<vmem>>
      %dma_start3A_418 = arith.constant 0 : i32
      %dma_start3A_419 = tpu.memref_slice %arg4[%squeeze3A_415, %dma_start3A_418] : memref<1000x64xf32, #tpu.memory_space<hbm>> -> memref<1x64xf32, #tpu.memory_space<hbm>>
      %dma_start3A_420 = arith.constant 0 : i32
      %dma_start3A_421 = tpu.memref_slice %arg22[%add3A_379, %dma_start3A_420] : memref<256x64xf32, #tpu.memory_space<vmem>> -> memref<1x64xf32, #tpu.memory_space<vmem>>
      %dma_start3A_422 = arith.constant 0 : i32
      %dma_start3A_423 = tpu.memref_slice %arg4[%squeeze3A_415, %dma_start3A_422] : memref<1000x64xf32, #tpu.memory_space<hbm>> -> memref<1x64xf32, #tpu.memory_space<hbm>>
      tpu.enqueue_dma source(%dma_start3A_423 : memref<1x64xf32, #tpu.memory_space<hbm>>) target(%dma_start3A_421 : memref<1x64xf32, #tpu.memory_space<vmem>>) target_semaphore(%arg26 : memref<!tpu.dma_semaphore, #tpu.memory_space<semaphore_mem>>)
      %mul3A_424 = arith.constant 16 : i32
      %mul3A_425 = arith.muli %add3A_78, %mul3A_424 : i32
      %add3A_426 = arith.constant 7 : i32
      %add3A_427 = arith.addi %mul3A_425, %add3A_426 : i32
      %slice3A_428 = vector.extract_strided_slice %get3A_82 {offsets = [7], sizes = [1], strides = [1]} : vector<16xi32> to vector<1xi32>
      %squeeze3A_429 = vector.extract %slice3A_428[0] : i32 from vector<1xi32>
      %ge3A_430 = arith.constant 500000 : i32
      %ge3A_431 = arith.cmpi sge, %squeeze3A_429, %ge3A_430 : i32
      %convert_element_type3A_432 = arith.extui %ge3A_431 : i1 to i32
      %mul3A_433 = arith.constant 500000 : i32
      %mul3A_434 = arith.muli %convert_element_type3A_432, %mul3A_433 : i32
      %sub3A_435 = arith.subi %squeeze3A_429, %mul3A_434 : i32
      %dma_start3A_436 = arith.constant 0 : i32
      %dma_start3A_437 = tpu.memref_slice %arg20[%add3A_427, %dma_start3A_436] : memref<256x64xf32, #tpu.memory_space<vmem>> -> memref<1x64xf32, #tpu.memory_space<vmem>>
      %dma_start3A_438 = arith.constant 0 : i32
      %dma_start3A_439 = arith.constant 0 : i32
      %dma_start3A_440 = tpu.memref_slice %arg2[%convert_element_type3A_432, %dma_start3A_438, %dma_start3A_439] : memref<2x500000x64xf32, #tpu.memory_space<hbm>> -> memref<1x500000x64xf32, #tpu.memory_space<hbm>>
      %dma_start3A_441 = tpu.memref_squeeze %dma_start3A_440 : memref<1x500000x64xf32, #tpu.memory_space<hbm>> -> memref<500000x64xf32, #tpu.memory_space<hbm>>
      %dma_start3A_442 = arith.constant 0 : i32
      %dma_start3A_443 = tpu.memref_slice %dma_start3A_441[%sub3A_435, %dma_start3A_442] : memref<500000x64xf32, #tpu.memory_space<hbm>> -> memref<1x64xf32, #tpu.memory_space<hbm>>
      %dma_start3A_444 = arith.constant 0 : i32
      %dma_start3A_445 = tpu.memref_slice %arg20[%add3A_427, %dma_start3A_444] : memref<256x64xf32, #tpu.memory_space<vmem>> -> memref<1x64xf32, #tpu.memory_space<vmem>>
      %dma_start3A_446 = arith.constant 0 : i32
      %dma_start3A_447 = arith.constant 0 : i32
      %dma_start3A_448 = tpu.memref_slice %arg2[%convert_element_type3A_432, %dma_start3A_446, %dma_start3A_447] : memref<2x500000x64xf32, #tpu.memory_space<hbm>> -> memref<1x500000x64xf32, #tpu.memory_space<hbm>>
      %dma_start3A_449 = tpu.memref_squeeze %dma_start3A_448 : memref<1x500000x64xf32, #tpu.memory_space<hbm>> -> memref<500000x64xf32, #tpu.memory_space<hbm>>
      %dma_start3A_450 = arith.constant 0 : i32
      %dma_start3A_451 = tpu.memref_slice %dma_start3A_449[%sub3A_435, %dma_start3A_450] : memref<500000x64xf32, #tpu.memory_space<hbm>> -> memref<1x64xf32, #tpu.memory_space<hbm>>
      tpu.enqueue_dma source(%dma_start3A_451 : memref<1x64xf32, #tpu.memory_space<hbm>>) target(%dma_start3A_445 : memref<1x64xf32, #tpu.memory_space<vmem>>) target_semaphore(%arg26 : memref<!tpu.dma_semaphore, #tpu.memory_space<semaphore_mem>>)
      %slice3A_452 = vector.extract_strided_slice %get3A_87 {offsets = [7], sizes = [1], strides = [1]} : vector<16xi32> to vector<1xi32>
      %squeeze3A_453 = vector.extract %slice3A_452[0] : i32 from vector<1xi32>
      %dma_start3A_454 = arith.constant 0 : i32
      %dma_start3A_455 = tpu.memref_slice %arg21[%add3A_427, %dma_start3A_454] : memref<256x64xf32, #tpu.memory_space<vmem>> -> memref<1x64xf32, #tpu.memory_space<vmem>>
      %dma_start3A_456 = arith.constant 0 : i32
      %dma_start3A_457 = tpu.memref_slice %arg3[%squeeze3A_453, %dma_start3A_456] : memref<100000x64xf32, #tpu.memory_space<hbm>> -> memref<1x64xf32, #tpu.memory_space<hbm>>
      %dma_start3A_458 = arith.constant 0 : i32
      %dma_start3A_459 = tpu.memref_slice %arg21[%add3A_427, %dma_start3A_458] : memref<256x64xf32, #tpu.memory_space<vmem>> -> memref<1x64xf32, #tpu.memory_space<vmem>>
      %dma_start3A_460 = arith.constant 0 : i32
      %dma_start3A_461 = tpu.memref_slice %arg3[%squeeze3A_453, %dma_start3A_460] : memref<100000x64xf32, #tpu.memory_space<hbm>> -> memref<1x64xf32, #tpu.memory_space<hbm>>
      tpu.enqueue_dma source(%dma_start3A_461 : memref<1x64xf32, #tpu.memory_space<hbm>>) target(%dma_start3A_459 : memref<1x64xf32, #tpu.memory_space<vmem>>) target_semaphore(%arg26 : memref<!tpu.dma_semaphore, #tpu.memory_space<semaphore_mem>>)
      %slice3A_462 = vector.extract_strided_slice %get3A_92 {offsets = [7], sizes = [1], strides = [1]} : vector<16xi32> to vector<1xi32>
      %squeeze3A_463 = vector.extract %slice3A_462[0] : i32 from vector<1xi32>
      %dma_start3A_464 = arith.constant 0 : i32
      %dma_start3A_465 = tpu.memref_slice %arg22[%add3A_427, %dma_start3A_464] : memref<256x64xf32, #tpu.memory_space<vmem>> -> memref<1x64xf32, #tpu.memory_space<vmem>>
      %dma_start3A_466 = arith.constant 0 : i32
      %dma_start3A_467 = tpu.memref_slice %arg4[%squeeze3A_463, %dma_start3A_466] : memref<1000x64xf32, #tpu.memory_space<hbm>> -> memref<1x64xf32, #tpu.memory_space<hbm>>
      %dma_start3A_468 = arith.constant 0 : i32
      %dma_start3A_469 = tpu.memref_slice %arg22[%add3A_427, %dma_start3A_468] : memref<256x64xf32, #tpu.memory_space<vmem>> -> memref<1x64xf32, #tpu.memory_space<vmem>>
      %dma_start3A_470 = arith.constant 0 : i32
      %dma_start3A_471 = tpu.memref_slice %arg4[%squeeze3A_463, %dma_start3A_470] : memref<1000x64xf32, #tpu.memory_space<hbm>> -> memref<1x64xf32, #tpu.memory_space<hbm>>
      tpu.enqueue_dma source(%dma_start3A_471 : memref<1x64xf32, #tpu.memory_space<hbm>>) target(%dma_start3A_469 : memref<1x64xf32, #tpu.memory_space<vmem>>) target_semaphore(%arg26 : memref<!tpu.dma_semaphore, #tpu.memory_space<semaphore_mem>>)
      %mul3A_472 = arith.constant 16 : i32
      %mul3A_473 = arith.muli %add3A_78, %mul3A_472 : i32
      %add3A_474 = arith.constant 8 : i32
      %add3A_475 = arith.addi %mul3A_473, %add3A_474 : i32
      %slice3A_476 = vector.extract_strided_slice %get3A_82 {offsets = [8], sizes = [1], strides = [1]} : vector<16xi32> to vector<1xi32>
      %squeeze3A_477 = vector.extract %slice3A_476[0] : i32 from vector<1xi32>
      %ge3A_478 = arith.constant 500000 : i32
      %ge3A_479 = arith.cmpi sge, %squeeze3A_477, %ge3A_478 : i32
      %convert_element_type3A_480 = arith.extui %ge3A_479 : i1 to i32
      %mul3A_481 = arith.constant 500000 : i32
      %mul3A_482 = arith.muli %convert_element_type3A_480, %mul3A_481 : i32
      %sub3A_483 = arith.subi %squeeze3A_477, %mul3A_482 : i32
      %dma_start3A_484 = arith.constant 0 : i32
      %dma_start3A_485 = tpu.memref_slice %arg20[%add3A_475, %dma_start3A_484] : memref<256x64xf32, #tpu.memory_space<vmem>> -> memref<1x64xf32, #tpu.memory_space<vmem>>
      %dma_start3A_486 = arith.constant 0 : i32
      %dma_start3A_487 = arith.constant 0 : i32
      %dma_start3A_488 = tpu.memref_slice %arg2[%convert_element_type3A_480, %dma_start3A_486, %dma_start3A_487] : memref<2x500000x64xf32, #tpu.memory_space<hbm>> -> memref<1x500000x64xf32, #tpu.memory_space<hbm>>
      %dma_start3A_489 = tpu.memref_squeeze %dma_start3A_488 : memref<1x500000x64xf32, #tpu.memory_space<hbm>> -> memref<500000x64xf32, #tpu.memory_space<hbm>>
      %dma_start3A_490 = arith.constant 0 : i32
      %dma_start3A_491 = tpu.memref_slice %dma_start3A_489[%sub3A_483, %dma_start3A_490] : memref<500000x64xf32, #tpu.memory_space<hbm>> -> memref<1x64xf32, #tpu.memory_space<hbm>>
      %dma_start3A_492 = arith.constant 0 : i32
      %dma_start3A_493 = tpu.memref_slice %arg20[%add3A_475, %dma_start3A_492] : memref<256x64xf32, #tpu.memory_space<vmem>> -> memref<1x64xf32, #tpu.memory_space<vmem>>
      %dma_start3A_494 = arith.constant 0 : i32
      %dma_start3A_495 = arith.constant 0 : i32
      %dma_start3A_496 = tpu.memref_slice %arg2[%convert_element_type3A_480, %dma_start3A_494, %dma_start3A_495] : memref<2x500000x64xf32, #tpu.memory_space<hbm>> -> memref<1x500000x64xf32, #tpu.memory_space<hbm>>
      %dma_start3A_497 = tpu.memref_squeeze %dma_start3A_496 : memref<1x500000x64xf32, #tpu.memory_space<hbm>> -> memref<500000x64xf32, #tpu.memory_space<hbm>>
      %dma_start3A_498 = arith.constant 0 : i32
      %dma_start3A_499 = tpu.memref_slice %dma_start3A_497[%sub3A_483, %dma_start3A_498] : memref<500000x64xf32, #tpu.memory_space<hbm>> -> memref<1x64xf32, #tpu.memory_space<hbm>>
      tpu.enqueue_dma source(%dma_start3A_499 : memref<1x64xf32, #tpu.memory_space<hbm>>) target(%dma_start3A_493 : memref<1x64xf32, #tpu.memory_space<vmem>>) target_semaphore(%arg26 : memref<!tpu.dma_semaphore, #tpu.memory_space<semaphore_mem>>)
      %slice3A_500 = vector.extract_strided_slice %get3A_87 {offsets = [8], sizes = [1], strides = [1]} : vector<16xi32> to vector<1xi32>
      %squeeze3A_501 = vector.extract %slice3A_500[0] : i32 from vector<1xi32>
      %dma_start3A_502 = arith.constant 0 : i32
      %dma_start3A_503 = tpu.memref_slice %arg21[%add3A_475, %dma_start3A_502] : memref<256x64xf32, #tpu.memory_space<vmem>> -> memref<1x64xf32, #tpu.memory_space<vmem>>
      %dma_start3A_504 = arith.constant 0 : i32
      %dma_start3A_505 = tpu.memref_slice %arg3[%squeeze3A_501, %dma_start3A_504] : memref<100000x64xf32, #tpu.memory_space<hbm>> -> memref<1x64xf32, #tpu.memory_space<hbm>>
      %dma_start3A_506 = arith.constant 0 : i32
      %dma_start3A_507 = tpu.memref_slice %arg21[%add3A_475, %dma_start3A_506] : memref<256x64xf32, #tpu.memory_space<vmem>> -> memref<1x64xf32, #tpu.memory_space<vmem>>
      %dma_start3A_508 = arith.constant 0 : i32
      %dma_start3A_509 = tpu.memref_slice %arg3[%squeeze3A_501, %dma_start3A_508] : memref<100000x64xf32, #tpu.memory_space<hbm>> -> memref<1x64xf32, #tpu.memory_space<hbm>>
      tpu.enqueue_dma source(%dma_start3A_509 : memref<1x64xf32, #tpu.memory_space<hbm>>) target(%dma_start3A_507 : memref<1x64xf32, #tpu.memory_space<vmem>>) target_semaphore(%arg26 : memref<!tpu.dma_semaphore, #tpu.memory_space<semaphore_mem>>)
      %slice3A_510 = vector.extract_strided_slice %get3A_92 {offsets = [8], sizes = [1], strides = [1]} : vector<16xi32> to vector<1xi32>
      %squeeze3A_511 = vector.extract %slice3A_510[0] : i32 from vector<1xi32>
      %dma_start3A_512 = arith.constant 0 : i32
      %dma_start3A_513 = tpu.memref_slice %arg22[%add3A_475, %dma_start3A_512] : memref<256x64xf32, #tpu.memory_space<vmem>> -> memref<1x64xf32, #tpu.memory_space<vmem>>
      %dma_start3A_514 = arith.constant 0 : i32
      %dma_start3A_515 = tpu.memref_slice %arg4[%squeeze3A_511, %dma_start3A_514] : memref<1000x64xf32, #tpu.memory_space<hbm>> -> memref<1x64xf32, #tpu.memory_space<hbm>>
      %dma_start3A_516 = arith.constant 0 : i32
      %dma_start3A_517 = tpu.memref_slice %arg22[%add3A_475, %dma_start3A_516] : memref<256x64xf32, #tpu.memory_space<vmem>> -> memref<1x64xf32, #tpu.memory_space<vmem>>
      %dma_start3A_518 = arith.constant 0 : i32
      %dma_start3A_519 = tpu.memref_slice %arg4[%squeeze3A_511, %dma_start3A_518] : memref<1000x64xf32, #tpu.memory_space<hbm>> -> memref<1x64xf32, #tpu.memory_space<hbm>>
      tpu.enqueue_dma source(%dma_start3A_519 : memref<1x64xf32, #tpu.memory_space<hbm>>) target(%dma_start3A_517 : memref<1x64xf32, #tpu.memory_space<vmem>>) target_semaphore(%arg26 : memref<!tpu.dma_semaphore, #tpu.memory_space<semaphore_mem>>)
      %mul3A_520 = arith.constant 16 : i32
      %mul3A_521 = arith.muli %add3A_78, %mul3A_520 : i32
      %add3A_522 = arith.constant 9 : i32
      %add3A_523 = arith.addi %mul3A_521, %add3A_522 : i32
      %slice3A_524 = vector.extract_strided_slice %get3A_82 {offsets = [9], sizes = [1], strides = [1]} : vector<16xi32> to vector<1xi32>
      %squeeze3A_525 = vector.extract %slice3A_524[0] : i32 from vector<1xi32>
      %ge3A_526 = arith.constant 500000 : i32
      %ge3A_527 = arith.cmpi sge, %squeeze3A_525, %ge3A_526 : i32
      %convert_element_type3A_528 = arith.extui %ge3A_527 : i1 to i32
      %mul3A_529 = arith.constant 500000 : i32
      %mul3A_530 = arith.muli %convert_element_type3A_528, %mul3A_529 : i32
      %sub3A_531 = arith.subi %squeeze3A_525, %mul3A_530 : i32
      %dma_start3A_532 = arith.constant 0 : i32
      %dma_start3A_533 = tpu.memref_slice %arg20[%add3A_523, %dma_start3A_532] : memref<256x64xf32, #tpu.memory_space<vmem>> -> memref<1x64xf32, #tpu.memory_space<vmem>>
      %dma_start3A_534 = arith.constant 0 : i32
      %dma_start3A_535 = arith.constant 0 : i32
      %dma_start3A_536 = tpu.memref_slice %arg2[%convert_element_type3A_528, %dma_start3A_534, %dma_start3A_535] : memref<2x500000x64xf32, #tpu.memory_space<hbm>> -> memref<1x500000x64xf32, #tpu.memory_space<hbm>>
      %dma_start3A_537 = tpu.memref_squeeze %dma_start3A_536 : memref<1x500000x64xf32, #tpu.memory_space<hbm>> -> memref<500000x64xf32, #tpu.memory_space<hbm>>
      %dma_start3A_538 = arith.constant 0 : i32
      %dma_start3A_539 = tpu.memref_slice %dma_start3A_537[%sub3A_531, %dma_start3A_538] : memref<500000x64xf32, #tpu.memory_space<hbm>> -> memref<1x64xf32, #tpu.memory_space<hbm>>
      %dma_start3A_540 = arith.constant 0 : i32
      %dma_start3A_541 = tpu.memref_slice %arg20[%add3A_523, %dma_start3A_540] : memref<256x64xf32, #tpu.memory_space<vmem>> -> memref<1x64xf32, #tpu.memory_space<vmem>>
      %dma_start3A_542 = arith.constant 0 : i32
      %dma_start3A_543 = arith.constant 0 : i32
      %dma_start3A_544 = tpu.memref_slice %arg2[%convert_element_type3A_528, %dma_start3A_542, %dma_start3A_543] : memref<2x500000x64xf32, #tpu.memory_space<hbm>> -> memref<1x500000x64xf32, #tpu.memory_space<hbm>>
      %dma_start3A_545 = tpu.memref_squeeze %dma_start3A_544 : memref<1x500000x64xf32, #tpu.memory_space<hbm>> -> memref<500000x64xf32, #tpu.memory_space<hbm>>
      %dma_start3A_546 = arith.constant 0 : i32
      %dma_start3A_547 = tpu.memref_slice %dma_start3A_545[%sub3A_531, %dma_start3A_546] : memref<500000x64xf32, #tpu.memory_space<hbm>> -> memref<1x64xf32, #tpu.memory_space<hbm>>
      tpu.enqueue_dma source(%dma_start3A_547 : memref<1x64xf32, #tpu.memory_space<hbm>>) target(%dma_start3A_541 : memref<1x64xf32, #tpu.memory_space<vmem>>) target_semaphore(%arg26 : memref<!tpu.dma_semaphore, #tpu.memory_space<semaphore_mem>>)
      %slice3A_548 = vector.extract_strided_slice %get3A_87 {offsets = [9], sizes = [1], strides = [1]} : vector<16xi32> to vector<1xi32>
      %squeeze3A_549 = vector.extract %slice3A_548[0] : i32 from vector<1xi32>
      %dma_start3A_550 = arith.constant 0 : i32
      %dma_start3A_551 = tpu.memref_slice %arg21[%add3A_523, %dma_start3A_550] : memref<256x64xf32, #tpu.memory_space<vmem>> -> memref<1x64xf32, #tpu.memory_space<vmem>>
      %dma_start3A_552 = arith.constant 0 : i32
      %dma_start3A_553 = tpu.memref_slice %arg3[%squeeze3A_549, %dma_start3A_552] : memref<100000x64xf32, #tpu.memory_space<hbm>> -> memref<1x64xf32, #tpu.memory_space<hbm>>
      %dma_start3A_554 = arith.constant 0 : i32
      %dma_start3A_555 = tpu.memref_slice %arg21[%add3A_523, %dma_start3A_554] : memref<256x64xf32, #tpu.memory_space<vmem>> -> memref<1x64xf32, #tpu.memory_space<vmem>>
      %dma_start3A_556 = arith.constant 0 : i32
      %dma_start3A_557 = tpu.memref_slice %arg3[%squeeze3A_549, %dma_start3A_556] : memref<100000x64xf32, #tpu.memory_space<hbm>> -> memref<1x64xf32, #tpu.memory_space<hbm>>
      tpu.enqueue_dma source(%dma_start3A_557 : memref<1x64xf32, #tpu.memory_space<hbm>>) target(%dma_start3A_555 : memref<1x64xf32, #tpu.memory_space<vmem>>) target_semaphore(%arg26 : memref<!tpu.dma_semaphore, #tpu.memory_space<semaphore_mem>>)
      %slice3A_558 = vector.extract_strided_slice %get3A_92 {offsets = [9], sizes = [1], strides = [1]} : vector<16xi32> to vector<1xi32>
      %squeeze3A_559 = vector.extract %slice3A_558[0] : i32 from vector<1xi32>
      %dma_start3A_560 = arith.constant 0 : i32
      %dma_start3A_561 = tpu.memref_slice %arg22[%add3A_523, %dma_start3A_560] : memref<256x64xf32, #tpu.memory_space<vmem>> -> memref<1x64xf32, #tpu.memory_space<vmem>>
      %dma_start3A_562 = arith.constant 0 : i32
      %dma_start3A_563 = tpu.memref_slice %arg4[%squeeze3A_559, %dma_start3A_562] : memref<1000x64xf32, #tpu.memory_space<hbm>> -> memref<1x64xf32, #tpu.memory_space<hbm>>
      %dma_start3A_564 = arith.constant 0 : i32
      %dma_start3A_565 = tpu.memref_slice %arg22[%add3A_523, %dma_start3A_564] : memref<256x64xf32, #tpu.memory_space<vmem>> -> memref<1x64xf32, #tpu.memory_space<vmem>>
      %dma_start3A_566 = arith.constant 0 : i32
      %dma_start3A_567 = tpu.memref_slice %arg4[%squeeze3A_559, %dma_start3A_566] : memref<1000x64xf32, #tpu.memory_space<hbm>> -> memref<1x64xf32, #tpu.memory_space<hbm>>
      tpu.enqueue_dma source(%dma_start3A_567 : memref<1x64xf32, #tpu.memory_space<hbm>>) target(%dma_start3A_565 : memref<1x64xf32, #tpu.memory_space<vmem>>) target_semaphore(%arg26 : memref<!tpu.dma_semaphore, #tpu.memory_space<semaphore_mem>>)
      %mul3A_568 = arith.constant 16 : i32
      %mul3A_569 = arith.muli %add3A_78, %mul3A_568 : i32
      %add3A_570 = arith.constant 10 : i32
      %add3A_571 = arith.addi %mul3A_569, %add3A_570 : i32
      %slice3A_572 = vector.extract_strided_slice %get3A_82 {offsets = [10], sizes = [1], strides = [1]} : vector<16xi32> to vector<1xi32>
      %squeeze3A_573 = vector.extract %slice3A_572[0] : i32 from vector<1xi32>
      %ge3A_574 = arith.constant 500000 : i32
      %ge3A_575 = arith.cmpi sge, %squeeze3A_573, %ge3A_574 : i32
      %convert_element_type3A_576 = arith.extui %ge3A_575 : i1 to i32
      %mul3A_577 = arith.constant 500000 : i32
      %mul3A_578 = arith.muli %convert_element_type3A_576, %mul3A_577 : i32
      %sub3A_579 = arith.subi %squeeze3A_573, %mul3A_578 : i32
      %dma_start3A_580 = arith.constant 0 : i32
      %dma_start3A_581 = tpu.memref_slice %arg20[%add3A_571, %dma_start3A_580] : memref<256x64xf32, #tpu.memory_space<vmem>> -> memref<1x64xf32, #tpu.memory_space<vmem>>
      %dma_start3A_582 = arith.constant 0 : i32
      %dma_start3A_583 = arith.constant 0 : i32
      %dma_start3A_584 = tpu.memref_slice %arg2[%convert_element_type3A_576, %dma_start3A_582, %dma_start3A_583] : memref<2x500000x64xf32, #tpu.memory_space<hbm>> -> memref<1x500000x64xf32, #tpu.memory_space<hbm>>
      %dma_start3A_585 = tpu.memref_squeeze %dma_start3A_584 : memref<1x500000x64xf32, #tpu.memory_space<hbm>> -> memref<500000x64xf32, #tpu.memory_space<hbm>>
      %dma_start3A_586 = arith.constant 0 : i32
      %dma_start3A_587 = tpu.memref_slice %dma_start3A_585[%sub3A_579, %dma_start3A_586] : memref<500000x64xf32, #tpu.memory_space<hbm>> -> memref<1x64xf32, #tpu.memory_space<hbm>>
      %dma_start3A_588 = arith.constant 0 : i32
      %dma_start3A_589 = tpu.memref_slice %arg20[%add3A_571, %dma_start3A_588] : memref<256x64xf32, #tpu.memory_space<vmem>> -> memref<1x64xf32, #tpu.memory_space<vmem>>
      %dma_start3A_590 = arith.constant 0 : i32
      %dma_start3A_591 = arith.constant 0 : i32
      %dma_start3A_592 = tpu.memref_slice %arg2[%convert_element_type3A_576, %dma_start3A_590, %dma_start3A_591] : memref<2x500000x64xf32, #tpu.memory_space<hbm>> -> memref<1x500000x64xf32, #tpu.memory_space<hbm>>
      %dma_start3A_593 = tpu.memref_squeeze %dma_start3A_592 : memref<1x500000x64xf32, #tpu.memory_space<hbm>> -> memref<500000x64xf32, #tpu.memory_space<hbm>>
      %dma_start3A_594 = arith.constant 0 : i32
      %dma_start3A_595 = tpu.memref_slice %dma_start3A_593[%sub3A_579, %dma_start3A_594] : memref<500000x64xf32, #tpu.memory_space<hbm>> -> memref<1x64xf32, #tpu.memory_space<hbm>>
      tpu.enqueue_dma source(%dma_start3A_595 : memref<1x64xf32, #tpu.memory_space<hbm>>) target(%dma_start3A_589 : memref<1x64xf32, #tpu.memory_space<vmem>>) target_semaphore(%arg26 : memref<!tpu.dma_semaphore, #tpu.memory_space<semaphore_mem>>)
      %slice3A_596 = vector.extract_strided_slice %get3A_87 {offsets = [10], sizes = [1], strides = [1]} : vector<16xi32> to vector<1xi32>
      %squeeze3A_597 = vector.extract %slice3A_596[0] : i32 from vector<1xi32>
      %dma_start3A_598 = arith.constant 0 : i32
      %dma_start3A_599 = tpu.memref_slice %arg21[%add3A_571, %dma_start3A_598] : memref<256x64xf32, #tpu.memory_space<vmem>> -> memref<1x64xf32, #tpu.memory_space<vmem>>
      %dma_start3A_600 = arith.constant 0 : i32
      %dma_start3A_601 = tpu.memref_slice %arg3[%squeeze3A_597, %dma_start3A_600] : memref<100000x64xf32, #tpu.memory_space<hbm>> -> memref<1x64xf32, #tpu.memory_space<hbm>>
      %dma_start3A_602 = arith.constant 0 : i32
      %dma_start3A_603 = tpu.memref_slice %arg21[%add3A_571, %dma_start3A_602] : memref<256x64xf32, #tpu.memory_space<vmem>> -> memref<1x64xf32, #tpu.memory_space<vmem>>
      %dma_start3A_604 = arith.constant 0 : i32
      %dma_start3A_605 = tpu.memref_slice %arg3[%squeeze3A_597, %dma_start3A_604] : memref<100000x64xf32, #tpu.memory_space<hbm>> -> memref<1x64xf32, #tpu.memory_space<hbm>>
      tpu.enqueue_dma source(%dma_start3A_605 : memref<1x64xf32, #tpu.memory_space<hbm>>) target(%dma_start3A_603 : memref<1x64xf32, #tpu.memory_space<vmem>>) target_semaphore(%arg26 : memref<!tpu.dma_semaphore, #tpu.memory_space<semaphore_mem>>)
      %slice3A_606 = vector.extract_strided_slice %get3A_92 {offsets = [10], sizes = [1], strides = [1]} : vector<16xi32> to vector<1xi32>
      %squeeze3A_607 = vector.extract %slice3A_606[0] : i32 from vector<1xi32>
      %dma_start3A_608 = arith.constant 0 : i32
      %dma_start3A_609 = tpu.memref_slice %arg22[%add3A_571, %dma_start3A_608] : memref<256x64xf32, #tpu.memory_space<vmem>> -> memref<1x64xf32, #tpu.memory_space<vmem>>
      %dma_start3A_610 = arith.constant 0 : i32
      %dma_start3A_611 = tpu.memref_slice %arg4[%squeeze3A_607, %dma_start3A_610] : memref<1000x64xf32, #tpu.memory_space<hbm>> -> memref<1x64xf32, #tpu.memory_space<hbm>>
      %dma_start3A_612 = arith.constant 0 : i32
      %dma_start3A_613 = tpu.memref_slice %arg22[%add3A_571, %dma_start3A_612] : memref<256x64xf32, #tpu.memory_space<vmem>> -> memref<1x64xf32, #tpu.memory_space<vmem>>
      %dma_start3A_614 = arith.constant 0 : i32
      %dma_start3A_615 = tpu.memref_slice %arg4[%squeeze3A_607, %dma_start3A_614] : memref<1000x64xf32, #tpu.memory_space<hbm>> -> memref<1x64xf32, #tpu.memory_space<hbm>>
      tpu.enqueue_dma source(%dma_start3A_615 : memref<1x64xf32, #tpu.memory_space<hbm>>) target(%dma_start3A_613 : memref<1x64xf32, #tpu.memory_space<vmem>>) target_semaphore(%arg26 : memref<!tpu.dma_semaphore, #tpu.memory_space<semaphore_mem>>)
      %mul3A_616 = arith.constant 16 : i32
      %mul3A_617 = arith.muli %add3A_78, %mul3A_616 : i32
      %add3A_618 = arith.constant 11 : i32
      %add3A_619 = arith.addi %mul3A_617, %add3A_618 : i32
      %slice3A_620 = vector.extract_strided_slice %get3A_82 {offsets = [11], sizes = [1], strides = [1]} : vector<16xi32> to vector<1xi32>
      %squeeze3A_621 = vector.extract %slice3A_620[0] : i32 from vector<1xi32>
      %ge3A_622 = arith.constant 500000 : i32
      %ge3A_623 = arith.cmpi sge, %squeeze3A_621, %ge3A_622 : i32
      %convert_element_type3A_624 = arith.extui %ge3A_623 : i1 to i32
      %mul3A_625 = arith.constant 500000 : i32
      %mul3A_626 = arith.muli %convert_element_type3A_624, %mul3A_625 : i32
      %sub3A_627 = arith.subi %squeeze3A_621, %mul3A_626 : i32
      %dma_start3A_628 = arith.constant 0 : i32
      %dma_start3A_629 = tpu.memref_slice %arg20[%add3A_619, %dma_start3A_628] : memref<256x64xf32, #tpu.memory_space<vmem>> -> memref<1x64xf32, #tpu.memory_space<vmem>>
      %dma_start3A_630 = arith.constant 0 : i32
      %dma_start3A_631 = arith.constant 0 : i32
      %dma_start3A_632 = tpu.memref_slice %arg2[%convert_element_type3A_624, %dma_start3A_630, %dma_start3A_631] : memref<2x500000x64xf32, #tpu.memory_space<hbm>> -> memref<1x500000x64xf32, #tpu.memory_space<hbm>>
      %dma_start3A_633 = tpu.memref_squeeze %dma_start3A_632 : memref<1x500000x64xf32, #tpu.memory_space<hbm>> -> memref<500000x64xf32, #tpu.memory_space<hbm>>
      %dma_start3A_634 = arith.constant 0 : i32
      %dma_start3A_635 = tpu.memref_slice %dma_start3A_633[%sub3A_627, %dma_start3A_634] : memref<500000x64xf32, #tpu.memory_space<hbm>> -> memref<1x64xf32, #tpu.memory_space<hbm>>
      %dma_start3A_636 = arith.constant 0 : i32
      %dma_start3A_637 = tpu.memref_slice %arg20[%add3A_619, %dma_start3A_636] : memref<256x64xf32, #tpu.memory_space<vmem>> -> memref<1x64xf32, #tpu.memory_space<vmem>>
      %dma_start3A_638 = arith.constant 0 : i32
      %dma_start3A_639 = arith.constant 0 : i32
      %dma_start3A_640 = tpu.memref_slice %arg2[%convert_element_type3A_624, %dma_start3A_638, %dma_start3A_639] : memref<2x500000x64xf32, #tpu.memory_space<hbm>> -> memref<1x500000x64xf32, #tpu.memory_space<hbm>>
      %dma_start3A_641 = tpu.memref_squeeze %dma_start3A_640 : memref<1x500000x64xf32, #tpu.memory_space<hbm>> -> memref<500000x64xf32, #tpu.memory_space<hbm>>
      %dma_start3A_642 = arith.constant 0 : i32
      %dma_start3A_643 = tpu.memref_slice %dma_start3A_641[%sub3A_627, %dma_start3A_642] : memref<500000x64xf32, #tpu.memory_space<hbm>> -> memref<1x64xf32, #tpu.memory_space<hbm>>
      tpu.enqueue_dma source(%dma_start3A_643 : memref<1x64xf32, #tpu.memory_space<hbm>>) target(%dma_start3A_637 : memref<1x64xf32, #tpu.memory_space<vmem>>) target_semaphore(%arg26 : memref<!tpu.dma_semaphore, #tpu.memory_space<semaphore_mem>>)
      %slice3A_644 = vector.extract_strided_slice %get3A_87 {offsets = [11], sizes = [1], strides = [1]} : vector<16xi32> to vector<1xi32>
      %squeeze3A_645 = vector.extract %slice3A_644[0] : i32 from vector<1xi32>
      %dma_start3A_646 = arith.constant 0 : i32
      %dma_start3A_647 = tpu.memref_slice %arg21[%add3A_619, %dma_start3A_646] : memref<256x64xf32, #tpu.memory_space<vmem>> -> memref<1x64xf32, #tpu.memory_space<vmem>>
      %dma_start3A_648 = arith.constant 0 : i32
      %dma_start3A_649 = tpu.memref_slice %arg3[%squeeze3A_645, %dma_start3A_648] : memref<100000x64xf32, #tpu.memory_space<hbm>> -> memref<1x64xf32, #tpu.memory_space<hbm>>
      %dma_start3A_650 = arith.constant 0 : i32
      %dma_start3A_651 = tpu.memref_slice %arg21[%add3A_619, %dma_start3A_650] : memref<256x64xf32, #tpu.memory_space<vmem>> -> memref<1x64xf32, #tpu.memory_space<vmem>>
      %dma_start3A_652 = arith.constant 0 : i32
      %dma_start3A_653 = tpu.memref_slice %arg3[%squeeze3A_645, %dma_start3A_652] : memref<100000x64xf32, #tpu.memory_space<hbm>> -> memref<1x64xf32, #tpu.memory_space<hbm>>
      tpu.enqueue_dma source(%dma_start3A_653 : memref<1x64xf32, #tpu.memory_space<hbm>>) target(%dma_start3A_651 : memref<1x64xf32, #tpu.memory_space<vmem>>) target_semaphore(%arg26 : memref<!tpu.dma_semaphore, #tpu.memory_space<semaphore_mem>>)
      %slice3A_654 = vector.extract_strided_slice %get3A_92 {offsets = [11], sizes = [1], strides = [1]} : vector<16xi32> to vector<1xi32>
      %squeeze3A_655 = vector.extract %slice3A_654[0] : i32 from vector<1xi32>
      %dma_start3A_656 = arith.constant 0 : i32
      %dma_start3A_657 = tpu.memref_slice %arg22[%add3A_619, %dma_start3A_656] : memref<256x64xf32, #tpu.memory_space<vmem>> -> memref<1x64xf32, #tpu.memory_space<vmem>>
      %dma_start3A_658 = arith.constant 0 : i32
      %dma_start3A_659 = tpu.memref_slice %arg4[%squeeze3A_655, %dma_start3A_658] : memref<1000x64xf32, #tpu.memory_space<hbm>> -> memref<1x64xf32, #tpu.memory_space<hbm>>
      %dma_start3A_660 = arith.constant 0 : i32
      %dma_start3A_661 = tpu.memref_slice %arg22[%add3A_619, %dma_start3A_660] : memref<256x64xf32, #tpu.memory_space<vmem>> -> memref<1x64xf32, #tpu.memory_space<vmem>>
      %dma_start3A_662 = arith.constant 0 : i32
      %dma_start3A_663 = tpu.memref_slice %arg4[%squeeze3A_655, %dma_start3A_662] : memref<1000x64xf32, #tpu.memory_space<hbm>> -> memref<1x64xf32, #tpu.memory_space<hbm>>
      tpu.enqueue_dma source(%dma_start3A_663 : memref<1x64xf32, #tpu.memory_space<hbm>>) target(%dma_start3A_661 : memref<1x64xf32, #tpu.memory_space<vmem>>) target_semaphore(%arg26 : memref<!tpu.dma_semaphore, #tpu.memory_space<semaphore_mem>>)
      %mul3A_664 = arith.constant 16 : i32
      %mul3A_665 = arith.muli %add3A_78, %mul3A_664 : i32
      %add3A_666 = arith.constant 12 : i32
      %add3A_667 = arith.addi %mul3A_665, %add3A_666 : i32
      %slice3A_668 = vector.extract_strided_slice %get3A_82 {offsets = [12], sizes = [1], strides = [1]} : vector<16xi32> to vector<1xi32>
      %squeeze3A_669 = vector.extract %slice3A_668[0] : i32 from vector<1xi32>
      %ge3A_670 = arith.constant 500000 : i32
      %ge3A_671 = arith.cmpi sge, %squeeze3A_669, %ge3A_670 : i32
      %convert_element_type3A_672 = arith.extui %ge3A_671 : i1 to i32
      %mul3A_673 = arith.constant 500000 : i32
      %mul3A_674 = arith.muli %convert_element_type3A_672, %mul3A_673 : i32
      %sub3A_675 = arith.subi %squeeze3A_669, %mul3A_674 : i32
      %dma_start3A_676 = arith.constant 0 : i32
      %dma_start3A_677 = tpu.memref_slice %arg20[%add3A_667, %dma_start3A_676] : memref<256x64xf32, #tpu.memory_space<vmem>> -> memref<1x64xf32, #tpu.memory_space<vmem>>
      %dma_start3A_678 = arith.constant 0 : i32
      %dma_start3A_679 = arith.constant 0 : i32
      %dma_start3A_680 = tpu.memref_slice %arg2[%convert_element_type3A_672, %dma_start3A_678, %dma_start3A_679] : memref<2x500000x64xf32, #tpu.memory_space<hbm>> -> memref<1x500000x64xf32, #tpu.memory_space<hbm>>
      %dma_start3A_681 = tpu.memref_squeeze %dma_start3A_680 : memref<1x500000x64xf32, #tpu.memory_space<hbm>> -> memref<500000x64xf32, #tpu.memory_space<hbm>>
      %dma_start3A_682 = arith.constant 0 : i32
      %dma_start3A_683 = tpu.memref_slice %dma_start3A_681[%sub3A_675, %dma_start3A_682] : memref<500000x64xf32, #tpu.memory_space<hbm>> -> memref<1x64xf32, #tpu.memory_space<hbm>>
      %dma_start3A_684 = arith.constant 0 : i32
      %dma_start3A_685 = tpu.memref_slice %arg20[%add3A_667, %dma_start3A_684] : memref<256x64xf32, #tpu.memory_space<vmem>> -> memref<1x64xf32, #tpu.memory_space<vmem>>
      %dma_start3A_686 = arith.constant 0 : i32
      %dma_start3A_687 = arith.constant 0 : i32
      %dma_start3A_688 = tpu.memref_slice %arg2[%convert_element_type3A_672, %dma_start3A_686, %dma_start3A_687] : memref<2x500000x64xf32, #tpu.memory_space<hbm>> -> memref<1x500000x64xf32, #tpu.memory_space<hbm>>
      %dma_start3A_689 = tpu.memref_squeeze %dma_start3A_688 : memref<1x500000x64xf32, #tpu.memory_space<hbm>> -> memref<500000x64xf32, #tpu.memory_space<hbm>>
      %dma_start3A_690 = arith.constant 0 : i32
      %dma_start3A_691 = tpu.memref_slice %dma_start3A_689[%sub3A_675, %dma_start3A_690] : memref<500000x64xf32, #tpu.memory_space<hbm>> -> memref<1x64xf32, #tpu.memory_space<hbm>>
      tpu.enqueue_dma source(%dma_start3A_691 : memref<1x64xf32, #tpu.memory_space<hbm>>) target(%dma_start3A_685 : memref<1x64xf32, #tpu.memory_space<vmem>>) target_semaphore(%arg26 : memref<!tpu.dma_semaphore, #tpu.memory_space<semaphore_mem>>)
      %slice3A_692 = vector.extract_strided_slice %get3A_87 {offsets = [12], sizes = [1], strides = [1]} : vector<16xi32> to vector<1xi32>
      %squeeze3A_693 = vector.extract %slice3A_692[0] : i32 from vector<1xi32>
      %dma_start3A_694 = arith.constant 0 : i32
      %dma_start3A_695 = tpu.memref_slice %arg21[%add3A_667, %dma_start3A_694] : memref<256x64xf32, #tpu.memory_space<vmem>> -> memref<1x64xf32, #tpu.memory_space<vmem>>
      %dma_start3A_696 = arith.constant 0 : i32
      %dma_start3A_697 = tpu.memref_slice %arg3[%squeeze3A_693, %dma_start3A_696] : memref<100000x64xf32, #tpu.memory_space<hbm>> -> memref<1x64xf32, #tpu.memory_space<hbm>>
      %dma_start3A_698 = arith.constant 0 : i32
      %dma_start3A_699 = tpu.memref_slice %arg21[%add3A_667, %dma_start3A_698] : memref<256x64xf32, #tpu.memory_space<vmem>> -> memref<1x64xf32, #tpu.memory_space<vmem>>
      %dma_start3A_700 = arith.constant 0 : i32
      %dma_start3A_701 = tpu.memref_slice %arg3[%squeeze3A_693, %dma_start3A_700] : memref<100000x64xf32, #tpu.memory_space<hbm>> -> memref<1x64xf32, #tpu.memory_space<hbm>>
      tpu.enqueue_dma source(%dma_start3A_701 : memref<1x64xf32, #tpu.memory_space<hbm>>) target(%dma_start3A_699 : memref<1x64xf32, #tpu.memory_space<vmem>>) target_semaphore(%arg26 : memref<!tpu.dma_semaphore, #tpu.memory_space<semaphore_mem>>)
      %slice3A_702 = vector.extract_strided_slice %get3A_92 {offsets = [12], sizes = [1], strides = [1]} : vector<16xi32> to vector<1xi32>
      %squeeze3A_703 = vector.extract %slice3A_702[0] : i32 from vector<1xi32>
      %dma_start3A_704 = arith.constant 0 : i32
      %dma_start3A_705 = tpu.memref_slice %arg22[%add3A_667, %dma_start3A_704] : memref<256x64xf32, #tpu.memory_space<vmem>> -> memref<1x64xf32, #tpu.memory_space<vmem>>
      %dma_start3A_706 = arith.constant 0 : i32
      %dma_start3A_707 = tpu.memref_slice %arg4[%squeeze3A_703, %dma_start3A_706] : memref<1000x64xf32, #tpu.memory_space<hbm>> -> memref<1x64xf32, #tpu.memory_space<hbm>>
      %dma_start3A_708 = arith.constant 0 : i32
      %dma_start3A_709 = tpu.memref_slice %arg22[%add3A_667, %dma_start3A_708] : memref<256x64xf32, #tpu.memory_space<vmem>> -> memref<1x64xf32, #tpu.memory_space<vmem>>
      %dma_start3A_710 = arith.constant 0 : i32
      %dma_start3A_711 = tpu.memref_slice %arg4[%squeeze3A_703, %dma_start3A_710] : memref<1000x64xf32, #tpu.memory_space<hbm>> -> memref<1x64xf32, #tpu.memory_space<hbm>>
      tpu.enqueue_dma source(%dma_start3A_711 : memref<1x64xf32, #tpu.memory_space<hbm>>) target(%dma_start3A_709 : memref<1x64xf32, #tpu.memory_space<vmem>>) target_semaphore(%arg26 : memref<!tpu.dma_semaphore, #tpu.memory_space<semaphore_mem>>)
      %mul3A_712 = arith.constant 16 : i32
      %mul3A_713 = arith.muli %add3A_78, %mul3A_712 : i32
      %add3A_714 = arith.constant 13 : i32
      %add3A_715 = arith.addi %mul3A_713, %add3A_714 : i32
      %slice3A_716 = vector.extract_strided_slice %get3A_82 {offsets = [13], sizes = [1], strides = [1]} : vector<16xi32> to vector<1xi32>
      %squeeze3A_717 = vector.extract %slice3A_716[0] : i32 from vector<1xi32>
      %ge3A_718 = arith.constant 500000 : i32
      %ge3A_719 = arith.cmpi sge, %squeeze3A_717, %ge3A_718 : i32
      %convert_element_type3A_720 = arith.extui %ge3A_719 : i1 to i32
      %mul3A_721 = arith.constant 500000 : i32
      %mul3A_722 = arith.muli %convert_element_type3A_720, %mul3A_721 : i32
      %sub3A_723 = arith.subi %squeeze3A_717, %mul3A_722 : i32
      %dma_start3A_724 = arith.constant 0 : i32
      %dma_start3A_725 = tpu.memref_slice %arg20[%add3A_715, %dma_start3A_724] : memref<256x64xf32, #tpu.memory_space<vmem>> -> memref<1x64xf32, #tpu.memory_space<vmem>>
      %dma_start3A_726 = arith.constant 0 : i32
      %dma_start3A_727 = arith.constant 0 : i32
      %dma_start3A_728 = tpu.memref_slice %arg2[%convert_element_type3A_720, %dma_start3A_726, %dma_start3A_727] : memref<2x500000x64xf32, #tpu.memory_space<hbm>> -> memref<1x500000x64xf32, #tpu.memory_space<hbm>>
      %dma_start3A_729 = tpu.memref_squeeze %dma_start3A_728 : memref<1x500000x64xf32, #tpu.memory_space<hbm>> -> memref<500000x64xf32, #tpu.memory_space<hbm>>
      %dma_start3A_730 = arith.constant 0 : i32
      %dma_start3A_731 = tpu.memref_slice %dma_start3A_729[%sub3A_723, %dma_start3A_730] : memref<500000x64xf32, #tpu.memory_space<hbm>> -> memref<1x64xf32, #tpu.memory_space<hbm>>
      %dma_start3A_732 = arith.constant 0 : i32
      %dma_start3A_733 = tpu.memref_slice %arg20[%add3A_715, %dma_start3A_732] : memref<256x64xf32, #tpu.memory_space<vmem>> -> memref<1x64xf32, #tpu.memory_space<vmem>>
      %dma_start3A_734 = arith.constant 0 : i32
      %dma_start3A_735 = arith.constant 0 : i32
      %dma_start3A_736 = tpu.memref_slice %arg2[%convert_element_type3A_720, %dma_start3A_734, %dma_start3A_735] : memref<2x500000x64xf32, #tpu.memory_space<hbm>> -> memref<1x500000x64xf32, #tpu.memory_space<hbm>>
      %dma_start3A_737 = tpu.memref_squeeze %dma_start3A_736 : memref<1x500000x64xf32, #tpu.memory_space<hbm>> -> memref<500000x64xf32, #tpu.memory_space<hbm>>
      %dma_start3A_738 = arith.constant 0 : i32
      %dma_start3A_739 = tpu.memref_slice %dma_start3A_737[%sub3A_723, %dma_start3A_738] : memref<500000x64xf32, #tpu.memory_space<hbm>> -> memref<1x64xf32, #tpu.memory_space<hbm>>
      tpu.enqueue_dma source(%dma_start3A_739 : memref<1x64xf32, #tpu.memory_space<hbm>>) target(%dma_start3A_733 : memref<1x64xf32, #tpu.memory_space<vmem>>) target_semaphore(%arg26 : memref<!tpu.dma_semaphore, #tpu.memory_space<semaphore_mem>>)
      %slice3A_740 = vector.extract_strided_slice %get3A_87 {offsets = [13], sizes = [1], strides = [1]} : vector<16xi32> to vector<1xi32>
      %squeeze3A_741 = vector.extract %slice3A_740[0] : i32 from vector<1xi32>
      %dma_start3A_742 = arith.constant 0 : i32
      %dma_start3A_743 = tpu.memref_slice %arg21[%add3A_715, %dma_start3A_742] : memref<256x64xf32, #tpu.memory_space<vmem>> -> memref<1x64xf32, #tpu.memory_space<vmem>>
      %dma_start3A_744 = arith.constant 0 : i32
      %dma_start3A_745 = tpu.memref_slice %arg3[%squeeze3A_741, %dma_start3A_744] : memref<100000x64xf32, #tpu.memory_space<hbm>> -> memref<1x64xf32, #tpu.memory_space<hbm>>
      %dma_start3A_746 = arith.constant 0 : i32
      %dma_start3A_747 = tpu.memref_slice %arg21[%add3A_715, %dma_start3A_746] : memref<256x64xf32, #tpu.memory_space<vmem>> -> memref<1x64xf32, #tpu.memory_space<vmem>>
      %dma_start3A_748 = arith.constant 0 : i32
      %dma_start3A_749 = tpu.memref_slice %arg3[%squeeze3A_741, %dma_start3A_748] : memref<100000x64xf32, #tpu.memory_space<hbm>> -> memref<1x64xf32, #tpu.memory_space<hbm>>
      tpu.enqueue_dma source(%dma_start3A_749 : memref<1x64xf32, #tpu.memory_space<hbm>>) target(%dma_start3A_747 : memref<1x64xf32, #tpu.memory_space<vmem>>) target_semaphore(%arg26 : memref<!tpu.dma_semaphore, #tpu.memory_space<semaphore_mem>>)
      %slice3A_750 = vector.extract_strided_slice %get3A_92 {offsets = [13], sizes = [1], strides = [1]} : vector<16xi32> to vector<1xi32>
      %squeeze3A_751 = vector.extract %slice3A_750[0] : i32 from vector<1xi32>
      %dma_start3A_752 = arith.constant 0 : i32
      %dma_start3A_753 = tpu.memref_slice %arg22[%add3A_715, %dma_start3A_752] : memref<256x64xf32, #tpu.memory_space<vmem>> -> memref<1x64xf32, #tpu.memory_space<vmem>>
      %dma_start3A_754 = arith.constant 0 : i32
      %dma_start3A_755 = tpu.memref_slice %arg4[%squeeze3A_751, %dma_start3A_754] : memref<1000x64xf32, #tpu.memory_space<hbm>> -> memref<1x64xf32, #tpu.memory_space<hbm>>
      %dma_start3A_756 = arith.constant 0 : i32
      %dma_start3A_757 = tpu.memref_slice %arg22[%add3A_715, %dma_start3A_756] : memref<256x64xf32, #tpu.memory_space<vmem>> -> memref<1x64xf32, #tpu.memory_space<vmem>>
      %dma_start3A_758 = arith.constant 0 : i32
      %dma_start3A_759 = tpu.memref_slice %arg4[%squeeze3A_751, %dma_start3A_758] : memref<1000x64xf32, #tpu.memory_space<hbm>> -> memref<1x64xf32, #tpu.memory_space<hbm>>
      tpu.enqueue_dma source(%dma_start3A_759 : memref<1x64xf32, #tpu.memory_space<hbm>>) target(%dma_start3A_757 : memref<1x64xf32, #tpu.memory_space<vmem>>) target_semaphore(%arg26 : memref<!tpu.dma_semaphore, #tpu.memory_space<semaphore_mem>>)
      %mul3A_760 = arith.constant 16 : i32
      %mul3A_761 = arith.muli %add3A_78, %mul3A_760 : i32
      %add3A_762 = arith.constant 14 : i32
      %add3A_763 = arith.addi %mul3A_761, %add3A_762 : i32
      %slice3A_764 = vector.extract_strided_slice %get3A_82 {offsets = [14], sizes = [1], strides = [1]} : vector<16xi32> to vector<1xi32>
      %squeeze3A_765 = vector.extract %slice3A_764[0] : i32 from vector<1xi32>
      %ge3A_766 = arith.constant 500000 : i32
      %ge3A_767 = arith.cmpi sge, %squeeze3A_765, %ge3A_766 : i32
      %convert_element_type3A_768 = arith.extui %ge3A_767 : i1 to i32
      %mul3A_769 = arith.constant 500000 : i32
      %mul3A_770 = arith.muli %convert_element_type3A_768, %mul3A_769 : i32
      %sub3A_771 = arith.subi %squeeze3A_765, %mul3A_770 : i32
      %dma_start3A_772 = arith.constant 0 : i32
      %dma_start3A_773 = tpu.memref_slice %arg20[%add3A_763, %dma_start3A_772] : memref<256x64xf32, #tpu.memory_space<vmem>> -> memref<1x64xf32, #tpu.memory_space<vmem>>
      %dma_start3A_774 = arith.constant 0 : i32
      %dma_start3A_775 = arith.constant 0 : i32
      %dma_start3A_776 = tpu.memref_slice %arg2[%convert_element_type3A_768, %dma_start3A_774, %dma_start3A_775] : memref<2x500000x64xf32, #tpu.memory_space<hbm>> -> memref<1x500000x64xf32, #tpu.memory_space<hbm>>
      %dma_start3A_777 = tpu.memref_squeeze %dma_start3A_776 : memref<1x500000x64xf32, #tpu.memory_space<hbm>> -> memref<500000x64xf32, #tpu.memory_space<hbm>>
      %dma_start3A_778 = arith.constant 0 : i32
      %dma_start3A_779 = tpu.memref_slice %dma_start3A_777[%sub3A_771, %dma_start3A_778] : memref<500000x64xf32, #tpu.memory_space<hbm>> -> memref<1x64xf32, #tpu.memory_space<hbm>>
      %dma_start3A_780 = arith.constant 0 : i32
      %dma_start3A_781 = tpu.memref_slice %arg20[%add3A_763, %dma_start3A_780] : memref<256x64xf32, #tpu.memory_space<vmem>> -> memref<1x64xf32, #tpu.memory_space<vmem>>
      %dma_start3A_782 = arith.constant 0 : i32
      %dma_start3A_783 = arith.constant 0 : i32
      %dma_start3A_784 = tpu.memref_slice %arg2[%convert_element_type3A_768, %dma_start3A_782, %dma_start3A_783] : memref<2x500000x64xf32, #tpu.memory_space<hbm>> -> memref<1x500000x64xf32, #tpu.memory_space<hbm>>
      %dma_start3A_785 = tpu.memref_squeeze %dma_start3A_784 : memref<1x500000x64xf32, #tpu.memory_space<hbm>> -> memref<500000x64xf32, #tpu.memory_space<hbm>>
      %dma_start3A_786 = arith.constant 0 : i32
      %dma_start3A_787 = tpu.memref_slice %dma_start3A_785[%sub3A_771, %dma_start3A_786] : memref<500000x64xf32, #tpu.memory_space<hbm>> -> memref<1x64xf32, #tpu.memory_space<hbm>>
      tpu.enqueue_dma source(%dma_start3A_787 : memref<1x64xf32, #tpu.memory_space<hbm>>) target(%dma_start3A_781 : memref<1x64xf32, #tpu.memory_space<vmem>>) target_semaphore(%arg26 : memref<!tpu.dma_semaphore, #tpu.memory_space<semaphore_mem>>)
      %slice3A_788 = vector.extract_strided_slice %get3A_87 {offsets = [14], sizes = [1], strides = [1]} : vector<16xi32> to vector<1xi32>
      %squeeze3A_789 = vector.extract %slice3A_788[0] : i32 from vector<1xi32>
      %dma_start3A_790 = arith.constant 0 : i32
      %dma_start3A_791 = tpu.memref_slice %arg21[%add3A_763, %dma_start3A_790] : memref<256x64xf32, #tpu.memory_space<vmem>> -> memref<1x64xf32, #tpu.memory_space<vmem>>
      %dma_start3A_792 = arith.constant 0 : i32
      %dma_start3A_793 = tpu.memref_slice %arg3[%squeeze3A_789, %dma_start3A_792] : memref<100000x64xf32, #tpu.memory_space<hbm>> -> memref<1x64xf32, #tpu.memory_space<hbm>>
      %dma_start3A_794 = arith.constant 0 : i32
      %dma_start3A_795 = tpu.memref_slice %arg21[%add3A_763, %dma_start3A_794] : memref<256x64xf32, #tpu.memory_space<vmem>> -> memref<1x64xf32, #tpu.memory_space<vmem>>
      %dma_start3A_796 = arith.constant 0 : i32
      %dma_start3A_797 = tpu.memref_slice %arg3[%squeeze3A_789, %dma_start3A_796] : memref<100000x64xf32, #tpu.memory_space<hbm>> -> memref<1x64xf32, #tpu.memory_space<hbm>>
      tpu.enqueue_dma source(%dma_start3A_797 : memref<1x64xf32, #tpu.memory_space<hbm>>) target(%dma_start3A_795 : memref<1x64xf32, #tpu.memory_space<vmem>>) target_semaphore(%arg26 : memref<!tpu.dma_semaphore, #tpu.memory_space<semaphore_mem>>)
      %slice3A_798 = vector.extract_strided_slice %get3A_92 {offsets = [14], sizes = [1], strides = [1]} : vector<16xi32> to vector<1xi32>
      %squeeze3A_799 = vector.extract %slice3A_798[0] : i32 from vector<1xi32>
      %dma_start3A_800 = arith.constant 0 : i32
      %dma_start3A_801 = tpu.memref_slice %arg22[%add3A_763, %dma_start3A_800] : memref<256x64xf32, #tpu.memory_space<vmem>> -> memref<1x64xf32, #tpu.memory_space<vmem>>
      %dma_start3A_802 = arith.constant 0 : i32
      %dma_start3A_803 = tpu.memref_slice %arg4[%squeeze3A_799, %dma_start3A_802] : memref<1000x64xf32, #tpu.memory_space<hbm>> -> memref<1x64xf32, #tpu.memory_space<hbm>>
      %dma_start3A_804 = arith.constant 0 : i32
      %dma_start3A_805 = tpu.memref_slice %arg22[%add3A_763, %dma_start3A_804] : memref<256x64xf32, #tpu.memory_space<vmem>> -> memref<1x64xf32, #tpu.memory_space<vmem>>
      %dma_start3A_806 = arith.constant 0 : i32
      %dma_start3A_807 = tpu.memref_slice %arg4[%squeeze3A_799, %dma_start3A_806] : memref<1000x64xf32, #tpu.memory_space<hbm>> -> memref<1x64xf32, #tpu.memory_space<hbm>>
      tpu.enqueue_dma source(%dma_start3A_807 : memref<1x64xf32, #tpu.memory_space<hbm>>) target(%dma_start3A_805 : memref<1x64xf32, #tpu.memory_space<vmem>>) target_semaphore(%arg26 : memref<!tpu.dma_semaphore, #tpu.memory_space<semaphore_mem>>)
      %mul3A_808 = arith.constant 16 : i32
      %mul3A_809 = arith.muli %add3A_78, %mul3A_808 : i32
      %add3A_810 = arith.constant 15 : i32
      %add3A_811 = arith.addi %mul3A_809, %add3A_810 : i32
      %slice3A_812 = vector.extract_strided_slice %get3A_82 {offsets = [15], sizes = [1], strides = [1]} : vector<16xi32> to vector<1xi32>
      %squeeze3A_813 = vector.extract %slice3A_812[0] : i32 from vector<1xi32>
      %ge3A_814 = arith.constant 500000 : i32
      %ge3A_815 = arith.cmpi sge, %squeeze3A_813, %ge3A_814 : i32
      %convert_element_type3A_816 = arith.extui %ge3A_815 : i1 to i32
      %mul3A_817 = arith.constant 500000 : i32
      %mul3A_818 = arith.muli %convert_element_type3A_816, %mul3A_817 : i32
      %sub3A_819 = arith.subi %squeeze3A_813, %mul3A_818 : i32
      %dma_start3A_820 = arith.constant 0 : i32
      %dma_start3A_821 = tpu.memref_slice %arg20[%add3A_811, %dma_start3A_820] : memref<256x64xf32, #tpu.memory_space<vmem>> -> memref<1x64xf32, #tpu.memory_space<vmem>>
      %dma_start3A_822 = arith.constant 0 : i32
      %dma_start3A_823 = arith.constant 0 : i32
      %dma_start3A_824 = tpu.memref_slice %arg2[%convert_element_type3A_816, %dma_start3A_822, %dma_start3A_823] : memref<2x500000x64xf32, #tpu.memory_space<hbm>> -> memref<1x500000x64xf32, #tpu.memory_space<hbm>>
      %dma_start3A_825 = tpu.memref_squeeze %dma_start3A_824 : memref<1x500000x64xf32, #tpu.memory_space<hbm>> -> memref<500000x64xf32, #tpu.memory_space<hbm>>
      %dma_start3A_826 = arith.constant 0 : i32
      %dma_start3A_827 = tpu.memref_slice %dma_start3A_825[%sub3A_819, %dma_start3A_826] : memref<500000x64xf32, #tpu.memory_space<hbm>> -> memref<1x64xf32, #tpu.memory_space<hbm>>
      %dma_start3A_828 = arith.constant 0 : i32
      %dma_start3A_829 = tpu.memref_slice %arg20[%add3A_811, %dma_start3A_828] : memref<256x64xf32, #tpu.memory_space<vmem>> -> memref<1x64xf32, #tpu.memory_space<vmem>>
      %dma_start3A_830 = arith.constant 0 : i32
      %dma_start3A_831 = arith.constant 0 : i32
      %dma_start3A_832 = tpu.memref_slice %arg2[%convert_element_type3A_816, %dma_start3A_830, %dma_start3A_831] : memref<2x500000x64xf32, #tpu.memory_space<hbm>> -> memref<1x500000x64xf32, #tpu.memory_space<hbm>>
      %dma_start3A_833 = tpu.memref_squeeze %dma_start3A_832 : memref<1x500000x64xf32, #tpu.memory_space<hbm>> -> memref<500000x64xf32, #tpu.memory_space<hbm>>
      %dma_start3A_834 = arith.constant 0 : i32
      %dma_start3A_835 = tpu.memref_slice %dma_start3A_833[%sub3A_819, %dma_start3A_834] : memref<500000x64xf32, #tpu.memory_space<hbm>> -> memref<1x64xf32, #tpu.memory_space<hbm>>
      tpu.enqueue_dma source(%dma_start3A_835 : memref<1x64xf32, #tpu.memory_space<hbm>>) target(%dma_start3A_829 : memref<1x64xf32, #tpu.memory_space<vmem>>) target_semaphore(%arg26 : memref<!tpu.dma_semaphore, #tpu.memory_space<semaphore_mem>>)
      %slice3A_836 = vector.extract_strided_slice %get3A_87 {offsets = [15], sizes = [1], strides = [1]} : vector<16xi32> to vector<1xi32>
      %squeeze3A_837 = vector.extract %slice3A_836[0] : i32 from vector<1xi32>
      %dma_start3A_838 = arith.constant 0 : i32
      %dma_start3A_839 = tpu.memref_slice %arg21[%add3A_811, %dma_start3A_838] : memref<256x64xf32, #tpu.memory_space<vmem>> -> memref<1x64xf32, #tpu.memory_space<vmem>>
      %dma_start3A_840 = arith.constant 0 : i32
      %dma_start3A_841 = tpu.memref_slice %arg3[%squeeze3A_837, %dma_start3A_840] : memref<100000x64xf32, #tpu.memory_space<hbm>> -> memref<1x64xf32, #tpu.memory_space<hbm>>
      %dma_start3A_842 = arith.constant 0 : i32
      %dma_start3A_843 = tpu.memref_slice %arg21[%add3A_811, %dma_start3A_842] : memref<256x64xf32, #tpu.memory_space<vmem>> -> memref<1x64xf32, #tpu.memory_space<vmem>>
      %dma_start3A_844 = arith.constant 0 : i32
      %dma_start3A_845 = tpu.memref_slice %arg3[%squeeze3A_837, %dma_start3A_844] : memref<100000x64xf32, #tpu.memory_space<hbm>> -> memref<1x64xf32, #tpu.memory_space<hbm>>
      tpu.enqueue_dma source(%dma_start3A_845 : memref<1x64xf32, #tpu.memory_space<hbm>>) target(%dma_start3A_843 : memref<1x64xf32, #tpu.memory_space<vmem>>) target_semaphore(%arg26 : memref<!tpu.dma_semaphore, #tpu.memory_space<semaphore_mem>>)
      %slice3A_846 = vector.extract_strided_slice %get3A_92 {offsets = [15], sizes = [1], strides = [1]} : vector<16xi32> to vector<1xi32>
      %squeeze3A_847 = vector.extract %slice3A_846[0] : i32 from vector<1xi32>
      %dma_start3A_848 = arith.constant 0 : i32
      %dma_start3A_849 = tpu.memref_slice %arg22[%add3A_811, %dma_start3A_848] : memref<256x64xf32, #tpu.memory_space<vmem>> -> memref<1x64xf32, #tpu.memory_space<vmem>>
      %dma_start3A_850 = arith.constant 0 : i32
      %dma_start3A_851 = tpu.memref_slice %arg4[%squeeze3A_847, %dma_start3A_850] : memref<1000x64xf32, #tpu.memory_space<hbm>> -> memref<1x64xf32, #tpu.memory_space<hbm>>
      %dma_start3A_852 = arith.constant 0 : i32
      %dma_start3A_853 = tpu.memref_slice %arg22[%add3A_811, %dma_start3A_852] : memref<256x64xf32, #tpu.memory_space<vmem>> -> memref<1x64xf32, #tpu.memory_space<vmem>>
      %dma_start3A_854 = arith.constant 0 : i32
      %dma_start3A_855 = tpu.memref_slice %arg4[%squeeze3A_847, %dma_start3A_854] : memref<1000x64xf32, #tpu.memory_space<hbm>> -> memref<1x64xf32, #tpu.memory_space<hbm>>
      tpu.enqueue_dma source(%dma_start3A_855 : memref<1x64xf32, #tpu.memory_space<hbm>>) target(%dma_start3A_853 : memref<1x64xf32, #tpu.memory_space<vmem>>) target_semaphore(%arg26 : memref<!tpu.dma_semaphore, #tpu.memory_space<semaphore_mem>>)
    }
    %scan3A_13 = arith.constant 16 : i32
    %dma_wait3A = arith.constant 0 : i32
    %dma_wait3A_14 = arith.constant 0 : i32
    %dma_wait3A_15 = tpu.memref_slice %arg3[%dma_wait3A, %dma_wait3A_14] : memref<100000x64xf32, #tpu.memory_space<hbm>> -> memref<256x64xf32, #tpu.memory_space<hbm>>
    %dma_wait3A_16 = arith.constant 0 : i32
    %dma_wait3A_17 = arith.constant 0 : i32
    %dma_wait3A_18 = tpu.memref_slice %arg3[%dma_wait3A_16, %dma_wait3A_17] : memref<100000x64xf32, #tpu.memory_space<hbm>> -> memref<256x64xf32, #tpu.memory_space<hbm>>
    tpu.wait_dma2 semaphore(%arg26 : memref<!tpu.dma_semaphore, #tpu.memory_space<semaphore_mem>>) src(%dma_wait3A_18 : memref<256x64xf32, #tpu.memory_space<hbm>>) dst(%arg20 : memref<256x64xf32, #tpu.memory_space<vmem>>)
    %dma_wait3A_19 = arith.constant 0 : i32
    %dma_wait3A_20 = arith.constant 0 : i32
    %dma_wait3A_21 = tpu.memref_slice %arg3[%dma_wait3A_19, %dma_wait3A_20] : memref<100000x64xf32, #tpu.memory_space<hbm>> -> memref<256x64xf32, #tpu.memory_space<hbm>>
    %dma_wait3A_22 = arith.constant 0 : i32
    %dma_wait3A_23 = arith.constant 0 : i32
    %dma_wait3A_24 = tpu.memref_slice %arg3[%dma_wait3A_22, %dma_wait3A_23] : memref<100000x64xf32, #tpu.memory_space<hbm>> -> memref<256x64xf32, #tpu.memory_space<hbm>>
    tpu.wait_dma2 semaphore(%arg26 : memref<!tpu.dma_semaphore, #tpu.memory_space<semaphore_mem>>) src(%dma_wait3A_24 : memref<256x64xf32, #tpu.memory_space<hbm>>) dst(%arg21 : memref<256x64xf32, #tpu.memory_space<vmem>>)
    %dma_wait3A_25 = arith.constant 0 : i32
    %dma_wait3A_26 = arith.constant 0 : i32
    %dma_wait3A_27 = tpu.memref_slice %arg3[%dma_wait3A_25, %dma_wait3A_26] : memref<100000x64xf32, #tpu.memory_space<hbm>> -> memref<256x64xf32, #tpu.memory_space<hbm>>
    %dma_wait3A_28 = arith.constant 0 : i32
    %dma_wait3A_29 = arith.constant 0 : i32
    %dma_wait3A_30 = tpu.memref_slice %arg3[%dma_wait3A_28, %dma_wait3A_29] : memref<100000x64xf32, #tpu.memory_space<hbm>> -> memref<256x64xf32, #tpu.memory_space<hbm>>
    tpu.wait_dma2 semaphore(%arg26 : memref<!tpu.dma_semaphore, #tpu.memory_space<semaphore_mem>>) src(%dma_wait3A_30 : memref<256x64xf32, #tpu.memory_space<hbm>>) dst(%arg22 : memref<256x64xf32, #tpu.memory_space<vmem>>)
    %dma_wait3A_31 = arith.constant 0 : i32
    %dma_wait3A_32 = tpu.memref_slice %arg5[%dma_wait3A_31] : memref<1000000xf32, #tpu.memory_space<hbm>> -> memref<1000000xf32, #tpu.memory_space<hbm>>
    tpu.wait_indirect_dma semaphore(%arg27 : memref<!tpu.dma_semaphore, #tpu.memory_space<semaphore_mem>>) src(%dma_wait3A_32 : memref<1000000xf32, #tpu.memory_space<hbm>>) dst(%arg23 : memref<256xf32, #tpu.memory_space<vmem>>)
    %dma_wait3A_33 = arith.constant 0 : i32
    %dma_wait3A_34 = tpu.memref_slice %arg6[%dma_wait3A_33] : memref<100000xf32, #tpu.memory_space<hbm>> -> memref<100000xf32, #tpu.memory_space<hbm>>
    tpu.wait_indirect_dma semaphore(%arg27 : memref<!tpu.dma_semaphore, #tpu.memory_space<semaphore_mem>>) src(%dma_wait3A_34 : memref<100000xf32, #tpu.memory_space<hbm>>) dst(%arg24 : memref<256xf32, #tpu.memory_space<vmem>>)
    %dma_wait3A_35 = arith.constant 0 : i32
    %dma_wait3A_36 = tpu.memref_slice %arg7[%dma_wait3A_35] : memref<1000xf32, #tpu.memory_space<hbm>> -> memref<1000xf32, #tpu.memory_space<hbm>>
    tpu.wait_indirect_dma semaphore(%arg27 : memref<!tpu.dma_semaphore, #tpu.memory_space<semaphore_mem>>) src(%dma_wait3A_36 : memref<1000xf32, #tpu.memory_space<hbm>>) dst(%arg25 : memref<256xf32, #tpu.memory_space<vmem>>)
    "tpu.region"() ({
      %run_scoped3A = tpu.sem_alloc : memref<!tpu.dma_semaphore, #tpu.memory_space<semaphore_mem>>
      %dma_start3A_74 = arith.constant 0 : i32
      %dma_start3A_75 = tpu.memref_slice %arg11[%add3A_4, %dma_start3A_74] : memref<16384x64xf32, #tpu.memory_space<hbm>> -> memref<256x64xf32, #tpu.memory_space<hbm>>
      %dma_start3A_76 = arith.constant 0 : i32
      %dma_start3A_77 = tpu.memref_slice %arg11[%add3A_4, %dma_start3A_76] : memref<16384x64xf32, #tpu.memory_space<hbm>> -> memref<256x64xf32, #tpu.memory_space<hbm>>
      tpu.enqueue_dma source(%arg20 : memref<256x64xf32, #tpu.memory_space<vmem>>) target(%dma_start3A_77 : memref<256x64xf32, #tpu.memory_space<hbm>>) target_semaphore(%run_scoped3A : memref<!tpu.dma_semaphore, #tpu.memory_space<semaphore_mem>>)
      %dma_wait3A_78 = arith.constant 0 : i32
      %dma_wait3A_79 = tpu.memref_slice %arg11[%add3A_4, %dma_wait3A_78] : memref<16384x64xf32, #tpu.memory_space<hbm>> -> memref<256x64xf32, #tpu.memory_space<hbm>>
      %dma_wait3A_80 = arith.constant 0 : i32
      %dma_wait3A_81 = tpu.memref_slice %arg11[%add3A_4, %dma_wait3A_80] : memref<16384x64xf32, #tpu.memory_space<hbm>> -> memref<256x64xf32, #tpu.memory_space<hbm>>
      tpu.wait_dma2 semaphore(%run_scoped3A : memref<!tpu.dma_semaphore, #tpu.memory_space<semaphore_mem>>) src(%arg20 : memref<256x64xf32, #tpu.memory_space<vmem>>) dst(%dma_wait3A_81 : memref<256x64xf32, #tpu.memory_space<hbm>>)
      tpu.yield
    }) : () -> ()
    "tpu.region"() ({
      %run_scoped3A = tpu.sem_alloc : memref<!tpu.dma_semaphore, #tpu.memory_space<semaphore_mem>>
      %dma_start3A_74 = arith.constant 0 : i32
      %dma_start3A_75 = tpu.memref_slice %arg12[%add3A_4, %dma_start3A_74] : memref<16384x64xf32, #tpu.memory_space<hbm>> -> memref<256x64xf32, #tpu.memory_space<hbm>>
      %dma_start3A_76 = arith.constant 0 : i32
      %dma_start3A_77 = tpu.memref_slice %arg12[%add3A_4, %dma_start3A_76] : memref<16384x64xf32, #tpu.memory_space<hbm>> -> memref<256x64xf32, #tpu.memory_space<hbm>>
      tpu.enqueue_dma source(%arg21 : memref<256x64xf32, #tpu.memory_space<vmem>>) target(%dma_start3A_77 : memref<256x64xf32, #tpu.memory_space<hbm>>) target_semaphore(%run_scoped3A : memref<!tpu.dma_semaphore, #tpu.memory_space<semaphore_mem>>)
      %dma_wait3A_78 = arith.constant 0 : i32
      %dma_wait3A_79 = tpu.memref_slice %arg12[%add3A_4, %dma_wait3A_78] : memref<16384x64xf32, #tpu.memory_space<hbm>> -> memref<256x64xf32, #tpu.memory_space<hbm>>
      %dma_wait3A_80 = arith.constant 0 : i32
      %dma_wait3A_81 = tpu.memref_slice %arg12[%add3A_4, %dma_wait3A_80] : memref<16384x64xf32, #tpu.memory_space<hbm>> -> memref<256x64xf32, #tpu.memory_space<hbm>>
      tpu.wait_dma2 semaphore(%run_scoped3A : memref<!tpu.dma_semaphore, #tpu.memory_space<semaphore_mem>>) src(%arg21 : memref<256x64xf32, #tpu.memory_space<vmem>>) dst(%dma_wait3A_81 : memref<256x64xf32, #tpu.memory_space<hbm>>)
      tpu.yield
    }) : () -> ()
    "tpu.region"() ({
      %run_scoped3A = tpu.sem_alloc : memref<!tpu.dma_semaphore, #tpu.memory_space<semaphore_mem>>
      %dma_start3A_74 = arith.constant 0 : i32
      %dma_start3A_75 = tpu.memref_slice %arg13[%add3A_4, %dma_start3A_74] : memref<16384x64xf32, #tpu.memory_space<hbm>> -> memref<256x64xf32, #tpu.memory_space<hbm>>
      %dma_start3A_76 = arith.constant 0 : i32
      %dma_start3A_77 = tpu.memref_slice %arg13[%add3A_4, %dma_start3A_76] : memref<16384x64xf32, #tpu.memory_space<hbm>> -> memref<256x64xf32, #tpu.memory_space<hbm>>
      tpu.enqueue_dma source(%arg22 : memref<256x64xf32, #tpu.memory_space<vmem>>) target(%dma_start3A_77 : memref<256x64xf32, #tpu.memory_space<hbm>>) target_semaphore(%run_scoped3A : memref<!tpu.dma_semaphore, #tpu.memory_space<semaphore_mem>>)
      %dma_wait3A_78 = arith.constant 0 : i32
      %dma_wait3A_79 = tpu.memref_slice %arg13[%add3A_4, %dma_wait3A_78] : memref<16384x64xf32, #tpu.memory_space<hbm>> -> memref<256x64xf32, #tpu.memory_space<hbm>>
      %dma_wait3A_80 = arith.constant 0 : i32
      %dma_wait3A_81 = tpu.memref_slice %arg13[%add3A_4, %dma_wait3A_80] : memref<16384x64xf32, #tpu.memory_space<hbm>> -> memref<256x64xf32, #tpu.memory_space<hbm>>
      tpu.wait_dma2 semaphore(%run_scoped3A : memref<!tpu.dma_semaphore, #tpu.memory_space<semaphore_mem>>) src(%arg22 : memref<256x64xf32, #tpu.memory_space<vmem>>) dst(%dma_wait3A_81 : memref<256x64xf32, #tpu.memory_space<hbm>>)
      tpu.yield
    }) : () -> ()
    "tpu.region"() ({
      %run_scoped3A = tpu.sem_alloc : memref<!tpu.dma_semaphore, #tpu.memory_space<semaphore_mem>>
      %dma_start3A_74 = tpu.memref_slice %arg14[%add3A_4] : memref<16384xf32, #tpu.memory_space<hbm>> -> memref<256xf32, #tpu.memory_space<hbm>>
      %dma_start3A_75 = tpu.memref_slice %arg14[%add3A_4] : memref<16384xf32, #tpu.memory_space<hbm>> -> memref<256xf32, #tpu.memory_space<hbm>>
      tpu.enqueue_dma source(%arg23 : memref<256xf32, #tpu.memory_space<vmem>>) target(%dma_start3A_75 : memref<256xf32, #tpu.memory_space<hbm>>) target_semaphore(%run_scoped3A : memref<!tpu.dma_semaphore, #tpu.memory_space<semaphore_mem>>)
      %dma_wait3A_76 = tpu.memref_slice %arg14[%add3A_4] : memref<16384xf32, #tpu.memory_space<hbm>> -> memref<256xf32, #tpu.memory_space<hbm>>
      %dma_wait3A_77 = tpu.memref_slice %arg14[%add3A_4] : memref<16384xf32, #tpu.memory_space<hbm>> -> memref<256xf32, #tpu.memory_space<hbm>>
      tpu.wait_dma2 semaphore(%run_scoped3A : memref<!tpu.dma_semaphore, #tpu.memory_space<semaphore_mem>>) src(%arg23 : memref<256xf32, #tpu.memory_space<vmem>>) dst(%dma_wait3A_77 : memref<256xf32, #tpu.memory_space<hbm>>)
      tpu.yield
    }) : () -> ()
    "tpu.region"() ({
      %run_scoped3A = tpu.sem_alloc : memref<!tpu.dma_semaphore, #tpu.memory_space<semaphore_mem>>
      %dma_start3A_74 = tpu.memref_slice %arg15[%add3A_4] : memref<16384xf32, #tpu.memory_space<hbm>> -> memref<256xf32, #tpu.memory_space<hbm>>
      %dma_start3A_75 = tpu.memref_slice %arg15[%add3A_4] : memref<16384xf32, #tpu.memory_space<hbm>> -> memref<256xf32, #tpu.memory_space<hbm>>
      tpu.enqueue_dma source(%arg24 : memref<256xf32, #tpu.memory_space<vmem>>) target(%dma_start3A_75 : memref<256xf32, #tpu.memory_space<hbm>>) target_semaphore(%run_scoped3A : memref<!tpu.dma_semaphore, #tpu.memory_space<semaphore_mem>>)
      %dma_wait3A_76 = tpu.memref_slice %arg15[%add3A_4] : memref<16384xf32, #tpu.memory_space<hbm>> -> memref<256xf32, #tpu.memory_space<hbm>>
      %dma_wait3A_77 = tpu.memref_slice %arg15[%add3A_4] : memref<16384xf32, #tpu.memory_space<hbm>> -> memref<256xf32, #tpu.memory_space<hbm>>
      tpu.wait_dma2 semaphore(%run_scoped3A : memref<!tpu.dma_semaphore, #tpu.memory_space<semaphore_mem>>) src(%arg24 : memref<256xf32, #tpu.memory_space<vmem>>) dst(%dma_wait3A_77 : memref<256xf32, #tpu.memory_space<hbm>>)
      tpu.yield
    }) : () -> ()
    "tpu.region"() ({
      %run_scoped3A = tpu.sem_alloc : memref<!tpu.dma_semaphore, #tpu.memory_space<semaphore_mem>>
      %dma_start3A_74 = tpu.memref_slice %arg16[%add3A_4] : memref<16384xf32, #tpu.memory_space<hbm>> -> memref<256xf32, #tpu.memory_space<hbm>>
      %dma_start3A_75 = tpu.memref_slice %arg16[%add3A_4] : memref<16384xf32, #tpu.memory_space<hbm>> -> memref<256xf32, #tpu.memory_space<hbm>>
      tpu.enqueue_dma source(%arg25 : memref<256xf32, #tpu.memory_space<vmem>>) target(%dma_start3A_75 : memref<256xf32, #tpu.memory_space<hbm>>) target_semaphore(%run_scoped3A : memref<!tpu.dma_semaphore, #tpu.memory_space<semaphore_mem>>)
      %dma_wait3A_76 = tpu.memref_slice %arg16[%add3A_4] : memref<16384xf32, #tpu.memory_space<hbm>> -> memref<256xf32, #tpu.memory_space<hbm>>
      %dma_wait3A_77 = tpu.memref_slice %arg16[%add3A_4] : memref<16384xf32, #tpu.memory_space<hbm>> -> memref<256xf32, #tpu.memory_space<hbm>>
      tpu.wait_dma2 semaphore(%run_scoped3A : memref<!tpu.dma_semaphore, #tpu.memory_space<semaphore_mem>>) src(%arg25 : memref<256xf32, #tpu.memory_space<vmem>>) dst(%dma_wait3A_77 : memref<256xf32, #tpu.memory_space<hbm>>)
      tpu.yield
    }) : () -> ()
    %add3A_37 = arith.constant 256 : i32
    %add3A_38 = arith.addi %mul3A_2, %add3A_37 : i32
    "tpu.region"() ({
      %run_scoped3A = tpu.sem_alloc : memref<!tpu.dma_semaphore, #tpu.memory_space<semaphore_mem>>
      %dma_start3A_74 = tpu.memref_slice %arg8[%add3A_38] : memref<16384xi32, #tpu.memory_space<hbm>> -> memref<256xi32, #tpu.memory_space<hbm>>
      %dma_start3A_75 = tpu.memref_slice %arg8[%add3A_38] : memref<16384xi32, #tpu.memory_space<hbm>> -> memref<256xi32, #tpu.memory_space<hbm>>
      tpu.enqueue_dma source(%dma_start3A_75 : memref<256xi32, #tpu.memory_space<hbm>>) target(%arg17 : memref<256xi32, #tpu.memory_space<vmem>>) target_semaphore(%run_scoped3A : memref<!tpu.dma_semaphore, #tpu.memory_space<semaphore_mem>>)
      %dma_wait3A_76 = tpu.memref_slice %arg8[%add3A_38] : memref<16384xi32, #tpu.memory_space<hbm>> -> memref<256xi32, #tpu.memory_space<hbm>>
      %dma_wait3A_77 = tpu.memref_slice %arg8[%add3A_38] : memref<16384xi32, #tpu.memory_space<hbm>> -> memref<256xi32, #tpu.memory_space<hbm>>
      tpu.wait_dma2 semaphore(%run_scoped3A : memref<!tpu.dma_semaphore, #tpu.memory_space<semaphore_mem>>) src(%dma_wait3A_77 : memref<256xi32, #tpu.memory_space<hbm>>) dst(%arg17 : memref<256xi32, #tpu.memory_space<vmem>>)
      tpu.yield
    }) : () -> ()
    "tpu.region"() ({
      %run_scoped3A = tpu.sem_alloc : memref<!tpu.dma_semaphore, #tpu.memory_space<semaphore_mem>>
      %dma_start3A_74 = tpu.memref_slice %arg9[%add3A_38] : memref<16384xi32, #tpu.memory_space<hbm>> -> memref<256xi32, #tpu.memory_space<hbm>>
      %dma_start3A_75 = tpu.memref_slice %arg9[%add3A_38] : memref<16384xi32, #tpu.memory_space<hbm>> -> memref<256xi32, #tpu.memory_space<hbm>>
      tpu.enqueue_dma source(%dma_start3A_75 : memref<256xi32, #tpu.memory_space<hbm>>) target(%arg18 : memref<256xi32, #tpu.memory_space<vmem>>) target_semaphore(%run_scoped3A : memref<!tpu.dma_semaphore, #tpu.memory_space<semaphore_mem>>)
      %dma_wait3A_76 = tpu.memref_slice %arg9[%add3A_38] : memref<16384xi32, #tpu.memory_space<hbm>> -> memref<256xi32, #tpu.memory_space<hbm>>
      %dma_wait3A_77 = tpu.memref_slice %arg9[%add3A_38] : memref<16384xi32, #tpu.memory_space<hbm>> -> memref<256xi32, #tpu.memory_space<hbm>>
      tpu.wait_dma2 semaphore(%run_scoped3A : memref<!tpu.dma_semaphore, #tpu.memory_space<semaphore_mem>>) src(%dma_wait3A_77 : memref<256xi32, #tpu.memory_space<hbm>>) dst(%arg18 : memref<256xi32, #tpu.memory_space<vmem>>)
      tpu.yield
    }) : () -> ()
    "tpu.region"() ({
      %run_scoped3A = tpu.sem_alloc : memref<!tpu.dma_semaphore, #tpu.memory_space<semaphore_mem>>
      %dma_start3A_74 = tpu.memref_slice %arg10[%add3A_38] : memref<16384xi32, #tpu.memory_space<hbm>> -> memref<256xi32, #tpu.memory_space<hbm>>
      %dma_start3A_75 = tpu.memref_slice %arg10[%add3A_38] : memref<16384xi32, #tpu.memory_space<hbm>> -> memref<256xi32, #tpu.memory_space<hbm>>
      tpu.enqueue_dma source(%dma_start3A_75 : memref<256xi32, #tpu.memory_space<hbm>>) target(%arg19 : memref<256xi32, #tpu.memory_space<vmem>>) target_semaphore(%run_scoped3A : memref<!tpu.dma_semaphore, #tpu.memory_space<semaphore_mem>>)
      %dma_wait3A_76 = tpu.memref_slice %arg10[%add3A_38] : memref<16384xi32, #tpu.memory_space<hbm>> -> memref<256xi32, #tpu.memory_space<hbm>>
      %dma_wait3A_77 = tpu.memref_slice %arg10[%add3A_38] : memref<16384xi32, #tpu.memory_space<hbm>> -> memref<256xi32, #tpu.memory_space<hbm>>
      tpu.wait_dma2 semaphore(%run_scoped3A : memref<!tpu.dma_semaphore, #tpu.memory_space<semaphore_mem>>) src(%dma_wait3A_77 : memref<256xi32, #tpu.memory_space<hbm>>) dst(%arg19 : memref<256xi32, #tpu.memory_space<vmem>>)
      tpu.yield
    }) : () -> ()
    %dma_start3A_39 = arith.constant 0 : i32
    %dma_start3A_40 = tpu.memref_slice %arg5[%dma_start3A_39] : memref<1000000xf32, #tpu.memory_space<hbm>> -> memref<1000000xf32, #tpu.memory_space<hbm>>
    tpu.enqueue_indirect_dma source(%dma_start3A_40 : memref<1000000xf32, #tpu.memory_space<hbm>>) target(%arg23 : memref<256xf32, #tpu.memory_space<vmem>>) offsets(%arg17 : memref<256xi32, #tpu.memory_space<vmem>>) semaphore(%arg27 : memref<!tpu.dma_semaphore, #tpu.memory_space<semaphore_mem>>)
    %dma_start3A_41 = arith.constant 0 : i32
    %dma_start3A_42 = tpu.memref_slice %arg6[%dma_start3A_41] : memref<100000xf32, #tpu.memory_space<hbm>> -> memref<100000xf32, #tpu.memory_space<hbm>>
    tpu.enqueue_indirect_dma source(%dma_start3A_42 : memref<100000xf32, #tpu.memory_space<hbm>>) target(%arg24 : memref<256xf32, #tpu.memory_space<vmem>>) offsets(%arg18 : memref<256xi32, #tpu.memory_space<vmem>>) semaphore(%arg27 : memref<!tpu.dma_semaphore, #tpu.memory_space<semaphore_mem>>)
    %dma_start3A_43 = arith.constant 0 : i32
    %dma_start3A_44 = tpu.memref_slice %arg7[%dma_start3A_43] : memref<1000xf32, #tpu.memory_space<hbm>> -> memref<1000xf32, #tpu.memory_space<hbm>>
    tpu.enqueue_indirect_dma source(%dma_start3A_44 : memref<1000xf32, #tpu.memory_space<hbm>>) target(%arg25 : memref<256xf32, #tpu.memory_space<vmem>>) offsets(%arg19 : memref<256xi32, #tpu.memory_space<vmem>>) semaphore(%arg27 : memref<!tpu.dma_semaphore, #tpu.memory_space<semaphore_mem>>)
    %scan3A_45 = arith.constant 0 : i32
    %scan3A_46 = arith.constant 16 : i32
    %scan3A_47 = arith.addi %scan3A_45, %scan3A_46 : i32
    %scan3A_48 = arith.constant 1 : i32
    scf.for %scan3A_74 = %scan3A_45 to %scan3A_47 step %scan3A_48  : i32 {
      %mul3A_75 = arith.constant 1 : i32
      %mul3A_76 = arith.muli %scan3A_74, %mul3A_75 : i32
      %add3A_77 = arith.constant 0 : i32
      %add3A_78 = arith.addi %add3A_77, %mul3A_76 : i32
      %mul3A_79 = arith.constant 16 : i32
      %mul3A_80 = arith.muli %add3A_78, %mul3A_79 : i32
      %get3A = arith.index_cast %mul3A_80 : i32 to index
      %get3A_81 = tpu.vector_load %arg17[%get3A] {strides = array<i32>} : memref<256xi32, #tpu.memory_space<vmem>>, vector<16xi32>,
      %get3A_82 = vector.shape_cast %get3A_81 : vector<16xi32> to vector<16xi32>
      %mul3A_83 = arith.constant 16 : i32
      %mul3A_84 = arith.muli %add3A_78, %mul3A_83 : i32
      %get3A_85 = arith.index_cast %mul3A_84 : i32 to index
      %get3A_86 = tpu.vector_load %arg18[%get3A_85] {strides = array<i32>} : memref<256xi32, #tpu.memory_space<vmem>>, vector<16xi32>,
      %get3A_87 = vector.shape_cast %get3A_86 : vector<16xi32> to vector<16xi32>
      %mul3A_88 = arith.constant 16 : i32
      %mul3A_89 = arith.muli %add3A_78, %mul3A_88 : i32
      %get3A_90 = arith.index_cast %mul3A_89 : i32 to index
      %get3A_91 = tpu.vector_load %arg19[%get3A_90] {strides = array<i32>} : memref<256xi32, #tpu.memory_space<vmem>>, vector<16xi32>,
      %get3A_92 = vector.shape_cast %get3A_91 : vector<16xi32> to vector<16xi32>
      %mul3A_93 = arith.constant 16 : i32
      %mul3A_94 = arith.muli %add3A_78, %mul3A_93 : i32
      %add3A_95 = arith.constant 0 : i32
      %add3A_96 = arith.addi %mul3A_94, %add3A_95 : i32
      %slice3A = vector.extract_strided_slice %get3A_82 {offsets = [0], sizes = [1], strides = [1]} : vector<16xi32> to vector<1xi32>
      %squeeze3A = vector.extract %slice3A[0] : i32 from vector<1xi32>
      %ge3A = arith.constant 500000 : i32
      %ge3A_97 = arith.cmpi sge, %squeeze3A, %ge3A : i32
      %convert_element_type3A = arith.extui %ge3A_97 : i1 to i32
      %mul3A_98 = arith.constant 500000 : i32
      %mul3A_99 = arith.muli %convert_element_type3A, %mul3A_98 : i32
      %sub3A = arith.subi %squeeze3A, %mul3A_99 : i32
      %dma_start3A_100 = arith.constant 0 : i32
      %dma_start3A_101 = tpu.memref_slice %arg20[%add3A_96, %dma_start3A_100] : memref<256x64xf32, #tpu.memory_space<vmem>> -> memref<1x64xf32, #tpu.memory_space<vmem>>
      %dma_start3A_102 = arith.constant 0 : i32
      %dma_start3A_103 = arith.constant 0 : i32
      %dma_start3A_104 = tpu.memref_slice %arg2[%convert_element_type3A, %dma_start3A_102, %dma_start3A_103] : memref<2x500000x64xf32, #tpu.memory_space<hbm>> -> memref<1x500000x64xf32, #tpu.memory_space<hbm>>
      %dma_start3A_105 = tpu.memref_squeeze %dma_start3A_104 : memref<1x500000x64xf32, #tpu.memory_space<hbm>> -> memref<500000x64xf32, #tpu.memory_space<hbm>>
      %dma_start3A_106 = arith.constant 0 : i32
      %dma_start3A_107 = tpu.memref_slice %dma_start3A_105[%sub3A, %dma_start3A_106] : memref<500000x64xf32, #tpu.memory_space<hbm>> -> memref<1x64xf32, #tpu.memory_space<hbm>>
      %dma_start3A_108 = arith.constant 0 : i32
      %dma_start3A_109 = tpu.memref_slice %arg20[%add3A_96, %dma_start3A_108] : memref<256x64xf32, #tpu.memory_space<vmem>> -> memref<1x64xf32, #tpu.memory_space<vmem>>
      %dma_start3A_110 = arith.constant 0 : i32
      %dma_start3A_111 = arith.constant 0 : i32
      %dma_start3A_112 = tpu.memref_slice %arg2[%convert_element_type3A, %dma_start3A_110, %dma_start3A_111] : memref<2x500000x64xf32, #tpu.memory_space<hbm>> -> memref<1x500000x64xf32, #tpu.memory_space<hbm>>
      %dma_start3A_113 = tpu.memref_squeeze %dma_start3A_112 : memref<1x500000x64xf32, #tpu.memory_space<hbm>> -> memref<500000x64xf32, #tpu.memory_space<hbm>>
      %dma_start3A_114 = arith.constant 0 : i32
      %dma_start3A_115 = tpu.memref_slice %dma_start3A_113[%sub3A, %dma_start3A_114] : memref<500000x64xf32, #tpu.memory_space<hbm>> -> memref<1x64xf32, #tpu.memory_space<hbm>>
      tpu.enqueue_dma source(%dma_start3A_115 : memref<1x64xf32, #tpu.memory_space<hbm>>) target(%dma_start3A_109 : memref<1x64xf32, #tpu.memory_space<vmem>>) target_semaphore(%arg26 : memref<!tpu.dma_semaphore, #tpu.memory_space<semaphore_mem>>)
      %slice3A_116 = vector.extract_strided_slice %get3A_87 {offsets = [0], sizes = [1], strides = [1]} : vector<16xi32> to vector<1xi32>
      %squeeze3A_117 = vector.extract %slice3A_116[0] : i32 from vector<1xi32>
      %dma_start3A_118 = arith.constant 0 : i32
      %dma_start3A_119 = tpu.memref_slice %arg21[%add3A_96, %dma_start3A_118] : memref<256x64xf32, #tpu.memory_space<vmem>> -> memref<1x64xf32, #tpu.memory_space<vmem>>
      %dma_start3A_120 = arith.constant 0 : i32
      %dma_start3A_121 = tpu.memref_slice %arg3[%squeeze3A_117, %dma_start3A_120] : memref<100000x64xf32, #tpu.memory_space<hbm>> -> memref<1x64xf32, #tpu.memory_space<hbm>>
      %dma_start3A_122 = arith.constant 0 : i32
      %dma_start3A_123 = tpu.memref_slice %arg21[%add3A_96, %dma_start3A_122] : memref<256x64xf32, #tpu.memory_space<vmem>> -> memref<1x64xf32, #tpu.memory_space<vmem>>
      %dma_start3A_124 = arith.constant 0 : i32
      %dma_start3A_125 = tpu.memref_slice %arg3[%squeeze3A_117, %dma_start3A_124] : memref<100000x64xf32, #tpu.memory_space<hbm>> -> memref<1x64xf32, #tpu.memory_space<hbm>>
      tpu.enqueue_dma source(%dma_start3A_125 : memref<1x64xf32, #tpu.memory_space<hbm>>) target(%dma_start3A_123 : memref<1x64xf32, #tpu.memory_space<vmem>>) target_semaphore(%arg26 : memref<!tpu.dma_semaphore, #tpu.memory_space<semaphore_mem>>)
      %slice3A_126 = vector.extract_strided_slice %get3A_92 {offsets = [0], sizes = [1], strides = [1]} : vector<16xi32> to vector<1xi32>
      %squeeze3A_127 = vector.extract %slice3A_126[0] : i32 from vector<1xi32>
      %dma_start3A_128 = arith.constant 0 : i32
      %dma_start3A_129 = tpu.memref_slice %arg22[%add3A_96, %dma_start3A_128] : memref<256x64xf32, #tpu.memory_space<vmem>> -> memref<1x64xf32, #tpu.memory_space<vmem>>
      %dma_start3A_130 = arith.constant 0 : i32
      %dma_start3A_131 = tpu.memref_slice %arg4[%squeeze3A_127, %dma_start3A_130] : memref<1000x64xf32, #tpu.memory_space<hbm>> -> memref<1x64xf32, #tpu.memory_space<hbm>>
      %dma_start3A_132 = arith.constant 0 : i32
      %dma_start3A_133 = tpu.memref_slice %arg22[%add3A_96, %dma_start3A_132] : memref<256x64xf32, #tpu.memory_space<vmem>> -> memref<1x64xf32, #tpu.memory_space<vmem>>
      %dma_start3A_134 = arith.constant 0 : i32
      %dma_start3A_135 = tpu.memref_slice %arg4[%squeeze3A_127, %dma_start3A_134] : memref<1000x64xf32, #tpu.memory_space<hbm>> -> memref<1x64xf32, #tpu.memory_space<hbm>>
      tpu.enqueue_dma source(%dma_start3A_135 : memref<1x64xf32, #tpu.memory_space<hbm>>) target(%dma_start3A_133 : memref<1x64xf32, #tpu.memory_space<vmem>>) target_semaphore(%arg26 : memref<!tpu.dma_semaphore, #tpu.memory_space<semaphore_mem>>)
      %mul3A_136 = arith.constant 16 : i32
      %mul3A_137 = arith.muli %add3A_78, %mul3A_136 : i32
      %add3A_138 = arith.constant 1 : i32
      %add3A_139 = arith.addi %mul3A_137, %add3A_138 : i32
      %slice3A_140 = vector.extract_strided_slice %get3A_82 {offsets = [1], sizes = [1], strides = [1]} : vector<16xi32> to vector<1xi32>
      %squeeze3A_141 = vector.extract %slice3A_140[0] : i32 from vector<1xi32>
      %ge3A_142 = arith.constant 500000 : i32
      %ge3A_143 = arith.cmpi sge, %squeeze3A_141, %ge3A_142 : i32
      %convert_element_type3A_144 = arith.extui %ge3A_143 : i1 to i32
      %mul3A_145 = arith.constant 500000 : i32
      %mul3A_146 = arith.muli %convert_element_type3A_144, %mul3A_145 : i32
      %sub3A_147 = arith.subi %squeeze3A_141, %mul3A_146 : i32
      %dma_start3A_148 = arith.constant 0 : i32
      %dma_start3A_149 = tpu.memref_slice %arg20[%add3A_139, %dma_start3A_148] : memref<256x64xf32, #tpu.memory_space<vmem>> -> memref<1x64xf32, #tpu.memory_space<vmem>>
      %dma_start3A_150 = arith.constant 0 : i32
      %dma_start3A_151 = arith.constant 0 : i32
      %dma_start3A_152 = tpu.memref_slice %arg2[%convert_element_type3A_144, %dma_start3A_150, %dma_start3A_151] : memref<2x500000x64xf32, #tpu.memory_space<hbm>> -> memref<1x500000x64xf32, #tpu.memory_space<hbm>>
      %dma_start3A_153 = tpu.memref_squeeze %dma_start3A_152 : memref<1x500000x64xf32, #tpu.memory_space<hbm>> -> memref<500000x64xf32, #tpu.memory_space<hbm>>
      %dma_start3A_154 = arith.constant 0 : i32
      %dma_start3A_155 = tpu.memref_slice %dma_start3A_153[%sub3A_147, %dma_start3A_154] : memref<500000x64xf32, #tpu.memory_space<hbm>> -> memref<1x64xf32, #tpu.memory_space<hbm>>
      %dma_start3A_156 = arith.constant 0 : i32
      %dma_start3A_157 = tpu.memref_slice %arg20[%add3A_139, %dma_start3A_156] : memref<256x64xf32, #tpu.memory_space<vmem>> -> memref<1x64xf32, #tpu.memory_space<vmem>>
      %dma_start3A_158 = arith.constant 0 : i32
      %dma_start3A_159 = arith.constant 0 : i32
      %dma_start3A_160 = tpu.memref_slice %arg2[%convert_element_type3A_144, %dma_start3A_158, %dma_start3A_159] : memref<2x500000x64xf32, #tpu.memory_space<hbm>> -> memref<1x500000x64xf32, #tpu.memory_space<hbm>>
      %dma_start3A_161 = tpu.memref_squeeze %dma_start3A_160 : memref<1x500000x64xf32, #tpu.memory_space<hbm>> -> memref<500000x64xf32, #tpu.memory_space<hbm>>
      %dma_start3A_162 = arith.constant 0 : i32
      %dma_start3A_163 = tpu.memref_slice %dma_start3A_161[%sub3A_147, %dma_start3A_162] : memref<500000x64xf32, #tpu.memory_space<hbm>> -> memref<1x64xf32, #tpu.memory_space<hbm>>
      tpu.enqueue_dma source(%dma_start3A_163 : memref<1x64xf32, #tpu.memory_space<hbm>>) target(%dma_start3A_157 : memref<1x64xf32, #tpu.memory_space<vmem>>) target_semaphore(%arg26 : memref<!tpu.dma_semaphore, #tpu.memory_space<semaphore_mem>>)
      %slice3A_164 = vector.extract_strided_slice %get3A_87 {offsets = [1], sizes = [1], strides = [1]} : vector<16xi32> to vector<1xi32>
      %squeeze3A_165 = vector.extract %slice3A_164[0] : i32 from vector<1xi32>
      %dma_start3A_166 = arith.constant 0 : i32
      %dma_start3A_167 = tpu.memref_slice %arg21[%add3A_139, %dma_start3A_166] : memref<256x64xf32, #tpu.memory_space<vmem>> -> memref<1x64xf32, #tpu.memory_space<vmem>>
      %dma_start3A_168 = arith.constant 0 : i32
      %dma_start3A_169 = tpu.memref_slice %arg3[%squeeze3A_165, %dma_start3A_168] : memref<100000x64xf32, #tpu.memory_space<hbm>> -> memref<1x64xf32, #tpu.memory_space<hbm>>
      %dma_start3A_170 = arith.constant 0 : i32
      %dma_start3A_171 = tpu.memref_slice %arg21[%add3A_139, %dma_start3A_170] : memref<256x64xf32, #tpu.memory_space<vmem>> -> memref<1x64xf32, #tpu.memory_space<vmem>>
      %dma_start3A_172 = arith.constant 0 : i32
      %dma_start3A_173 = tpu.memref_slice %arg3[%squeeze3A_165, %dma_start3A_172] : memref<100000x64xf32, #tpu.memory_space<hbm>> -> memref<1x64xf32, #tpu.memory_space<hbm>>
      tpu.enqueue_dma source(%dma_start3A_173 : memref<1x64xf32, #tpu.memory_space<hbm>>) target(%dma_start3A_171 : memref<1x64xf32, #tpu.memory_space<vmem>>) target_semaphore(%arg26 : memref<!tpu.dma_semaphore, #tpu.memory_space<semaphore_mem>>)
      %slice3A_174 = vector.extract_strided_slice %get3A_92 {offsets = [1], sizes = [1], strides = [1]} : vector<16xi32> to vector<1xi32>
      %squeeze3A_175 = vector.extract %slice3A_174[0] : i32 from vector<1xi32>
      %dma_start3A_176 = arith.constant 0 : i32
      %dma_start3A_177 = tpu.memref_slice %arg22[%add3A_139, %dma_start3A_176] : memref<256x64xf32, #tpu.memory_space<vmem>> -> memref<1x64xf32, #tpu.memory_space<vmem>>
      %dma_start3A_178 = arith.constant 0 : i32
      %dma_start3A_179 = tpu.memref_slice %arg4[%squeeze3A_175, %dma_start3A_178] : memref<1000x64xf32, #tpu.memory_space<hbm>> -> memref<1x64xf32, #tpu.memory_space<hbm>>
      %dma_start3A_180 = arith.constant 0 : i32
      %dma_start3A_181 = tpu.memref_slice %arg22[%add3A_139, %dma_start3A_180] : memref<256x64xf32, #tpu.memory_space<vmem>> -> memref<1x64xf32, #tpu.memory_space<vmem>>
      %dma_start3A_182 = arith.constant 0 : i32
      %dma_start3A_183 = tpu.memref_slice %arg4[%squeeze3A_175, %dma_start3A_182] : memref<1000x64xf32, #tpu.memory_space<hbm>> -> memref<1x64xf32, #tpu.memory_space<hbm>>
      tpu.enqueue_dma source(%dma_start3A_183 : memref<1x64xf32, #tpu.memory_space<hbm>>) target(%dma_start3A_181 : memref<1x64xf32, #tpu.memory_space<vmem>>) target_semaphore(%arg26 : memref<!tpu.dma_semaphore, #tpu.memory_space<semaphore_mem>>)
      %mul3A_184 = arith.constant 16 : i32
      %mul3A_185 = arith.muli %add3A_78, %mul3A_184 : i32
      %add3A_186 = arith.constant 2 : i32
      %add3A_187 = arith.addi %mul3A_185, %add3A_186 : i32
      %slice3A_188 = vector.extract_strided_slice %get3A_82 {offsets = [2], sizes = [1], strides = [1]} : vector<16xi32> to vector<1xi32>
      %squeeze3A_189 = vector.extract %slice3A_188[0] : i32 from vector<1xi32>
      %ge3A_190 = arith.constant 500000 : i32
      %ge3A_191 = arith.cmpi sge, %squeeze3A_189, %ge3A_190 : i32
      %convert_element_type3A_192 = arith.extui %ge3A_191 : i1 to i32
      %mul3A_193 = arith.constant 500000 : i32
      %mul3A_194 = arith.muli %convert_element_type3A_192, %mul3A_193 : i32
      %sub3A_195 = arith.subi %squeeze3A_189, %mul3A_194 : i32
      %dma_start3A_196 = arith.constant 0 : i32
      %dma_start3A_197 = tpu.memref_slice %arg20[%add3A_187, %dma_start3A_196] : memref<256x64xf32, #tpu.memory_space<vmem>> -> memref<1x64xf32, #tpu.memory_space<vmem>>
      %dma_start3A_198 = arith.constant 0 : i32
      %dma_start3A_199 = arith.constant 0 : i32
      %dma_start3A_200 = tpu.memref_slice %arg2[%convert_element_type3A_192, %dma_start3A_198, %dma_start3A_199] : memref<2x500000x64xf32, #tpu.memory_space<hbm>> -> memref<1x500000x64xf32, #tpu.memory_space<hbm>>
      %dma_start3A_201 = tpu.memref_squeeze %dma_start3A_200 : memref<1x500000x64xf32, #tpu.memory_space<hbm>> -> memref<500000x64xf32, #tpu.memory_space<hbm>>
      %dma_start3A_202 = arith.constant 0 : i32
      %dma_start3A_203 = tpu.memref_slice %dma_start3A_201[%sub3A_195, %dma_start3A_202] : memref<500000x64xf32, #tpu.memory_space<hbm>> -> memref<1x64xf32, #tpu.memory_space<hbm>>
      %dma_start3A_204 = arith.constant 0 : i32
      %dma_start3A_205 = tpu.memref_slice %arg20[%add3A_187, %dma_start3A_204] : memref<256x64xf32, #tpu.memory_space<vmem>> -> memref<1x64xf32, #tpu.memory_space<vmem>>
      %dma_start3A_206 = arith.constant 0 : i32
      %dma_start3A_207 = arith.constant 0 : i32
      %dma_start3A_208 = tpu.memref_slice %arg2[%convert_element_type3A_192, %dma_start3A_206, %dma_start3A_207] : memref<2x500000x64xf32, #tpu.memory_space<hbm>> -> memref<1x500000x64xf32, #tpu.memory_space<hbm>>
      %dma_start3A_209 = tpu.memref_squeeze %dma_start3A_208 : memref<1x500000x64xf32, #tpu.memory_space<hbm>> -> memref<500000x64xf32, #tpu.memory_space<hbm>>
      %dma_start3A_210 = arith.constant 0 : i32
      %dma_start3A_211 = tpu.memref_slice %dma_start3A_209[%sub3A_195, %dma_start3A_210] : memref<500000x64xf32, #tpu.memory_space<hbm>> -> memref<1x64xf32, #tpu.memory_space<hbm>>
      tpu.enqueue_dma source(%dma_start3A_211 : memref<1x64xf32, #tpu.memory_space<hbm>>) target(%dma_start3A_205 : memref<1x64xf32, #tpu.memory_space<vmem>>) target_semaphore(%arg26 : memref<!tpu.dma_semaphore, #tpu.memory_space<semaphore_mem>>)
      %slice3A_212 = vector.extract_strided_slice %get3A_87 {offsets = [2], sizes = [1], strides = [1]} : vector<16xi32> to vector<1xi32>
      %squeeze3A_213 = vector.extract %slice3A_212[0] : i32 from vector<1xi32>
      %dma_start3A_214 = arith.constant 0 : i32
      %dma_start3A_215 = tpu.memref_slice %arg21[%add3A_187, %dma_start3A_214] : memref<256x64xf32, #tpu.memory_space<vmem>> -> memref<1x64xf32, #tpu.memory_space<vmem>>
      %dma_start3A_216 = arith.constant 0 : i32
      %dma_start3A_217 = tpu.memref_slice %arg3[%squeeze3A_213, %dma_start3A_216] : memref<100000x64xf32, #tpu.memory_space<hbm>> -> memref<1x64xf32, #tpu.memory_space<hbm>>
      %dma_start3A_218 = arith.constant 0 : i32
      %dma_start3A_219 = tpu.memref_slice %arg21[%add3A_187, %dma_start3A_218] : memref<256x64xf32, #tpu.memory_space<vmem>> -> memref<1x64xf32, #tpu.memory_space<vmem>>
      %dma_start3A_220 = arith.constant 0 : i32
      %dma_start3A_221 = tpu.memref_slice %arg3[%squeeze3A_213, %dma_start3A_220] : memref<100000x64xf32, #tpu.memory_space<hbm>> -> memref<1x64xf32, #tpu.memory_space<hbm>>
      tpu.enqueue_dma source(%dma_start3A_221 : memref<1x64xf32, #tpu.memory_space<hbm>>) target(%dma_start3A_219 : memref<1x64xf32, #tpu.memory_space<vmem>>) target_semaphore(%arg26 : memref<!tpu.dma_semaphore, #tpu.memory_space<semaphore_mem>>)
      %slice3A_222 = vector.extract_strided_slice %get3A_92 {offsets = [2], sizes = [1], strides = [1]} : vector<16xi32> to vector<1xi32>
      %squeeze3A_223 = vector.extract %slice3A_222[0] : i32 from vector<1xi32>
      %dma_start3A_224 = arith.constant 0 : i32
      %dma_start3A_225 = tpu.memref_slice %arg22[%add3A_187, %dma_start3A_224] : memref<256x64xf32, #tpu.memory_space<vmem>> -> memref<1x64xf32, #tpu.memory_space<vmem>>
      %dma_start3A_226 = arith.constant 0 : i32
      %dma_start3A_227 = tpu.memref_slice %arg4[%squeeze3A_223, %dma_start3A_226] : memref<1000x64xf32, #tpu.memory_space<hbm>> -> memref<1x64xf32, #tpu.memory_space<hbm>>
      %dma_start3A_228 = arith.constant 0 : i32
      %dma_start3A_229 = tpu.memref_slice %arg22[%add3A_187, %dma_start3A_228] : memref<256x64xf32, #tpu.memory_space<vmem>> -> memref<1x64xf32, #tpu.memory_space<vmem>>
      %dma_start3A_230 = arith.constant 0 : i32
      %dma_start3A_231 = tpu.memref_slice %arg4[%squeeze3A_223, %dma_start3A_230] : memref<1000x64xf32, #tpu.memory_space<hbm>> -> memref<1x64xf32, #tpu.memory_space<hbm>>
      tpu.enqueue_dma source(%dma_start3A_231 : memref<1x64xf32, #tpu.memory_space<hbm>>) target(%dma_start3A_229 : memref<1x64xf32, #tpu.memory_space<vmem>>) target_semaphore(%arg26 : memref<!tpu.dma_semaphore, #tpu.memory_space<semaphore_mem>>)
      %mul3A_232 = arith.constant 16 : i32
      %mul3A_233 = arith.muli %add3A_78, %mul3A_232 : i32
      %add3A_234 = arith.constant 3 : i32
      %add3A_235 = arith.addi %mul3A_233, %add3A_234 : i32
      %slice3A_236 = vector.extract_strided_slice %get3A_82 {offsets = [3], sizes = [1], strides = [1]} : vector<16xi32> to vector<1xi32>
      %squeeze3A_237 = vector.extract %slice3A_236[0] : i32 from vector<1xi32>
      %ge3A_238 = arith.constant 500000 : i32
      %ge3A_239 = arith.cmpi sge, %squeeze3A_237, %ge3A_238 : i32
      %convert_element_type3A_240 = arith.extui %ge3A_239 : i1 to i32
      %mul3A_241 = arith.constant 500000 : i32
      %mul3A_242 = arith.muli %convert_element_type3A_240, %mul3A_241 : i32
      %sub3A_243 = arith.subi %squeeze3A_237, %mul3A_242 : i32
      %dma_start3A_244 = arith.constant 0 : i32
      %dma_start3A_245 = tpu.memref_slice %arg20[%add3A_235, %dma_start3A_244] : memref<256x64xf32, #tpu.memory_space<vmem>> -> memref<1x64xf32, #tpu.memory_space<vmem>>
      %dma_start3A_246 = arith.constant 0 : i32
      %dma_start3A_247 = arith.constant 0 : i32
      %dma_start3A_248 = tpu.memref_slice %arg2[%convert_element_type3A_240, %dma_start3A_246, %dma_start3A_247] : memref<2x500000x64xf32, #tpu.memory_space<hbm>> -> memref<1x500000x64xf32, #tpu.memory_space<hbm>>
      %dma_start3A_249 = tpu.memref_squeeze %dma_start3A_248 : memref<1x500000x64xf32, #tpu.memory_space<hbm>> -> memref<500000x64xf32, #tpu.memory_space<hbm>>
      %dma_start3A_250 = arith.constant 0 : i32
      %dma_start3A_251 = tpu.memref_slice %dma_start3A_249[%sub3A_243, %dma_start3A_250] : memref<500000x64xf32, #tpu.memory_space<hbm>> -> memref<1x64xf32, #tpu.memory_space<hbm>>
      %dma_start3A_252 = arith.constant 0 : i32
      %dma_start3A_253 = tpu.memref_slice %arg20[%add3A_235, %dma_start3A_252] : memref<256x64xf32, #tpu.memory_space<vmem>> -> memref<1x64xf32, #tpu.memory_space<vmem>>
      %dma_start3A_254 = arith.constant 0 : i32
      %dma_start3A_255 = arith.constant 0 : i32
      %dma_start3A_256 = tpu.memref_slice %arg2[%convert_element_type3A_240, %dma_start3A_254, %dma_start3A_255] : memref<2x500000x64xf32, #tpu.memory_space<hbm>> -> memref<1x500000x64xf32, #tpu.memory_space<hbm>>
      %dma_start3A_257 = tpu.memref_squeeze %dma_start3A_256 : memref<1x500000x64xf32, #tpu.memory_space<hbm>> -> memref<500000x64xf32, #tpu.memory_space<hbm>>
      %dma_start3A_258 = arith.constant 0 : i32
      %dma_start3A_259 = tpu.memref_slice %dma_start3A_257[%sub3A_243, %dma_start3A_258] : memref<500000x64xf32, #tpu.memory_space<hbm>> -> memref<1x64xf32, #tpu.memory_space<hbm>>
      tpu.enqueue_dma source(%dma_start3A_259 : memref<1x64xf32, #tpu.memory_space<hbm>>) target(%dma_start3A_253 : memref<1x64xf32, #tpu.memory_space<vmem>>) target_semaphore(%arg26 : memref<!tpu.dma_semaphore, #tpu.memory_space<semaphore_mem>>)
      %slice3A_260 = vector.extract_strided_slice %get3A_87 {offsets = [3], sizes = [1], strides = [1]} : vector<16xi32> to vector<1xi32>
      %squeeze3A_261 = vector.extract %slice3A_260[0] : i32 from vector<1xi32>
      %dma_start3A_262 = arith.constant 0 : i32
      %dma_start3A_263 = tpu.memref_slice %arg21[%add3A_235, %dma_start3A_262] : memref<256x64xf32, #tpu.memory_space<vmem>> -> memref<1x64xf32, #tpu.memory_space<vmem>>
      %dma_start3A_264 = arith.constant 0 : i32
      %dma_start3A_265 = tpu.memref_slice %arg3[%squeeze3A_261, %dma_start3A_264] : memref<100000x64xf32, #tpu.memory_space<hbm>> -> memref<1x64xf32, #tpu.memory_space<hbm>>
      %dma_start3A_266 = arith.constant 0 : i32
      %dma_start3A_267 = tpu.memref_slice %arg21[%add3A_235, %dma_start3A_266] : memref<256x64xf32, #tpu.memory_space<vmem>> -> memref<1x64xf32, #tpu.memory_space<vmem>>
      %dma_start3A_268 = arith.constant 0 : i32
      %dma_start3A_269 = tpu.memref_slice %arg3[%squeeze3A_261, %dma_start3A_268] : memref<100000x64xf32, #tpu.memory_space<hbm>> -> memref<1x64xf32, #tpu.memory_space<hbm>>
      tpu.enqueue_dma source(%dma_start3A_269 : memref<1x64xf32, #tpu.memory_space<hbm>>) target(%dma_start3A_267 : memref<1x64xf32, #tpu.memory_space<vmem>>) target_semaphore(%arg26 : memref<!tpu.dma_semaphore, #tpu.memory_space<semaphore_mem>>)
      %slice3A_270 = vector.extract_strided_slice %get3A_92 {offsets = [3], sizes = [1], strides = [1]} : vector<16xi32> to vector<1xi32>
      %squeeze3A_271 = vector.extract %slice3A_270[0] : i32 from vector<1xi32>
      %dma_start3A_272 = arith.constant 0 : i32
      %dma_start3A_273 = tpu.memref_slice %arg22[%add3A_235, %dma_start3A_272] : memref<256x64xf32, #tpu.memory_space<vmem>> -> memref<1x64xf32, #tpu.memory_space<vmem>>
      %dma_start3A_274 = arith.constant 0 : i32
      %dma_start3A_275 = tpu.memref_slice %arg4[%squeeze3A_271, %dma_start3A_274] : memref<1000x64xf32, #tpu.memory_space<hbm>> -> memref<1x64xf32, #tpu.memory_space<hbm>>
      %dma_start3A_276 = arith.constant 0 : i32
      %dma_start3A_277 = tpu.memref_slice %arg22[%add3A_235, %dma_start3A_276] : memref<256x64xf32, #tpu.memory_space<vmem>> -> memref<1x64xf32, #tpu.memory_space<vmem>>
      %dma_start3A_278 = arith.constant 0 : i32
      %dma_start3A_279 = tpu.memref_slice %arg4[%squeeze3A_271, %dma_start3A_278] : memref<1000x64xf32, #tpu.memory_space<hbm>> -> memref<1x64xf32, #tpu.memory_space<hbm>>
      tpu.enqueue_dma source(%dma_start3A_279 : memref<1x64xf32, #tpu.memory_space<hbm>>) target(%dma_start3A_277 : memref<1x64xf32, #tpu.memory_space<vmem>>) target_semaphore(%arg26 : memref<!tpu.dma_semaphore, #tpu.memory_space<semaphore_mem>>)
      %mul3A_280 = arith.constant 16 : i32
      %mul3A_281 = arith.muli %add3A_78, %mul3A_280 : i32
      %add3A_282 = arith.constant 4 : i32
      %add3A_283 = arith.addi %mul3A_281, %add3A_282 : i32
      %slice3A_284 = vector.extract_strided_slice %get3A_82 {offsets = [4], sizes = [1], strides = [1]} : vector<16xi32> to vector<1xi32>
      %squeeze3A_285 = vector.extract %slice3A_284[0] : i32 from vector<1xi32>
      %ge3A_286 = arith.constant 500000 : i32
      %ge3A_287 = arith.cmpi sge, %squeeze3A_285, %ge3A_286 : i32
      %convert_element_type3A_288 = arith.extui %ge3A_287 : i1 to i32
      %mul3A_289 = arith.constant 500000 : i32
      %mul3A_290 = arith.muli %convert_element_type3A_288, %mul3A_289 : i32
      %sub3A_291 = arith.subi %squeeze3A_285, %mul3A_290 : i32
      %dma_start3A_292 = arith.constant 0 : i32
      %dma_start3A_293 = tpu.memref_slice %arg20[%add3A_283, %dma_start3A_292] : memref<256x64xf32, #tpu.memory_space<vmem>> -> memref<1x64xf32, #tpu.memory_space<vmem>>
      %dma_start3A_294 = arith.constant 0 : i32
      %dma_start3A_295 = arith.constant 0 : i32
      %dma_start3A_296 = tpu.memref_slice %arg2[%convert_element_type3A_288, %dma_start3A_294, %dma_start3A_295] : memref<2x500000x64xf32, #tpu.memory_space<hbm>> -> memref<1x500000x64xf32, #tpu.memory_space<hbm>>
      %dma_start3A_297 = tpu.memref_squeeze %dma_start3A_296 : memref<1x500000x64xf32, #tpu.memory_space<hbm>> -> memref<500000x64xf32, #tpu.memory_space<hbm>>
      %dma_start3A_298 = arith.constant 0 : i32
      %dma_start3A_299 = tpu.memref_slice %dma_start3A_297[%sub3A_291, %dma_start3A_298] : memref<500000x64xf32, #tpu.memory_space<hbm>> -> memref<1x64xf32, #tpu.memory_space<hbm>>
      %dma_start3A_300 = arith.constant 0 : i32
      %dma_start3A_301 = tpu.memref_slice %arg20[%add3A_283, %dma_start3A_300] : memref<256x64xf32, #tpu.memory_space<vmem>> -> memref<1x64xf32, #tpu.memory_space<vmem>>
      %dma_start3A_302 = arith.constant 0 : i32
      %dma_start3A_303 = arith.constant 0 : i32
      %dma_start3A_304 = tpu.memref_slice %arg2[%convert_element_type3A_288, %dma_start3A_302, %dma_start3A_303] : memref<2x500000x64xf32, #tpu.memory_space<hbm>> -> memref<1x500000x64xf32, #tpu.memory_space<hbm>>
      %dma_start3A_305 = tpu.memref_squeeze %dma_start3A_304 : memref<1x500000x64xf32, #tpu.memory_space<hbm>> -> memref<500000x64xf32, #tpu.memory_space<hbm>>
      %dma_start3A_306 = arith.constant 0 : i32
      %dma_start3A_307 = tpu.memref_slice %dma_start3A_305[%sub3A_291, %dma_start3A_306] : memref<500000x64xf32, #tpu.memory_space<hbm>> -> memref<1x64xf32, #tpu.memory_space<hbm>>
      tpu.enqueue_dma source(%dma_start3A_307 : memref<1x64xf32, #tpu.memory_space<hbm>>) target(%dma_start3A_301 : memref<1x64xf32, #tpu.memory_space<vmem>>) target_semaphore(%arg26 : memref<!tpu.dma_semaphore, #tpu.memory_space<semaphore_mem>>)
      %slice3A_308 = vector.extract_strided_slice %get3A_87 {offsets = [4], sizes = [1], strides = [1]} : vector<16xi32> to vector<1xi32>
      %squeeze3A_309 = vector.extract %slice3A_308[0] : i32 from vector<1xi32>
      %dma_start3A_310 = arith.constant 0 : i32
      %dma_start3A_311 = tpu.memref_slice %arg21[%add3A_283, %dma_start3A_310] : memref<256x64xf32, #tpu.memory_space<vmem>> -> memref<1x64xf32, #tpu.memory_space<vmem>>
      %dma_start3A_312 = arith.constant 0 : i32
      %dma_start3A_313 = tpu.memref_slice %arg3[%squeeze3A_309, %dma_start3A_312] : memref<100000x64xf32, #tpu.memory_space<hbm>> -> memref<1x64xf32, #tpu.memory_space<hbm>>
      %dma_start3A_314 = arith.constant 0 : i32
      %dma_start3A_315 = tpu.memref_slice %arg21[%add3A_283, %dma_start3A_314] : memref<256x64xf32, #tpu.memory_space<vmem>> -> memref<1x64xf32, #tpu.memory_space<vmem>>
      %dma_start3A_316 = arith.constant 0 : i32
      %dma_start3A_317 = tpu.memref_slice %arg3[%squeeze3A_309, %dma_start3A_316] : memref<100000x64xf32, #tpu.memory_space<hbm>> -> memref<1x64xf32, #tpu.memory_space<hbm>>
      tpu.enqueue_dma source(%dma_start3A_317 : memref<1x64xf32, #tpu.memory_space<hbm>>) target(%dma_start3A_315 : memref<1x64xf32, #tpu.memory_space<vmem>>) target_semaphore(%arg26 : memref<!tpu.dma_semaphore, #tpu.memory_space<semaphore_mem>>)
      %slice3A_318 = vector.extract_strided_slice %get3A_92 {offsets = [4], sizes = [1], strides = [1]} : vector<16xi32> to vector<1xi32>
      %squeeze3A_319 = vector.extract %slice3A_318[0] : i32 from vector<1xi32>
      %dma_start3A_320 = arith.constant 0 : i32
      %dma_start3A_321 = tpu.memref_slice %arg22[%add3A_283, %dma_start3A_320] : memref<256x64xf32, #tpu.memory_space<vmem>> -> memref<1x64xf32, #tpu.memory_space<vmem>>
      %dma_start3A_322 = arith.constant 0 : i32
      %dma_start3A_323 = tpu.memref_slice %arg4[%squeeze3A_319, %dma_start3A_322] : memref<1000x64xf32, #tpu.memory_space<hbm>> -> memref<1x64xf32, #tpu.memory_space<hbm>>
      %dma_start3A_324 = arith.constant 0 : i32
      %dma_start3A_325 = tpu.memref_slice %arg22[%add3A_283, %dma_start3A_324] : memref<256x64xf32, #tpu.memory_space<vmem>> -> memref<1x64xf32, #tpu.memory_space<vmem>>
      %dma_start3A_326 = arith.constant 0 : i32
      %dma_start3A_327 = tpu.memref_slice %arg4[%squeeze3A_319, %dma_start3A_326] : memref<1000x64xf32, #tpu.memory_space<hbm>> -> memref<1x64xf32, #tpu.memory_space<hbm>>
      tpu.enqueue_dma source(%dma_start3A_327 : memref<1x64xf32, #tpu.memory_space<hbm>>) target(%dma_start3A_325 : memref<1x64xf32, #tpu.memory_space<vmem>>) target_semaphore(%arg26 : memref<!tpu.dma_semaphore, #tpu.memory_space<semaphore_mem>>)
      %mul3A_328 = arith.constant 16 : i32
      %mul3A_329 = arith.muli %add3A_78, %mul3A_328 : i32
      %add3A_330 = arith.constant 5 : i32
      %add3A_331 = arith.addi %mul3A_329, %add3A_330 : i32
      %slice3A_332 = vector.extract_strided_slice %get3A_82 {offsets = [5], sizes = [1], strides = [1]} : vector<16xi32> to vector<1xi32>
      %squeeze3A_333 = vector.extract %slice3A_332[0] : i32 from vector<1xi32>
      %ge3A_334 = arith.constant 500000 : i32
      %ge3A_335 = arith.cmpi sge, %squeeze3A_333, %ge3A_334 : i32
      %convert_element_type3A_336 = arith.extui %ge3A_335 : i1 to i32
      %mul3A_337 = arith.constant 500000 : i32
      %mul3A_338 = arith.muli %convert_element_type3A_336, %mul3A_337 : i32
      %sub3A_339 = arith.subi %squeeze3A_333, %mul3A_338 : i32
      %dma_start3A_340 = arith.constant 0 : i32
      %dma_start3A_341 = tpu.memref_slice %arg20[%add3A_331, %dma_start3A_340] : memref<256x64xf32, #tpu.memory_space<vmem>> -> memref<1x64xf32, #tpu.memory_space<vmem>>
      %dma_start3A_342 = arith.constant 0 : i32
      %dma_start3A_343 = arith.constant 0 : i32
      %dma_start3A_344 = tpu.memref_slice %arg2[%convert_element_type3A_336, %dma_start3A_342, %dma_start3A_343] : memref<2x500000x64xf32, #tpu.memory_space<hbm>> -> memref<1x500000x64xf32, #tpu.memory_space<hbm>>
      %dma_start3A_345 = tpu.memref_squeeze %dma_start3A_344 : memref<1x500000x64xf32, #tpu.memory_space<hbm>> -> memref<500000x64xf32, #tpu.memory_space<hbm>>
      %dma_start3A_346 = arith.constant 0 : i32
      %dma_start3A_347 = tpu.memref_slice %dma_start3A_345[%sub3A_339, %dma_start3A_346] : memref<500000x64xf32, #tpu.memory_space<hbm>> -> memref<1x64xf32, #tpu.memory_space<hbm>>
      %dma_start3A_348 = arith.constant 0 : i32
      %dma_start3A_349 = tpu.memref_slice %arg20[%add3A_331, %dma_start3A_348] : memref<256x64xf32, #tpu.memory_space<vmem>> -> memref<1x64xf32, #tpu.memory_space<vmem>>
      %dma_start3A_350 = arith.constant 0 : i32
      %dma_start3A_351 = arith.constant 0 : i32
      %dma_start3A_352 = tpu.memref_slice %arg2[%convert_element_type3A_336, %dma_start3A_350, %dma_start3A_351] : memref<2x500000x64xf32, #tpu.memory_space<hbm>> -> memref<1x500000x64xf32, #tpu.memory_space<hbm>>
      %dma_start3A_353 = tpu.memref_squeeze %dma_start3A_352 : memref<1x500000x64xf32, #tpu.memory_space<hbm>> -> memref<500000x64xf32, #tpu.memory_space<hbm>>
      %dma_start3A_354 = arith.constant 0 : i32
      %dma_start3A_355 = tpu.memref_slice %dma_start3A_353[%sub3A_339, %dma_start3A_354] : memref<500000x64xf32, #tpu.memory_space<hbm>> -> memref<1x64xf32, #tpu.memory_space<hbm>>
      tpu.enqueue_dma source(%dma_start3A_355 : memref<1x64xf32, #tpu.memory_space<hbm>>) target(%dma_start3A_349 : memref<1x64xf32, #tpu.memory_space<vmem>>) target_semaphore(%arg26 : memref<!tpu.dma_semaphore, #tpu.memory_space<semaphore_mem>>)
      %slice3A_356 = vector.extract_strided_slice %get3A_87 {offsets = [5], sizes = [1], strides = [1]} : vector<16xi32> to vector<1xi32>
      %squeeze3A_357 = vector.extract %slice3A_356[0] : i32 from vector<1xi32>
      %dma_start3A_358 = arith.constant 0 : i32
      %dma_start3A_359 = tpu.memref_slice %arg21[%add3A_331, %dma_start3A_358] : memref<256x64xf32, #tpu.memory_space<vmem>> -> memref<1x64xf32, #tpu.memory_space<vmem>>
      %dma_start3A_360 = arith.constant 0 : i32
      %dma_start3A_361 = tpu.memref_slice %arg3[%squeeze3A_357, %dma_start3A_360] : memref<100000x64xf32, #tpu.memory_space<hbm>> -> memref<1x64xf32, #tpu.memory_space<hbm>>
      %dma_start3A_362 = arith.constant 0 : i32
      %dma_start3A_363 = tpu.memref_slice %arg21[%add3A_331, %dma_start3A_362] : memref<256x64xf32, #tpu.memory_space<vmem>> -> memref<1x64xf32, #tpu.memory_space<vmem>>
      %dma_start3A_364 = arith.constant 0 : i32
      %dma_start3A_365 = tpu.memref_slice %arg3[%squeeze3A_357, %dma_start3A_364] : memref<100000x64xf32, #tpu.memory_space<hbm>> -> memref<1x64xf32, #tpu.memory_space<hbm>>
      tpu.enqueue_dma source(%dma_start3A_365 : memref<1x64xf32, #tpu.memory_space<hbm>>) target(%dma_start3A_363 : memref<1x64xf32, #tpu.memory_space<vmem>>) target_semaphore(%arg26 : memref<!tpu.dma_semaphore, #tpu.memory_space<semaphore_mem>>)
      %slice3A_366 = vector.extract_strided_slice %get3A_92 {offsets = [5], sizes = [1], strides = [1]} : vector<16xi32> to vector<1xi32>
      %squeeze3A_367 = vector.extract %slice3A_366[0] : i32 from vector<1xi32>
      %dma_start3A_368 = arith.constant 0 : i32
      %dma_start3A_369 = tpu.memref_slice %arg22[%add3A_331, %dma_start3A_368] : memref<256x64xf32, #tpu.memory_space<vmem>> -> memref<1x64xf32, #tpu.memory_space<vmem>>
      %dma_start3A_370 = arith.constant 0 : i32
      %dma_start3A_371 = tpu.memref_slice %arg4[%squeeze3A_367, %dma_start3A_370] : memref<1000x64xf32, #tpu.memory_space<hbm>> -> memref<1x64xf32, #tpu.memory_space<hbm>>
      %dma_start3A_372 = arith.constant 0 : i32
      %dma_start3A_373 = tpu.memref_slice %arg22[%add3A_331, %dma_start3A_372] : memref<256x64xf32, #tpu.memory_space<vmem>> -> memref<1x64xf32, #tpu.memory_space<vmem>>
      %dma_start3A_374 = arith.constant 0 : i32
      %dma_start3A_375 = tpu.memref_slice %arg4[%squeeze3A_367, %dma_start3A_374] : memref<1000x64xf32, #tpu.memory_space<hbm>> -> memref<1x64xf32, #tpu.memory_space<hbm>>
      tpu.enqueue_dma source(%dma_start3A_375 : memref<1x64xf32, #tpu.memory_space<hbm>>) target(%dma_start3A_373 : memref<1x64xf32, #tpu.memory_space<vmem>>) target_semaphore(%arg26 : memref<!tpu.dma_semaphore, #tpu.memory_space<semaphore_mem>>)
      %mul3A_376 = arith.constant 16 : i32
      %mul3A_377 = arith.muli %add3A_78, %mul3A_376 : i32
      %add3A_378 = arith.constant 6 : i32
      %add3A_379 = arith.addi %mul3A_377, %add3A_378 : i32
      %slice3A_380 = vector.extract_strided_slice %get3A_82 {offsets = [6], sizes = [1], strides = [1]} : vector<16xi32> to vector<1xi32>
      %squeeze3A_381 = vector.extract %slice3A_380[0] : i32 from vector<1xi32>
      %ge3A_382 = arith.constant 500000 : i32
      %ge3A_383 = arith.cmpi sge, %squeeze3A_381, %ge3A_382 : i32
      %convert_element_type3A_384 = arith.extui %ge3A_383 : i1 to i32
      %mul3A_385 = arith.constant 500000 : i32
      %mul3A_386 = arith.muli %convert_element_type3A_384, %mul3A_385 : i32
      %sub3A_387 = arith.subi %squeeze3A_381, %mul3A_386 : i32
      %dma_start3A_388 = arith.constant 0 : i32
      %dma_start3A_389 = tpu.memref_slice %arg20[%add3A_379, %dma_start3A_388] : memref<256x64xf32, #tpu.memory_space<vmem>> -> memref<1x64xf32, #tpu.memory_space<vmem>>
      %dma_start3A_390 = arith.constant 0 : i32
      %dma_start3A_391 = arith.constant 0 : i32
      %dma_start3A_392 = tpu.memref_slice %arg2[%convert_element_type3A_384, %dma_start3A_390, %dma_start3A_391] : memref<2x500000x64xf32, #tpu.memory_space<hbm>> -> memref<1x500000x64xf32, #tpu.memory_space<hbm>>
      %dma_start3A_393 = tpu.memref_squeeze %dma_start3A_392 : memref<1x500000x64xf32, #tpu.memory_space<hbm>> -> memref<500000x64xf32, #tpu.memory_space<hbm>>
      %dma_start3A_394 = arith.constant 0 : i32
      %dma_start3A_395 = tpu.memref_slice %dma_start3A_393[%sub3A_387, %dma_start3A_394] : memref<500000x64xf32, #tpu.memory_space<hbm>> -> memref<1x64xf32, #tpu.memory_space<hbm>>
      %dma_start3A_396 = arith.constant 0 : i32
      %dma_start3A_397 = tpu.memref_slice %arg20[%add3A_379, %dma_start3A_396] : memref<256x64xf32, #tpu.memory_space<vmem>> -> memref<1x64xf32, #tpu.memory_space<vmem>>
      %dma_start3A_398 = arith.constant 0 : i32
      %dma_start3A_399 = arith.constant 0 : i32
      %dma_start3A_400 = tpu.memref_slice %arg2[%convert_element_type3A_384, %dma_start3A_398, %dma_start3A_399] : memref<2x500000x64xf32, #tpu.memory_space<hbm>> -> memref<1x500000x64xf32, #tpu.memory_space<hbm>>
      %dma_start3A_401 = tpu.memref_squeeze %dma_start3A_400 : memref<1x500000x64xf32, #tpu.memory_space<hbm>> -> memref<500000x64xf32, #tpu.memory_space<hbm>>
      %dma_start3A_402 = arith.constant 0 : i32
      %dma_start3A_403 = tpu.memref_slice %dma_start3A_401[%sub3A_387, %dma_start3A_402] : memref<500000x64xf32, #tpu.memory_space<hbm>> -> memref<1x64xf32, #tpu.memory_space<hbm>>
      tpu.enqueue_dma source(%dma_start3A_403 : memref<1x64xf32, #tpu.memory_space<hbm>>) target(%dma_start3A_397 : memref<1x64xf32, #tpu.memory_space<vmem>>) target_semaphore(%arg26 : memref<!tpu.dma_semaphore, #tpu.memory_space<semaphore_mem>>)
      %slice3A_404 = vector.extract_strided_slice %get3A_87 {offsets = [6], sizes = [1], strides = [1]} : vector<16xi32> to vector<1xi32>
      %squeeze3A_405 = vector.extract %slice3A_404[0] : i32 from vector<1xi32>
      %dma_start3A_406 = arith.constant 0 : i32
      %dma_start3A_407 = tpu.memref_slice %arg21[%add3A_379, %dma_start3A_406] : memref<256x64xf32, #tpu.memory_space<vmem>> -> memref<1x64xf32, #tpu.memory_space<vmem>>
      %dma_start3A_408 = arith.constant 0 : i32
      %dma_start3A_409 = tpu.memref_slice %arg3[%squeeze3A_405, %dma_start3A_408] : memref<100000x64xf32, #tpu.memory_space<hbm>> -> memref<1x64xf32, #tpu.memory_space<hbm>>
      %dma_start3A_410 = arith.constant 0 : i32
      %dma_start3A_411 = tpu.memref_slice %arg21[%add3A_379, %dma_start3A_410] : memref<256x64xf32, #tpu.memory_space<vmem>> -> memref<1x64xf32, #tpu.memory_space<vmem>>
      %dma_start3A_412 = arith.constant 0 : i32
      %dma_start3A_413 = tpu.memref_slice %arg3[%squeeze3A_405, %dma_start3A_412] : memref<100000x64xf32, #tpu.memory_space<hbm>> -> memref<1x64xf32, #tpu.memory_space<hbm>>
      tpu.enqueue_dma source(%dma_start3A_413 : memref<1x64xf32, #tpu.memory_space<hbm>>) target(%dma_start3A_411 : memref<1x64xf32, #tpu.memory_space<vmem>>) target_semaphore(%arg26 : memref<!tpu.dma_semaphore, #tpu.memory_space<semaphore_mem>>)
      %slice3A_414 = vector.extract_strided_slice %get3A_92 {offsets = [6], sizes = [1], strides = [1]} : vector<16xi32> to vector<1xi32>
      %squeeze3A_415 = vector.extract %slice3A_414[0] : i32 from vector<1xi32>
      %dma_start3A_416 = arith.constant 0 : i32
      %dma_start3A_417 = tpu.memref_slice %arg22[%add3A_379, %dma_start3A_416] : memref<256x64xf32, #tpu.memory_space<vmem>> -> memref<1x64xf32, #tpu.memory_space<vmem>>
      %dma_start3A_418 = arith.constant 0 : i32
      %dma_start3A_419 = tpu.memref_slice %arg4[%squeeze3A_415, %dma_start3A_418] : memref<1000x64xf32, #tpu.memory_space<hbm>> -> memref<1x64xf32, #tpu.memory_space<hbm>>
      %dma_start3A_420 = arith.constant 0 : i32
      %dma_start3A_421 = tpu.memref_slice %arg22[%add3A_379, %dma_start3A_420] : memref<256x64xf32, #tpu.memory_space<vmem>> -> memref<1x64xf32, #tpu.memory_space<vmem>>
      %dma_start3A_422 = arith.constant 0 : i32
      %dma_start3A_423 = tpu.memref_slice %arg4[%squeeze3A_415, %dma_start3A_422] : memref<1000x64xf32, #tpu.memory_space<hbm>> -> memref<1x64xf32, #tpu.memory_space<hbm>>
      tpu.enqueue_dma source(%dma_start3A_423 : memref<1x64xf32, #tpu.memory_space<hbm>>) target(%dma_start3A_421 : memref<1x64xf32, #tpu.memory_space<vmem>>) target_semaphore(%arg26 : memref<!tpu.dma_semaphore, #tpu.memory_space<semaphore_mem>>)
      %mul3A_424 = arith.constant 16 : i32
      %mul3A_425 = arith.muli %add3A_78, %mul3A_424 : i32
      %add3A_426 = arith.constant 7 : i32
      %add3A_427 = arith.addi %mul3A_425, %add3A_426 : i32
      %slice3A_428 = vector.extract_strided_slice %get3A_82 {offsets = [7], sizes = [1], strides = [1]} : vector<16xi32> to vector<1xi32>
      %squeeze3A_429 = vector.extract %slice3A_428[0] : i32 from vector<1xi32>
      %ge3A_430 = arith.constant 500000 : i32
      %ge3A_431 = arith.cmpi sge, %squeeze3A_429, %ge3A_430 : i32
      %convert_element_type3A_432 = arith.extui %ge3A_431 : i1 to i32
      %mul3A_433 = arith.constant 500000 : i32
      %mul3A_434 = arith.muli %convert_element_type3A_432, %mul3A_433 : i32
      %sub3A_435 = arith.subi %squeeze3A_429, %mul3A_434 : i32
      %dma_start3A_436 = arith.constant 0 : i32
      %dma_start3A_437 = tpu.memref_slice %arg20[%add3A_427, %dma_start3A_436] : memref<256x64xf32, #tpu.memory_space<vmem>> -> memref<1x64xf32, #tpu.memory_space<vmem>>
      %dma_start3A_438 = arith.constant 0 : i32
      %dma_start3A_439 = arith.constant 0 : i32
      %dma_start3A_440 = tpu.memref_slice %arg2[%convert_element_type3A_432, %dma_start3A_438, %dma_start3A_439] : memref<2x500000x64xf32, #tpu.memory_space<hbm>> -> memref<1x500000x64xf32, #tpu.memory_space<hbm>>
      %dma_start3A_441 = tpu.memref_squeeze %dma_start3A_440 : memref<1x500000x64xf32, #tpu.memory_space<hbm>> -> memref<500000x64xf32, #tpu.memory_space<hbm>>
      %dma_start3A_442 = arith.constant 0 : i32
      %dma_start3A_443 = tpu.memref_slice %dma_start3A_441[%sub3A_435, %dma_start3A_442] : memref<500000x64xf32, #tpu.memory_space<hbm>> -> memref<1x64xf32, #tpu.memory_space<hbm>>
      %dma_start3A_444 = arith.constant 0 : i32
      %dma_start3A_445 = tpu.memref_slice %arg20[%add3A_427, %dma_start3A_444] : memref<256x64xf32, #tpu.memory_space<vmem>> -> memref<1x64xf32, #tpu.memory_space<vmem>>
      %dma_start3A_446 = arith.constant 0 : i32
      %dma_start3A_447 = arith.constant 0 : i32
      %dma_start3A_448 = tpu.memref_slice %arg2[%convert_element_type3A_432, %dma_start3A_446, %dma_start3A_447] : memref<2x500000x64xf32, #tpu.memory_space<hbm>> -> memref<1x500000x64xf32, #tpu.memory_space<hbm>>
      %dma_start3A_449 = tpu.memref_squeeze %dma_start3A_448 : memref<1x500000x64xf32, #tpu.memory_space<hbm>> -> memref<500000x64xf32, #tpu.memory_space<hbm>>
      %dma_start3A_450 = arith.constant 0 : i32
      %dma_start3A_451 = tpu.memref_slice %dma_start3A_449[%sub3A_435, %dma_start3A_450] : memref<500000x64xf32, #tpu.memory_space<hbm>> -> memref<1x64xf32, #tpu.memory_space<hbm>>
      tpu.enqueue_dma source(%dma_start3A_451 : memref<1x64xf32, #tpu.memory_space<hbm>>) target(%dma_start3A_445 : memref<1x64xf32, #tpu.memory_space<vmem>>) target_semaphore(%arg26 : memref<!tpu.dma_semaphore, #tpu.memory_space<semaphore_mem>>)
      %slice3A_452 = vector.extract_strided_slice %get3A_87 {offsets = [7], sizes = [1], strides = [1]} : vector<16xi32> to vector<1xi32>
      %squeeze3A_453 = vector.extract %slice3A_452[0] : i32 from vector<1xi32>
      %dma_start3A_454 = arith.constant 0 : i32
      %dma_start3A_455 = tpu.memref_slice %arg21[%add3A_427, %dma_start3A_454] : memref<256x64xf32, #tpu.memory_space<vmem>> -> memref<1x64xf32, #tpu.memory_space<vmem>>
      %dma_start3A_456 = arith.constant 0 : i32
      %dma_start3A_457 = tpu.memref_slice %arg3[%squeeze3A_453, %dma_start3A_456] : memref<100000x64xf32, #tpu.memory_space<hbm>> -> memref<1x64xf32, #tpu.memory_space<hbm>>
      %dma_start3A_458 = arith.constant 0 : i32
      %dma_start3A_459 = tpu.memref_slice %arg21[%add3A_427, %dma_start3A_458] : memref<256x64xf32, #tpu.memory_space<vmem>> -> memref<1x64xf32, #tpu.memory_space<vmem>>
      %dma_start3A_460 = arith.constant 0 : i32
      %dma_start3A_461 = tpu.memref_slice %arg3[%squeeze3A_453, %dma_start3A_460] : memref<100000x64xf32, #tpu.memory_space<hbm>> -> memref<1x64xf32, #tpu.memory_space<hbm>>
      tpu.enqueue_dma source(%dma_start3A_461 : memref<1x64xf32, #tpu.memory_space<hbm>>) target(%dma_start3A_459 : memref<1x64xf32, #tpu.memory_space<vmem>>) target_semaphore(%arg26 : memref<!tpu.dma_semaphore, #tpu.memory_space<semaphore_mem>>)
      %slice3A_462 = vector.extract_strided_slice %get3A_92 {offsets = [7], sizes = [1], strides = [1]} : vector<16xi32> to vector<1xi32>
      %squeeze3A_463 = vector.extract %slice3A_462[0] : i32 from vector<1xi32>
      %dma_start3A_464 = arith.constant 0 : i32
      %dma_start3A_465 = tpu.memref_slice %arg22[%add3A_427, %dma_start3A_464] : memref<256x64xf32, #tpu.memory_space<vmem>> -> memref<1x64xf32, #tpu.memory_space<vmem>>
      %dma_start3A_466 = arith.constant 0 : i32
      %dma_start3A_467 = tpu.memref_slice %arg4[%squeeze3A_463, %dma_start3A_466] : memref<1000x64xf32, #tpu.memory_space<hbm>> -> memref<1x64xf32, #tpu.memory_space<hbm>>
      %dma_start3A_468 = arith.constant 0 : i32
      %dma_start3A_469 = tpu.memref_slice %arg22[%add3A_427, %dma_start3A_468] : memref<256x64xf32, #tpu.memory_space<vmem>> -> memref<1x64xf32, #tpu.memory_space<vmem>>
      %dma_start3A_470 = arith.constant 0 : i32
      %dma_start3A_471 = tpu.memref_slice %arg4[%squeeze3A_463, %dma_start3A_470] : memref<1000x64xf32, #tpu.memory_space<hbm>> -> memref<1x64xf32, #tpu.memory_space<hbm>>
      tpu.enqueue_dma source(%dma_start3A_471 : memref<1x64xf32, #tpu.memory_space<hbm>>) target(%dma_start3A_469 : memref<1x64xf32, #tpu.memory_space<vmem>>) target_semaphore(%arg26 : memref<!tpu.dma_semaphore, #tpu.memory_space<semaphore_mem>>)
      %mul3A_472 = arith.constant 16 : i32
      %mul3A_473 = arith.muli %add3A_78, %mul3A_472 : i32
      %add3A_474 = arith.constant 8 : i32
      %add3A_475 = arith.addi %mul3A_473, %add3A_474 : i32
      %slice3A_476 = vector.extract_strided_slice %get3A_82 {offsets = [8], sizes = [1], strides = [1]} : vector<16xi32> to vector<1xi32>
      %squeeze3A_477 = vector.extract %slice3A_476[0] : i32 from vector<1xi32>
      %ge3A_478 = arith.constant 500000 : i32
      %ge3A_479 = arith.cmpi sge, %squeeze3A_477, %ge3A_478 : i32
      %convert_element_type3A_480 = arith.extui %ge3A_479 : i1 to i32
      %mul3A_481 = arith.constant 500000 : i32
      %mul3A_482 = arith.muli %convert_element_type3A_480, %mul3A_481 : i32
      %sub3A_483 = arith.subi %squeeze3A_477, %mul3A_482 : i32
      %dma_start3A_484 = arith.constant 0 : i32
      %dma_start3A_485 = tpu.memref_slice %arg20[%add3A_475, %dma_start3A_484] : memref<256x64xf32, #tpu.memory_space<vmem>> -> memref<1x64xf32, #tpu.memory_space<vmem>>
      %dma_start3A_486 = arith.constant 0 : i32
      %dma_start3A_487 = arith.constant 0 : i32
      %dma_start3A_488 = tpu.memref_slice %arg2[%convert_element_type3A_480, %dma_start3A_486, %dma_start3A_487] : memref<2x500000x64xf32, #tpu.memory_space<hbm>> -> memref<1x500000x64xf32, #tpu.memory_space<hbm>>
      %dma_start3A_489 = tpu.memref_squeeze %dma_start3A_488 : memref<1x500000x64xf32, #tpu.memory_space<hbm>> -> memref<500000x64xf32, #tpu.memory_space<hbm>>
      %dma_start3A_490 = arith.constant 0 : i32
      %dma_start3A_491 = tpu.memref_slice %dma_start3A_489[%sub3A_483, %dma_start3A_490] : memref<500000x64xf32, #tpu.memory_space<hbm>> -> memref<1x64xf32, #tpu.memory_space<hbm>>
      %dma_start3A_492 = arith.constant 0 : i32
      %dma_start3A_493 = tpu.memref_slice %arg20[%add3A_475, %dma_start3A_492] : memref<256x64xf32, #tpu.memory_space<vmem>> -> memref<1x64xf32, #tpu.memory_space<vmem>>
      %dma_start3A_494 = arith.constant 0 : i32
      %dma_start3A_495 = arith.constant 0 : i32
      %dma_start3A_496 = tpu.memref_slice %arg2[%convert_element_type3A_480, %dma_start3A_494, %dma_start3A_495] : memref<2x500000x64xf32, #tpu.memory_space<hbm>> -> memref<1x500000x64xf32, #tpu.memory_space<hbm>>
      %dma_start3A_497 = tpu.memref_squeeze %dma_start3A_496 : memref<1x500000x64xf32, #tpu.memory_space<hbm>> -> memref<500000x64xf32, #tpu.memory_space<hbm>>
      %dma_start3A_498 = arith.constant 0 : i32
      %dma_start3A_499 = tpu.memref_slice %dma_start3A_497[%sub3A_483, %dma_start3A_498] : memref<500000x64xf32, #tpu.memory_space<hbm>> -> memref<1x64xf32, #tpu.memory_space<hbm>>
      tpu.enqueue_dma source(%dma_start3A_499 : memref<1x64xf32, #tpu.memory_space<hbm>>) target(%dma_start3A_493 : memref<1x64xf32, #tpu.memory_space<vmem>>) target_semaphore(%arg26 : memref<!tpu.dma_semaphore, #tpu.memory_space<semaphore_mem>>)
      %slice3A_500 = vector.extract_strided_slice %get3A_87 {offsets = [8], sizes = [1], strides = [1]} : vector<16xi32> to vector<1xi32>
      %squeeze3A_501 = vector.extract %slice3A_500[0] : i32 from vector<1xi32>
      %dma_start3A_502 = arith.constant 0 : i32
      %dma_start3A_503 = tpu.memref_slice %arg21[%add3A_475, %dma_start3A_502] : memref<256x64xf32, #tpu.memory_space<vmem>> -> memref<1x64xf32, #tpu.memory_space<vmem>>
      %dma_start3A_504 = arith.constant 0 : i32
      %dma_start3A_505 = tpu.memref_slice %arg3[%squeeze3A_501, %dma_start3A_504] : memref<100000x64xf32, #tpu.memory_space<hbm>> -> memref<1x64xf32, #tpu.memory_space<hbm>>
      %dma_start3A_506 = arith.constant 0 : i32
      %dma_start3A_507 = tpu.memref_slice %arg21[%add3A_475, %dma_start3A_506] : memref<256x64xf32, #tpu.memory_space<vmem>> -> memref<1x64xf32, #tpu.memory_space<vmem>>
      %dma_start3A_508 = arith.constant 0 : i32
      %dma_start3A_509 = tpu.memref_slice %arg3[%squeeze3A_501, %dma_start3A_508] : memref<100000x64xf32, #tpu.memory_space<hbm>> -> memref<1x64xf32, #tpu.memory_space<hbm>>
      tpu.enqueue_dma source(%dma_start3A_509 : memref<1x64xf32, #tpu.memory_space<hbm>>) target(%dma_start3A_507 : memref<1x64xf32, #tpu.memory_space<vmem>>) target_semaphore(%arg26 : memref<!tpu.dma_semaphore, #tpu.memory_space<semaphore_mem>>)
      %slice3A_510 = vector.extract_strided_slice %get3A_92 {offsets = [8], sizes = [1], strides = [1]} : vector<16xi32> to vector<1xi32>
      %squeeze3A_511 = vector.extract %slice3A_510[0] : i32 from vector<1xi32>
      %dma_start3A_512 = arith.constant 0 : i32
      %dma_start3A_513 = tpu.memref_slice %arg22[%add3A_475, %dma_start3A_512] : memref<256x64xf32, #tpu.memory_space<vmem>> -> memref<1x64xf32, #tpu.memory_space<vmem>>
      %dma_start3A_514 = arith.constant 0 : i32
      %dma_start3A_515 = tpu.memref_slice %arg4[%squeeze3A_511, %dma_start3A_514] : memref<1000x64xf32, #tpu.memory_space<hbm>> -> memref<1x64xf32, #tpu.memory_space<hbm>>
      %dma_start3A_516 = arith.constant 0 : i32
      %dma_start3A_517 = tpu.memref_slice %arg22[%add3A_475, %dma_start3A_516] : memref<256x64xf32, #tpu.memory_space<vmem>> -> memref<1x64xf32, #tpu.memory_space<vmem>>
      %dma_start3A_518 = arith.constant 0 : i32
      %dma_start3A_519 = tpu.memref_slice %arg4[%squeeze3A_511, %dma_start3A_518] : memref<1000x64xf32, #tpu.memory_space<hbm>> -> memref<1x64xf32, #tpu.memory_space<hbm>>
      tpu.enqueue_dma source(%dma_start3A_519 : memref<1x64xf32, #tpu.memory_space<hbm>>) target(%dma_start3A_517 : memref<1x64xf32, #tpu.memory_space<vmem>>) target_semaphore(%arg26 : memref<!tpu.dma_semaphore, #tpu.memory_space<semaphore_mem>>)
      %mul3A_520 = arith.constant 16 : i32
      %mul3A_521 = arith.muli %add3A_78, %mul3A_520 : i32
      %add3A_522 = arith.constant 9 : i32
      %add3A_523 = arith.addi %mul3A_521, %add3A_522 : i32
      %slice3A_524 = vector.extract_strided_slice %get3A_82 {offsets = [9], sizes = [1], strides = [1]} : vector<16xi32> to vector<1xi32>
      %squeeze3A_525 = vector.extract %slice3A_524[0] : i32 from vector<1xi32>
      %ge3A_526 = arith.constant 500000 : i32
      %ge3A_527 = arith.cmpi sge, %squeeze3A_525, %ge3A_526 : i32
      %convert_element_type3A_528 = arith.extui %ge3A_527 : i1 to i32
      %mul3A_529 = arith.constant 500000 : i32
      %mul3A_530 = arith.muli %convert_element_type3A_528, %mul3A_529 : i32
      %sub3A_531 = arith.subi %squeeze3A_525, %mul3A_530 : i32
      %dma_start3A_532 = arith.constant 0 : i32
      %dma_start3A_533 = tpu.memref_slice %arg20[%add3A_523, %dma_start3A_532] : memref<256x64xf32, #tpu.memory_space<vmem>> -> memref<1x64xf32, #tpu.memory_space<vmem>>
      %dma_start3A_534 = arith.constant 0 : i32
      %dma_start3A_535 = arith.constant 0 : i32
      %dma_start3A_536 = tpu.memref_slice %arg2[%convert_element_type3A_528, %dma_start3A_534, %dma_start3A_535] : memref<2x500000x64xf32, #tpu.memory_space<hbm>> -> memref<1x500000x64xf32, #tpu.memory_space<hbm>>
      %dma_start3A_537 = tpu.memref_squeeze %dma_start3A_536 : memref<1x500000x64xf32, #tpu.memory_space<hbm>> -> memref<500000x64xf32, #tpu.memory_space<hbm>>
      %dma_start3A_538 = arith.constant 0 : i32
      %dma_start3A_539 = tpu.memref_slice %dma_start3A_537[%sub3A_531, %dma_start3A_538] : memref<500000x64xf32, #tpu.memory_space<hbm>> -> memref<1x64xf32, #tpu.memory_space<hbm>>
      %dma_start3A_540 = arith.constant 0 : i32
      %dma_start3A_541 = tpu.memref_slice %arg20[%add3A_523, %dma_start3A_540] : memref<256x64xf32, #tpu.memory_space<vmem>> -> memref<1x64xf32, #tpu.memory_space<vmem>>
      %dma_start3A_542 = arith.constant 0 : i32
      %dma_start3A_543 = arith.constant 0 : i32
      %dma_start3A_544 = tpu.memref_slice %arg2[%convert_element_type3A_528, %dma_start3A_542, %dma_start3A_543] : memref<2x500000x64xf32, #tpu.memory_space<hbm>> -> memref<1x500000x64xf32, #tpu.memory_space<hbm>>
      %dma_start3A_545 = tpu.memref_squeeze %dma_start3A_544 : memref<1x500000x64xf32, #tpu.memory_space<hbm>> -> memref<500000x64xf32, #tpu.memory_space<hbm>>
      %dma_start3A_546 = arith.constant 0 : i32
      %dma_start3A_547 = tpu.memref_slice %dma_start3A_545[%sub3A_531, %dma_start3A_546] : memref<500000x64xf32, #tpu.memory_space<hbm>> -> memref<1x64xf32, #tpu.memory_space<hbm>>
      tpu.enqueue_dma source(%dma_start3A_547 : memref<1x64xf32, #tpu.memory_space<hbm>>) target(%dma_start3A_541 : memref<1x64xf32, #tpu.memory_space<vmem>>) target_semaphore(%arg26 : memref<!tpu.dma_semaphore, #tpu.memory_space<semaphore_mem>>)
      %slice3A_548 = vector.extract_strided_slice %get3A_87 {offsets = [9], sizes = [1], strides = [1]} : vector<16xi32> to vector<1xi32>
      %squeeze3A_549 = vector.extract %slice3A_548[0] : i32 from vector<1xi32>
      %dma_start3A_550 = arith.constant 0 : i32
      %dma_start3A_551 = tpu.memref_slice %arg21[%add3A_523, %dma_start3A_550] : memref<256x64xf32, #tpu.memory_space<vmem>> -> memref<1x64xf32, #tpu.memory_space<vmem>>
      %dma_start3A_552 = arith.constant 0 : i32
      %dma_start3A_553 = tpu.memref_slice %arg3[%squeeze3A_549, %dma_start3A_552] : memref<100000x64xf32, #tpu.memory_space<hbm>> -> memref<1x64xf32, #tpu.memory_space<hbm>>
      %dma_start3A_554 = arith.constant 0 : i32
      %dma_start3A_555 = tpu.memref_slice %arg21[%add3A_523, %dma_start3A_554] : memref<256x64xf32, #tpu.memory_space<vmem>> -> memref<1x64xf32, #tpu.memory_space<vmem>>
      %dma_start3A_556 = arith.constant 0 : i32
      %dma_start3A_557 = tpu.memref_slice %arg3[%squeeze3A_549, %dma_start3A_556] : memref<100000x64xf32, #tpu.memory_space<hbm>> -> memref<1x64xf32, #tpu.memory_space<hbm>>
      tpu.enqueue_dma source(%dma_start3A_557 : memref<1x64xf32, #tpu.memory_space<hbm>>) target(%dma_start3A_555 : memref<1x64xf32, #tpu.memory_space<vmem>>) target_semaphore(%arg26 : memref<!tpu.dma_semaphore, #tpu.memory_space<semaphore_mem>>)
      %slice3A_558 = vector.extract_strided_slice %get3A_92 {offsets = [9], sizes = [1], strides = [1]} : vector<16xi32> to vector<1xi32>
      %squeeze3A_559 = vector.extract %slice3A_558[0] : i32 from vector<1xi32>
      %dma_start3A_560 = arith.constant 0 : i32
      %dma_start3A_561 = tpu.memref_slice %arg22[%add3A_523, %dma_start3A_560] : memref<256x64xf32, #tpu.memory_space<vmem>> -> memref<1x64xf32, #tpu.memory_space<vmem>>
      %dma_start3A_562 = arith.constant 0 : i32
      %dma_start3A_563 = tpu.memref_slice %arg4[%squeeze3A_559, %dma_start3A_562] : memref<1000x64xf32, #tpu.memory_space<hbm>> -> memref<1x64xf32, #tpu.memory_space<hbm>>
      %dma_start3A_564 = arith.constant 0 : i32
      %dma_start3A_565 = tpu.memref_slice %arg22[%add3A_523, %dma_start3A_564] : memref<256x64xf32, #tpu.memory_space<vmem>> -> memref<1x64xf32, #tpu.memory_space<vmem>>
      %dma_start3A_566 = arith.constant 0 : i32
      %dma_start3A_567 = tpu.memref_slice %arg4[%squeeze3A_559, %dma_start3A_566] : memref<1000x64xf32, #tpu.memory_space<hbm>> -> memref<1x64xf32, #tpu.memory_space<hbm>>
      tpu.enqueue_dma source(%dma_start3A_567 : memref<1x64xf32, #tpu.memory_space<hbm>>) target(%dma_start3A_565 : memref<1x64xf32, #tpu.memory_space<vmem>>) target_semaphore(%arg26 : memref<!tpu.dma_semaphore, #tpu.memory_space<semaphore_mem>>)
      %mul3A_568 = arith.constant 16 : i32
      %mul3A_569 = arith.muli %add3A_78, %mul3A_568 : i32
      %add3A_570 = arith.constant 10 : i32
      %add3A_571 = arith.addi %mul3A_569, %add3A_570 : i32
      %slice3A_572 = vector.extract_strided_slice %get3A_82 {offsets = [10], sizes = [1], strides = [1]} : vector<16xi32> to vector<1xi32>
      %squeeze3A_573 = vector.extract %slice3A_572[0] : i32 from vector<1xi32>
      %ge3A_574 = arith.constant 500000 : i32
      %ge3A_575 = arith.cmpi sge, %squeeze3A_573, %ge3A_574 : i32
      %convert_element_type3A_576 = arith.extui %ge3A_575 : i1 to i32
      %mul3A_577 = arith.constant 500000 : i32
      %mul3A_578 = arith.muli %convert_element_type3A_576, %mul3A_577 : i32
      %sub3A_579 = arith.subi %squeeze3A_573, %mul3A_578 : i32
      %dma_start3A_580 = arith.constant 0 : i32
      %dma_start3A_581 = tpu.memref_slice %arg20[%add3A_571, %dma_start3A_580] : memref<256x64xf32, #tpu.memory_space<vmem>> -> memref<1x64xf32, #tpu.memory_space<vmem>>
      %dma_start3A_582 = arith.constant 0 : i32
      %dma_start3A_583 = arith.constant 0 : i32
      %dma_start3A_584 = tpu.memref_slice %arg2[%convert_element_type3A_576, %dma_start3A_582, %dma_start3A_583] : memref<2x500000x64xf32, #tpu.memory_space<hbm>> -> memref<1x500000x64xf32, #tpu.memory_space<hbm>>
      %dma_start3A_585 = tpu.memref_squeeze %dma_start3A_584 : memref<1x500000x64xf32, #tpu.memory_space<hbm>> -> memref<500000x64xf32, #tpu.memory_space<hbm>>
      %dma_start3A_586 = arith.constant 0 : i32
      %dma_start3A_587 = tpu.memref_slice %dma_start3A_585[%sub3A_579, %dma_start3A_586] : memref<500000x64xf32, #tpu.memory_space<hbm>> -> memref<1x64xf32, #tpu.memory_space<hbm>>
      %dma_start3A_588 = arith.constant 0 : i32
      %dma_start3A_589 = tpu.memref_slice %arg20[%add3A_571, %dma_start3A_588] : memref<256x64xf32, #tpu.memory_space<vmem>> -> memref<1x64xf32, #tpu.memory_space<vmem>>
      %dma_start3A_590 = arith.constant 0 : i32
      %dma_start3A_591 = arith.constant 0 : i32
      %dma_start3A_592 = tpu.memref_slice %arg2[%convert_element_type3A_576, %dma_start3A_590, %dma_start3A_591] : memref<2x500000x64xf32, #tpu.memory_space<hbm>> -> memref<1x500000x64xf32, #tpu.memory_space<hbm>>
      %dma_start3A_593 = tpu.memref_squeeze %dma_start3A_592 : memref<1x500000x64xf32, #tpu.memory_space<hbm>> -> memref<500000x64xf32, #tpu.memory_space<hbm>>
      %dma_start3A_594 = arith.constant 0 : i32
      %dma_start3A_595 = tpu.memref_slice %dma_start3A_593[%sub3A_579, %dma_start3A_594] : memref<500000x64xf32, #tpu.memory_space<hbm>> -> memref<1x64xf32, #tpu.memory_space<hbm>>
      tpu.enqueue_dma source(%dma_start3A_595 : memref<1x64xf32, #tpu.memory_space<hbm>>) target(%dma_start3A_589 : memref<1x64xf32, #tpu.memory_space<vmem>>) target_semaphore(%arg26 : memref<!tpu.dma_semaphore, #tpu.memory_space<semaphore_mem>>)
      %slice3A_596 = vector.extract_strided_slice %get3A_87 {offsets = [10], sizes = [1], strides = [1]} : vector<16xi32> to vector<1xi32>
      %squeeze3A_597 = vector.extract %slice3A_596[0] : i32 from vector<1xi32>
      %dma_start3A_598 = arith.constant 0 : i32
      %dma_start3A_599 = tpu.memref_slice %arg21[%add3A_571, %dma_start3A_598] : memref<256x64xf32, #tpu.memory_space<vmem>> -> memref<1x64xf32, #tpu.memory_space<vmem>>
      %dma_start3A_600 = arith.constant 0 : i32
      %dma_start3A_601 = tpu.memref_slice %arg3[%squeeze3A_597, %dma_start3A_600] : memref<100000x64xf32, #tpu.memory_space<hbm>> -> memref<1x64xf32, #tpu.memory_space<hbm>>
      %dma_start3A_602 = arith.constant 0 : i32
      %dma_start3A_603 = tpu.memref_slice %arg21[%add3A_571, %dma_start3A_602] : memref<256x64xf32, #tpu.memory_space<vmem>> -> memref<1x64xf32, #tpu.memory_space<vmem>>
      %dma_start3A_604 = arith.constant 0 : i32
      %dma_start3A_605 = tpu.memref_slice %arg3[%squeeze3A_597, %dma_start3A_604] : memref<100000x64xf32, #tpu.memory_space<hbm>> -> memref<1x64xf32, #tpu.memory_space<hbm>>
      tpu.enqueue_dma source(%dma_start3A_605 : memref<1x64xf32, #tpu.memory_space<hbm>>) target(%dma_start3A_603 : memref<1x64xf32, #tpu.memory_space<vmem>>) target_semaphore(%arg26 : memref<!tpu.dma_semaphore, #tpu.memory_space<semaphore_mem>>)
      %slice3A_606 = vector.extract_strided_slice %get3A_92 {offsets = [10], sizes = [1], strides = [1]} : vector<16xi32> to vector<1xi32>
      %squeeze3A_607 = vector.extract %slice3A_606[0] : i32 from vector<1xi32>
      %dma_start3A_608 = arith.constant 0 : i32
      %dma_start3A_609 = tpu.memref_slice %arg22[%add3A_571, %dma_start3A_608] : memref<256x64xf32, #tpu.memory_space<vmem>> -> memref<1x64xf32, #tpu.memory_space<vmem>>
      %dma_start3A_610 = arith.constant 0 : i32
      %dma_start3A_611 = tpu.memref_slice %arg4[%squeeze3A_607, %dma_start3A_610] : memref<1000x64xf32, #tpu.memory_space<hbm>> -> memref<1x64xf32, #tpu.memory_space<hbm>>
      %dma_start3A_612 = arith.constant 0 : i32
      %dma_start3A_613 = tpu.memref_slice %arg22[%add3A_571, %dma_start3A_612] : memref<256x64xf32, #tpu.memory_space<vmem>> -> memref<1x64xf32, #tpu.memory_space<vmem>>
      %dma_start3A_614 = arith.constant 0 : i32
      %dma_start3A_615 = tpu.memref_slice %arg4[%squeeze3A_607, %dma_start3A_614] : memref<1000x64xf32, #tpu.memory_space<hbm>> -> memref<1x64xf32, #tpu.memory_space<hbm>>
      tpu.enqueue_dma source(%dma_start3A_615 : memref<1x64xf32, #tpu.memory_space<hbm>>) target(%dma_start3A_613 : memref<1x64xf32, #tpu.memory_space<vmem>>) target_semaphore(%arg26 : memref<!tpu.dma_semaphore, #tpu.memory_space<semaphore_mem>>)
      %mul3A_616 = arith.constant 16 : i32
      %mul3A_617 = arith.muli %add3A_78, %mul3A_616 : i32
      %add3A_618 = arith.constant 11 : i32
      %add3A_619 = arith.addi %mul3A_617, %add3A_618 : i32
      %slice3A_620 = vector.extract_strided_slice %get3A_82 {offsets = [11], sizes = [1], strides = [1]} : vector<16xi32> to vector<1xi32>
      %squeeze3A_621 = vector.extract %slice3A_620[0] : i32 from vector<1xi32>
      %ge3A_622 = arith.constant 500000 : i32
      %ge3A_623 = arith.cmpi sge, %squeeze3A_621, %ge3A_622 : i32
      %convert_element_type3A_624 = arith.extui %ge3A_623 : i1 to i32
      %mul3A_625 = arith.constant 500000 : i32
      %mul3A_626 = arith.muli %convert_element_type3A_624, %mul3A_625 : i32
      %sub3A_627 = arith.subi %squeeze3A_621, %mul3A_626 : i32
      %dma_start3A_628 = arith.constant 0 : i32
      %dma_start3A_629 = tpu.memref_slice %arg20[%add3A_619, %dma_start3A_628] : memref<256x64xf32, #tpu.memory_space<vmem>> -> memref<1x64xf32, #tpu.memory_space<vmem>>
      %dma_start3A_630 = arith.constant 0 : i32
      %dma_start3A_631 = arith.constant 0 : i32
      %dma_start3A_632 = tpu.memref_slice %arg2[%convert_element_type3A_624, %dma_start3A_630, %dma_start3A_631] : memref<2x500000x64xf32, #tpu.memory_space<hbm>> -> memref<1x500000x64xf32, #tpu.memory_space<hbm>>
      %dma_start3A_633 = tpu.memref_squeeze %dma_start3A_632 : memref<1x500000x64xf32, #tpu.memory_space<hbm>> -> memref<500000x64xf32, #tpu.memory_space<hbm>>
      %dma_start3A_634 = arith.constant 0 : i32
      %dma_start3A_635 = tpu.memref_slice %dma_start3A_633[%sub3A_627, %dma_start3A_634] : memref<500000x64xf32, #tpu.memory_space<hbm>> -> memref<1x64xf32, #tpu.memory_space<hbm>>
      %dma_start3A_636 = arith.constant 0 : i32
      %dma_start3A_637 = tpu.memref_slice %arg20[%add3A_619, %dma_start3A_636] : memref<256x64xf32, #tpu.memory_space<vmem>> -> memref<1x64xf32, #tpu.memory_space<vmem>>
      %dma_start3A_638 = arith.constant 0 : i32
      %dma_start3A_639 = arith.constant 0 : i32
      %dma_start3A_640 = tpu.memref_slice %arg2[%convert_element_type3A_624, %dma_start3A_638, %dma_start3A_639] : memref<2x500000x64xf32, #tpu.memory_space<hbm>> -> memref<1x500000x64xf32, #tpu.memory_space<hbm>>
      %dma_start3A_641 = tpu.memref_squeeze %dma_start3A_640 : memref<1x500000x64xf32, #tpu.memory_space<hbm>> -> memref<500000x64xf32, #tpu.memory_space<hbm>>
      %dma_start3A_642 = arith.constant 0 : i32
      %dma_start3A_643 = tpu.memref_slice %dma_start3A_641[%sub3A_627, %dma_start3A_642] : memref<500000x64xf32, #tpu.memory_space<hbm>> -> memref<1x64xf32, #tpu.memory_space<hbm>>
      tpu.enqueue_dma source(%dma_start3A_643 : memref<1x64xf32, #tpu.memory_space<hbm>>) target(%dma_start3A_637 : memref<1x64xf32, #tpu.memory_space<vmem>>) target_semaphore(%arg26 : memref<!tpu.dma_semaphore, #tpu.memory_space<semaphore_mem>>)
      %slice3A_644 = vector.extract_strided_slice %get3A_87 {offsets = [11], sizes = [1], strides = [1]} : vector<16xi32> to vector<1xi32>
      %squeeze3A_645 = vector.extract %slice3A_644[0] : i32 from vector<1xi32>
      %dma_start3A_646 = arith.constant 0 : i32
      %dma_start3A_647 = tpu.memref_slice %arg21[%add3A_619, %dma_start3A_646] : memref<256x64xf32, #tpu.memory_space<vmem>> -> memref<1x64xf32, #tpu.memory_space<vmem>>
      %dma_start3A_648 = arith.constant 0 : i32
      %dma_start3A_649 = tpu.memref_slice %arg3[%squeeze3A_645, %dma_start3A_648] : memref<100000x64xf32, #tpu.memory_space<hbm>> -> memref<1x64xf32, #tpu.memory_space<hbm>>
      %dma_start3A_650 = arith.constant 0 : i32
      %dma_start3A_651 = tpu.memref_slice %arg21[%add3A_619, %dma_start3A_650] : memref<256x64xf32, #tpu.memory_space<vmem>> -> memref<1x64xf32, #tpu.memory_space<vmem>>
      %dma_start3A_652 = arith.constant 0 : i32
      %dma_start3A_653 = tpu.memref_slice %arg3[%squeeze3A_645, %dma_start3A_652] : memref<100000x64xf32, #tpu.memory_space<hbm>> -> memref<1x64xf32, #tpu.memory_space<hbm>>
      tpu.enqueue_dma source(%dma_start3A_653 : memref<1x64xf32, #tpu.memory_space<hbm>>) target(%dma_start3A_651 : memref<1x64xf32, #tpu.memory_space<vmem>>) target_semaphore(%arg26 : memref<!tpu.dma_semaphore, #tpu.memory_space<semaphore_mem>>)
      %slice3A_654 = vector.extract_strided_slice %get3A_92 {offsets = [11], sizes = [1], strides = [1]} : vector<16xi32> to vector<1xi32>
      %squeeze3A_655 = vector.extract %slice3A_654[0] : i32 from vector<1xi32>
      %dma_start3A_656 = arith.constant 0 : i32
      %dma_start3A_657 = tpu.memref_slice %arg22[%add3A_619, %dma_start3A_656] : memref<256x64xf32, #tpu.memory_space<vmem>> -> memref<1x64xf32, #tpu.memory_space<vmem>>
      %dma_start3A_658 = arith.constant 0 : i32
      %dma_start3A_659 = tpu.memref_slice %arg4[%squeeze3A_655, %dma_start3A_658] : memref<1000x64xf32, #tpu.memory_space<hbm>> -> memref<1x64xf32, #tpu.memory_space<hbm>>
      %dma_start3A_660 = arith.constant 0 : i32
      %dma_start3A_661 = tpu.memref_slice %arg22[%add3A_619, %dma_start3A_660] : memref<256x64xf32, #tpu.memory_space<vmem>> -> memref<1x64xf32, #tpu.memory_space<vmem>>
      %dma_start3A_662 = arith.constant 0 : i32
      %dma_start3A_663 = tpu.memref_slice %arg4[%squeeze3A_655, %dma_start3A_662] : memref<1000x64xf32, #tpu.memory_space<hbm>> -> memref<1x64xf32, #tpu.memory_space<hbm>>
      tpu.enqueue_dma source(%dma_start3A_663 : memref<1x64xf32, #tpu.memory_space<hbm>>) target(%dma_start3A_661 : memref<1x64xf32, #tpu.memory_space<vmem>>) target_semaphore(%arg26 : memref<!tpu.dma_semaphore, #tpu.memory_space<semaphore_mem>>)
      %mul3A_664 = arith.constant 16 : i32
      %mul3A_665 = arith.muli %add3A_78, %mul3A_664 : i32
      %add3A_666 = arith.constant 12 : i32
      %add3A_667 = arith.addi %mul3A_665, %add3A_666 : i32
      %slice3A_668 = vector.extract_strided_slice %get3A_82 {offsets = [12], sizes = [1], strides = [1]} : vector<16xi32> to vector<1xi32>
      %squeeze3A_669 = vector.extract %slice3A_668[0] : i32 from vector<1xi32>
      %ge3A_670 = arith.constant 500000 : i32
      %ge3A_671 = arith.cmpi sge, %squeeze3A_669, %ge3A_670 : i32
      %convert_element_type3A_672 = arith.extui %ge3A_671 : i1 to i32
      %mul3A_673 = arith.constant 500000 : i32
      %mul3A_674 = arith.muli %convert_element_type3A_672, %mul3A_673 : i32
      %sub3A_675 = arith.subi %squeeze3A_669, %mul3A_674 : i32
      %dma_start3A_676 = arith.constant 0 : i32
      %dma_start3A_677 = tpu.memref_slice %arg20[%add3A_667, %dma_start3A_676] : memref<256x64xf32, #tpu.memory_space<vmem>> -> memref<1x64xf32, #tpu.memory_space<vmem>>
      %dma_start3A_678 = arith.constant 0 : i32
      %dma_start3A_679 = arith.constant 0 : i32
      %dma_start3A_680 = tpu.memref_slice %arg2[%convert_element_type3A_672, %dma_start3A_678, %dma_start3A_679] : memref<2x500000x64xf32, #tpu.memory_space<hbm>> -> memref<1x500000x64xf32, #tpu.memory_space<hbm>>
      %dma_start3A_681 = tpu.memref_squeeze %dma_start3A_680 : memref<1x500000x64xf32, #tpu.memory_space<hbm>> -> memref<500000x64xf32, #tpu.memory_space<hbm>>
      %dma_start3A_682 = arith.constant 0 : i32
      %dma_start3A_683 = tpu.memref_slice %dma_start3A_681[%sub3A_675, %dma_start3A_682] : memref<500000x64xf32, #tpu.memory_space<hbm>> -> memref<1x64xf32, #tpu.memory_space<hbm>>
      %dma_start3A_684 = arith.constant 0 : i32
      %dma_start3A_685 = tpu.memref_slice %arg20[%add3A_667, %dma_start3A_684] : memref<256x64xf32, #tpu.memory_space<vmem>> -> memref<1x64xf32, #tpu.memory_space<vmem>>
      %dma_start3A_686 = arith.constant 0 : i32
      %dma_start3A_687 = arith.constant 0 : i32
      %dma_start3A_688 = tpu.memref_slice %arg2[%convert_element_type3A_672, %dma_start3A_686, %dma_start3A_687] : memref<2x500000x64xf32, #tpu.memory_space<hbm>> -> memref<1x500000x64xf32, #tpu.memory_space<hbm>>
      %dma_start3A_689 = tpu.memref_squeeze %dma_start3A_688 : memref<1x500000x64xf32, #tpu.memory_space<hbm>> -> memref<500000x64xf32, #tpu.memory_space<hbm>>
      %dma_start3A_690 = arith.constant 0 : i32
      %dma_start3A_691 = tpu.memref_slice %dma_start3A_689[%sub3A_675, %dma_start3A_690] : memref<500000x64xf32, #tpu.memory_space<hbm>> -> memref<1x64xf32, #tpu.memory_space<hbm>>
      tpu.enqueue_dma source(%dma_start3A_691 : memref<1x64xf32, #tpu.memory_space<hbm>>) target(%dma_start3A_685 : memref<1x64xf32, #tpu.memory_space<vmem>>) target_semaphore(%arg26 : memref<!tpu.dma_semaphore, #tpu.memory_space<semaphore_mem>>)
      %slice3A_692 = vector.extract_strided_slice %get3A_87 {offsets = [12], sizes = [1], strides = [1]} : vector<16xi32> to vector<1xi32>
      %squeeze3A_693 = vector.extract %slice3A_692[0] : i32 from vector<1xi32>
      %dma_start3A_694 = arith.constant 0 : i32
      %dma_start3A_695 = tpu.memref_slice %arg21[%add3A_667, %dma_start3A_694] : memref<256x64xf32, #tpu.memory_space<vmem>> -> memref<1x64xf32, #tpu.memory_space<vmem>>
      %dma_start3A_696 = arith.constant 0 : i32
      %dma_start3A_697 = tpu.memref_slice %arg3[%squeeze3A_693, %dma_start3A_696] : memref<100000x64xf32, #tpu.memory_space<hbm>> -> memref<1x64xf32, #tpu.memory_space<hbm>>
      %dma_start3A_698 = arith.constant 0 : i32
      %dma_start3A_699 = tpu.memref_slice %arg21[%add3A_667, %dma_start3A_698] : memref<256x64xf32, #tpu.memory_space<vmem>> -> memref<1x64xf32, #tpu.memory_space<vmem>>
      %dma_start3A_700 = arith.constant 0 : i32
      %dma_start3A_701 = tpu.memref_slice %arg3[%squeeze3A_693, %dma_start3A_700] : memref<100000x64xf32, #tpu.memory_space<hbm>> -> memref<1x64xf32, #tpu.memory_space<hbm>>
      tpu.enqueue_dma source(%dma_start3A_701 : memref<1x64xf32, #tpu.memory_space<hbm>>) target(%dma_start3A_699 : memref<1x64xf32, #tpu.memory_space<vmem>>) target_semaphore(%arg26 : memref<!tpu.dma_semaphore, #tpu.memory_space<semaphore_mem>>)
      %slice3A_702 = vector.extract_strided_slice %get3A_92 {offsets = [12], sizes = [1], strides = [1]} : vector<16xi32> to vector<1xi32>
      %squeeze3A_703 = vector.extract %slice3A_702[0] : i32 from vector<1xi32>
      %dma_start3A_704 = arith.constant 0 : i32
      %dma_start3A_705 = tpu.memref_slice %arg22[%add3A_667, %dma_start3A_704] : memref<256x64xf32, #tpu.memory_space<vmem>> -> memref<1x64xf32, #tpu.memory_space<vmem>>
      %dma_start3A_706 = arith.constant 0 : i32
      %dma_start3A_707 = tpu.memref_slice %arg4[%squeeze3A_703, %dma_start3A_706] : memref<1000x64xf32, #tpu.memory_space<hbm>> -> memref<1x64xf32, #tpu.memory_space<hbm>>
      %dma_start3A_708 = arith.constant 0 : i32
      %dma_start3A_709 = tpu.memref_slice %arg22[%add3A_667, %dma_start3A_708] : memref<256x64xf32, #tpu.memory_space<vmem>> -> memref<1x64xf32, #tpu.memory_space<vmem>>
      %dma_start3A_710 = arith.constant 0 : i32
      %dma_start3A_711 = tpu.memref_slice %arg4[%squeeze3A_703, %dma_start3A_710] : memref<1000x64xf32, #tpu.memory_space<hbm>> -> memref<1x64xf32, #tpu.memory_space<hbm>>
      tpu.enqueue_dma source(%dma_start3A_711 : memref<1x64xf32, #tpu.memory_space<hbm>>) target(%dma_start3A_709 : memref<1x64xf32, #tpu.memory_space<vmem>>) target_semaphore(%arg26 : memref<!tpu.dma_semaphore, #tpu.memory_space<semaphore_mem>>)
      %mul3A_712 = arith.constant 16 : i32
      %mul3A_713 = arith.muli %add3A_78, %mul3A_712 : i32
      %add3A_714 = arith.constant 13 : i32
      %add3A_715 = arith.addi %mul3A_713, %add3A_714 : i32
      %slice3A_716 = vector.extract_strided_slice %get3A_82 {offsets = [13], sizes = [1], strides = [1]} : vector<16xi32> to vector<1xi32>
      %squeeze3A_717 = vector.extract %slice3A_716[0] : i32 from vector<1xi32>
      %ge3A_718 = arith.constant 500000 : i32
      %ge3A_719 = arith.cmpi sge, %squeeze3A_717, %ge3A_718 : i32
      %convert_element_type3A_720 = arith.extui %ge3A_719 : i1 to i32
      %mul3A_721 = arith.constant 500000 : i32
      %mul3A_722 = arith.muli %convert_element_type3A_720, %mul3A_721 : i32
      %sub3A_723 = arith.subi %squeeze3A_717, %mul3A_722 : i32
      %dma_start3A_724 = arith.constant 0 : i32
      %dma_start3A_725 = tpu.memref_slice %arg20[%add3A_715, %dma_start3A_724] : memref<256x64xf32, #tpu.memory_space<vmem>> -> memref<1x64xf32, #tpu.memory_space<vmem>>
      %dma_start3A_726 = arith.constant 0 : i32
      %dma_start3A_727 = arith.constant 0 : i32
      %dma_start3A_728 = tpu.memref_slice %arg2[%convert_element_type3A_720, %dma_start3A_726, %dma_start3A_727] : memref<2x500000x64xf32, #tpu.memory_space<hbm>> -> memref<1x500000x64xf32, #tpu.memory_space<hbm>>
      %dma_start3A_729 = tpu.memref_squeeze %dma_start3A_728 : memref<1x500000x64xf32, #tpu.memory_space<hbm>> -> memref<500000x64xf32, #tpu.memory_space<hbm>>
      %dma_start3A_730 = arith.constant 0 : i32
      %dma_start3A_731 = tpu.memref_slice %dma_start3A_729[%sub3A_723, %dma_start3A_730] : memref<500000x64xf32, #tpu.memory_space<hbm>> -> memref<1x64xf32, #tpu.memory_space<hbm>>
      %dma_start3A_732 = arith.constant 0 : i32
      %dma_start3A_733 = tpu.memref_slice %arg20[%add3A_715, %dma_start3A_732] : memref<256x64xf32, #tpu.memory_space<vmem>> -> memref<1x64xf32, #tpu.memory_space<vmem>>
      %dma_start3A_734 = arith.constant 0 : i32
      %dma_start3A_735 = arith.constant 0 : i32
      %dma_start3A_736 = tpu.memref_slice %arg2[%convert_element_type3A_720, %dma_start3A_734, %dma_start3A_735] : memref<2x500000x64xf32, #tpu.memory_space<hbm>> -> memref<1x500000x64xf32, #tpu.memory_space<hbm>>
      %dma_start3A_737 = tpu.memref_squeeze %dma_start3A_736 : memref<1x500000x64xf32, #tpu.memory_space<hbm>> -> memref<500000x64xf32, #tpu.memory_space<hbm>>
      %dma_start3A_738 = arith.constant 0 : i32
      %dma_start3A_739 = tpu.memref_slice %dma_start3A_737[%sub3A_723, %dma_start3A_738] : memref<500000x64xf32, #tpu.memory_space<hbm>> -> memref<1x64xf32, #tpu.memory_space<hbm>>
      tpu.enqueue_dma source(%dma_start3A_739 : memref<1x64xf32, #tpu.memory_space<hbm>>) target(%dma_start3A_733 : memref<1x64xf32, #tpu.memory_space<vmem>>) target_semaphore(%arg26 : memref<!tpu.dma_semaphore, #tpu.memory_space<semaphore_mem>>)
      %slice3A_740 = vector.extract_strided_slice %get3A_87 {offsets = [13], sizes = [1], strides = [1]} : vector<16xi32> to vector<1xi32>
      %squeeze3A_741 = vector.extract %slice3A_740[0] : i32 from vector<1xi32>
      %dma_start3A_742 = arith.constant 0 : i32
      %dma_start3A_743 = tpu.memref_slice %arg21[%add3A_715, %dma_start3A_742] : memref<256x64xf32, #tpu.memory_space<vmem>> -> memref<1x64xf32, #tpu.memory_space<vmem>>
      %dma_start3A_744 = arith.constant 0 : i32
      %dma_start3A_745 = tpu.memref_slice %arg3[%squeeze3A_741, %dma_start3A_744] : memref<100000x64xf32, #tpu.memory_space<hbm>> -> memref<1x64xf32, #tpu.memory_space<hbm>>
      %dma_start3A_746 = arith.constant 0 : i32
      %dma_start3A_747 = tpu.memref_slice %arg21[%add3A_715, %dma_start3A_746] : memref<256x64xf32, #tpu.memory_space<vmem>> -> memref<1x64xf32, #tpu.memory_space<vmem>>
      %dma_start3A_748 = arith.constant 0 : i32
      %dma_start3A_749 = tpu.memref_slice %arg3[%squeeze3A_741, %dma_start3A_748] : memref<100000x64xf32, #tpu.memory_space<hbm>> -> memref<1x64xf32, #tpu.memory_space<hbm>>
      tpu.enqueue_dma source(%dma_start3A_749 : memref<1x64xf32, #tpu.memory_space<hbm>>) target(%dma_start3A_747 : memref<1x64xf32, #tpu.memory_space<vmem>>) target_semaphore(%arg26 : memref<!tpu.dma_semaphore, #tpu.memory_space<semaphore_mem>>)
      %slice3A_750 = vector.extract_strided_slice %get3A_92 {offsets = [13], sizes = [1], strides = [1]} : vector<16xi32> to vector<1xi32>
      %squeeze3A_751 = vector.extract %slice3A_750[0] : i32 from vector<1xi32>
      %dma_start3A_752 = arith.constant 0 : i32
      %dma_start3A_753 = tpu.memref_slice %arg22[%add3A_715, %dma_start3A_752] : memref<256x64xf32, #tpu.memory_space<vmem>> -> memref<1x64xf32, #tpu.memory_space<vmem>>
      %dma_start3A_754 = arith.constant 0 : i32
      %dma_start3A_755 = tpu.memref_slice %arg4[%squeeze3A_751, %dma_start3A_754] : memref<1000x64xf32, #tpu.memory_space<hbm>> -> memref<1x64xf32, #tpu.memory_space<hbm>>
      %dma_start3A_756 = arith.constant 0 : i32
      %dma_start3A_757 = tpu.memref_slice %arg22[%add3A_715, %dma_start3A_756] : memref<256x64xf32, #tpu.memory_space<vmem>> -> memref<1x64xf32, #tpu.memory_space<vmem>>
      %dma_start3A_758 = arith.constant 0 : i32
      %dma_start3A_759 = tpu.memref_slice %arg4[%squeeze3A_751, %dma_start3A_758] : memref<1000x64xf32, #tpu.memory_space<hbm>> -> memref<1x64xf32, #tpu.memory_space<hbm>>
      tpu.enqueue_dma source(%dma_start3A_759 : memref<1x64xf32, #tpu.memory_space<hbm>>) target(%dma_start3A_757 : memref<1x64xf32, #tpu.memory_space<vmem>>) target_semaphore(%arg26 : memref<!tpu.dma_semaphore, #tpu.memory_space<semaphore_mem>>)
      %mul3A_760 = arith.constant 16 : i32
      %mul3A_761 = arith.muli %add3A_78, %mul3A_760 : i32
      %add3A_762 = arith.constant 14 : i32
      %add3A_763 = arith.addi %mul3A_761, %add3A_762 : i32
      %slice3A_764 = vector.extract_strided_slice %get3A_82 {offsets = [14], sizes = [1], strides = [1]} : vector<16xi32> to vector<1xi32>
      %squeeze3A_765 = vector.extract %slice3A_764[0] : i32 from vector<1xi32>
      %ge3A_766 = arith.constant 500000 : i32
      %ge3A_767 = arith.cmpi sge, %squeeze3A_765, %ge3A_766 : i32
      %convert_element_type3A_768 = arith.extui %ge3A_767 : i1 to i32
      %mul3A_769 = arith.constant 500000 : i32
      %mul3A_770 = arith.muli %convert_element_type3A_768, %mul3A_769 : i32
      %sub3A_771 = arith.subi %squeeze3A_765, %mul3A_770 : i32
      %dma_start3A_772 = arith.constant 0 : i32
      %dma_start3A_773 = tpu.memref_slice %arg20[%add3A_763, %dma_start3A_772] : memref<256x64xf32, #tpu.memory_space<vmem>> -> memref<1x64xf32, #tpu.memory_space<vmem>>
      %dma_start3A_774 = arith.constant 0 : i32
      %dma_start3A_775 = arith.constant 0 : i32
      %dma_start3A_776 = tpu.memref_slice %arg2[%convert_element_type3A_768, %dma_start3A_774, %dma_start3A_775] : memref<2x500000x64xf32, #tpu.memory_space<hbm>> -> memref<1x500000x64xf32, #tpu.memory_space<hbm>>
      %dma_start3A_777 = tpu.memref_squeeze %dma_start3A_776 : memref<1x500000x64xf32, #tpu.memory_space<hbm>> -> memref<500000x64xf32, #tpu.memory_space<hbm>>
      %dma_start3A_778 = arith.constant 0 : i32
      %dma_start3A_779 = tpu.memref_slice %dma_start3A_777[%sub3A_771, %dma_start3A_778] : memref<500000x64xf32, #tpu.memory_space<hbm>> -> memref<1x64xf32, #tpu.memory_space<hbm>>
      %dma_start3A_780 = arith.constant 0 : i32
      %dma_start3A_781 = tpu.memref_slice %arg20[%add3A_763, %dma_start3A_780] : memref<256x64xf32, #tpu.memory_space<vmem>> -> memref<1x64xf32, #tpu.memory_space<vmem>>
      %dma_start3A_782 = arith.constant 0 : i32
      %dma_start3A_783 = arith.constant 0 : i32
      %dma_start3A_784 = tpu.memref_slice %arg2[%convert_element_type3A_768, %dma_start3A_782, %dma_start3A_783] : memref<2x500000x64xf32, #tpu.memory_space<hbm>> -> memref<1x500000x64xf32, #tpu.memory_space<hbm>>
      %dma_start3A_785 = tpu.memref_squeeze %dma_start3A_784 : memref<1x500000x64xf32, #tpu.memory_space<hbm>> -> memref<500000x64xf32, #tpu.memory_space<hbm>>
      %dma_start3A_786 = arith.constant 0 : i32
      %dma_start3A_787 = tpu.memref_slice %dma_start3A_785[%sub3A_771, %dma_start3A_786] : memref<500000x64xf32, #tpu.memory_space<hbm>> -> memref<1x64xf32, #tpu.memory_space<hbm>>
      tpu.enqueue_dma source(%dma_start3A_787 : memref<1x64xf32, #tpu.memory_space<hbm>>) target(%dma_start3A_781 : memref<1x64xf32, #tpu.memory_space<vmem>>) target_semaphore(%arg26 : memref<!tpu.dma_semaphore, #tpu.memory_space<semaphore_mem>>)
      %slice3A_788 = vector.extract_strided_slice %get3A_87 {offsets = [14], sizes = [1], strides = [1]} : vector<16xi32> to vector<1xi32>
      %squeeze3A_789 = vector.extract %slice3A_788[0] : i32 from vector<1xi32>
      %dma_start3A_790 = arith.constant 0 : i32
      %dma_start3A_791 = tpu.memref_slice %arg21[%add3A_763, %dma_start3A_790] : memref<256x64xf32, #tpu.memory_space<vmem>> -> memref<1x64xf32, #tpu.memory_space<vmem>>
      %dma_start3A_792 = arith.constant 0 : i32
      %dma_start3A_793 = tpu.memref_slice %arg3[%squeeze3A_789, %dma_start3A_792] : memref<100000x64xf32, #tpu.memory_space<hbm>> -> memref<1x64xf32, #tpu.memory_space<hbm>>
      %dma_start3A_794 = arith.constant 0 : i32
      %dma_start3A_795 = tpu.memref_slice %arg21[%add3A_763, %dma_start3A_794] : memref<256x64xf32, #tpu.memory_space<vmem>> -> memref<1x64xf32, #tpu.memory_space<vmem>>
      %dma_start3A_796 = arith.constant 0 : i32
      %dma_start3A_797 = tpu.memref_slice %arg3[%squeeze3A_789, %dma_start3A_796] : memref<100000x64xf32, #tpu.memory_space<hbm>> -> memref<1x64xf32, #tpu.memory_space<hbm>>
      tpu.enqueue_dma source(%dma_start3A_797 : memref<1x64xf32, #tpu.memory_space<hbm>>) target(%dma_start3A_795 : memref<1x64xf32, #tpu.memory_space<vmem>>) target_semaphore(%arg26 : memref<!tpu.dma_semaphore, #tpu.memory_space<semaphore_mem>>)
      %slice3A_798 = vector.extract_strided_slice %get3A_92 {offsets = [14], sizes = [1], strides = [1]} : vector<16xi32> to vector<1xi32>
      %squeeze3A_799 = vector.extract %slice3A_798[0] : i32 from vector<1xi32>
      %dma_start3A_800 = arith.constant 0 : i32
      %dma_start3A_801 = tpu.memref_slice %arg22[%add3A_763, %dma_start3A_800] : memref<256x64xf32, #tpu.memory_space<vmem>> -> memref<1x64xf32, #tpu.memory_space<vmem>>
      %dma_start3A_802 = arith.constant 0 : i32
      %dma_start3A_803 = tpu.memref_slice %arg4[%squeeze3A_799, %dma_start3A_802] : memref<1000x64xf32, #tpu.memory_space<hbm>> -> memref<1x64xf32, #tpu.memory_space<hbm>>
      %dma_start3A_804 = arith.constant 0 : i32
      %dma_start3A_805 = tpu.memref_slice %arg22[%add3A_763, %dma_start3A_804] : memref<256x64xf32, #tpu.memory_space<vmem>> -> memref<1x64xf32, #tpu.memory_space<vmem>>
      %dma_start3A_806 = arith.constant 0 : i32
      %dma_start3A_807 = tpu.memref_slice %arg4[%squeeze3A_799, %dma_start3A_806] : memref<1000x64xf32, #tpu.memory_space<hbm>> -> memref<1x64xf32, #tpu.memory_space<hbm>>
      tpu.enqueue_dma source(%dma_start3A_807 : memref<1x64xf32, #tpu.memory_space<hbm>>) target(%dma_start3A_805 : memref<1x64xf32, #tpu.memory_space<vmem>>) target_semaphore(%arg26 : memref<!tpu.dma_semaphore, #tpu.memory_space<semaphore_mem>>)
      %mul3A_808 = arith.constant 16 : i32
      %mul3A_809 = arith.muli %add3A_78, %mul3A_808 : i32
      %add3A_810 = arith.constant 15 : i32
      %add3A_811 = arith.addi %mul3A_809, %add3A_810 : i32
      %slice3A_812 = vector.extract_strided_slice %get3A_82 {offsets = [15], sizes = [1], strides = [1]} : vector<16xi32> to vector<1xi32>
      %squeeze3A_813 = vector.extract %slice3A_812[0] : i32 from vector<1xi32>
      %ge3A_814 = arith.constant 500000 : i32
      %ge3A_815 = arith.cmpi sge, %squeeze3A_813, %ge3A_814 : i32
      %convert_element_type3A_816 = arith.extui %ge3A_815 : i1 to i32
      %mul3A_817 = arith.constant 500000 : i32
      %mul3A_818 = arith.muli %convert_element_type3A_816, %mul3A_817 : i32
      %sub3A_819 = arith.subi %squeeze3A_813, %mul3A_818 : i32
      %dma_start3A_820 = arith.constant 0 : i32
      %dma_start3A_821 = tpu.memref_slice %arg20[%add3A_811, %dma_start3A_820] : memref<256x64xf32, #tpu.memory_space<vmem>> -> memref<1x64xf32, #tpu.memory_space<vmem>>
      %dma_start3A_822 = arith.constant 0 : i32
      %dma_start3A_823 = arith.constant 0 : i32
      %dma_start3A_824 = tpu.memref_slice %arg2[%convert_element_type3A_816, %dma_start3A_822, %dma_start3A_823] : memref<2x500000x64xf32, #tpu.memory_space<hbm>> -> memref<1x500000x64xf32, #tpu.memory_space<hbm>>
      %dma_start3A_825 = tpu.memref_squeeze %dma_start3A_824 : memref<1x500000x64xf32, #tpu.memory_space<hbm>> -> memref<500000x64xf32, #tpu.memory_space<hbm>>
      %dma_start3A_826 = arith.constant 0 : i32
      %dma_start3A_827 = tpu.memref_slice %dma_start3A_825[%sub3A_819, %dma_start3A_826] : memref<500000x64xf32, #tpu.memory_space<hbm>> -> memref<1x64xf32, #tpu.memory_space<hbm>>
      %dma_start3A_828 = arith.constant 0 : i32
      %dma_start3A_829 = tpu.memref_slice %arg20[%add3A_811, %dma_start3A_828] : memref<256x64xf32, #tpu.memory_space<vmem>> -> memref<1x64xf32, #tpu.memory_space<vmem>>
      %dma_start3A_830 = arith.constant 0 : i32
      %dma_start3A_831 = arith.constant 0 : i32
      %dma_start3A_832 = tpu.memref_slice %arg2[%convert_element_type3A_816, %dma_start3A_830, %dma_start3A_831] : memref<2x500000x64xf32, #tpu.memory_space<hbm>> -> memref<1x500000x64xf32, #tpu.memory_space<hbm>>
      %dma_start3A_833 = tpu.memref_squeeze %dma_start3A_832 : memref<1x500000x64xf32, #tpu.memory_space<hbm>> -> memref<500000x64xf32, #tpu.memory_space<hbm>>
      %dma_start3A_834 = arith.constant 0 : i32
      %dma_start3A_835 = tpu.memref_slice %dma_start3A_833[%sub3A_819, %dma_start3A_834] : memref<500000x64xf32, #tpu.memory_space<hbm>> -> memref<1x64xf32, #tpu.memory_space<hbm>>
      tpu.enqueue_dma source(%dma_start3A_835 : memref<1x64xf32, #tpu.memory_space<hbm>>) target(%dma_start3A_829 : memref<1x64xf32, #tpu.memory_space<vmem>>) target_semaphore(%arg26 : memref<!tpu.dma_semaphore, #tpu.memory_space<semaphore_mem>>)
      %slice3A_836 = vector.extract_strided_slice %get3A_87 {offsets = [15], sizes = [1], strides = [1]} : vector<16xi32> to vector<1xi32>
      %squeeze3A_837 = vector.extract %slice3A_836[0] : i32 from vector<1xi32>
      %dma_start3A_838 = arith.constant 0 : i32
      %dma_start3A_839 = tpu.memref_slice %arg21[%add3A_811, %dma_start3A_838] : memref<256x64xf32, #tpu.memory_space<vmem>> -> memref<1x64xf32, #tpu.memory_space<vmem>>
      %dma_start3A_840 = arith.constant 0 : i32
      %dma_start3A_841 = tpu.memref_slice %arg3[%squeeze3A_837, %dma_start3A_840] : memref<100000x64xf32, #tpu.memory_space<hbm>> -> memref<1x64xf32, #tpu.memory_space<hbm>>
      %dma_start3A_842 = arith.constant 0 : i32
      %dma_start3A_843 = tpu.memref_slice %arg21[%add3A_811, %dma_start3A_842] : memref<256x64xf32, #tpu.memory_space<vmem>> -> memref<1x64xf32, #tpu.memory_space<vmem>>
      %dma_start3A_844 = arith.constant 0 : i32
      %dma_start3A_845 = tpu.memref_slice %arg3[%squeeze3A_837, %dma_start3A_844] : memref<100000x64xf32, #tpu.memory_space<hbm>> -> memref<1x64xf32, #tpu.memory_space<hbm>>
      tpu.enqueue_dma source(%dma_start3A_845 : memref<1x64xf32, #tpu.memory_space<hbm>>) target(%dma_start3A_843 : memref<1x64xf32, #tpu.memory_space<vmem>>) target_semaphore(%arg26 : memref<!tpu.dma_semaphore, #tpu.memory_space<semaphore_mem>>)
      %slice3A_846 = vector.extract_strided_slice %get3A_92 {offsets = [15], sizes = [1], strides = [1]} : vector<16xi32> to vector<1xi32>
      %squeeze3A_847 = vector.extract %slice3A_846[0] : i32 from vector<1xi32>
      %dma_start3A_848 = arith.constant 0 : i32
      %dma_start3A_849 = tpu.memref_slice %arg22[%add3A_811, %dma_start3A_848] : memref<256x64xf32, #tpu.memory_space<vmem>> -> memref<1x64xf32, #tpu.memory_space<vmem>>
      %dma_start3A_850 = arith.constant 0 : i32
      %dma_start3A_851 = tpu.memref_slice %arg4[%squeeze3A_847, %dma_start3A_850] : memref<1000x64xf32, #tpu.memory_space<hbm>> -> memref<1x64xf32, #tpu.memory_space<hbm>>
      %dma_start3A_852 = arith.constant 0 : i32
      %dma_start3A_853 = tpu.memref_slice %arg22[%add3A_811, %dma_start3A_852] : memref<256x64xf32, #tpu.memory_space<vmem>> -> memref<1x64xf32, #tpu.memory_space<vmem>>
      %dma_start3A_854 = arith.constant 0 : i32
      %dma_start3A_855 = tpu.memref_slice %arg4[%squeeze3A_847, %dma_start3A_854] : memref<1000x64xf32, #tpu.memory_space<hbm>> -> memref<1x64xf32, #tpu.memory_space<hbm>>
      tpu.enqueue_dma source(%dma_start3A_855 : memref<1x64xf32, #tpu.memory_space<hbm>>) target(%dma_start3A_853 : memref<1x64xf32, #tpu.memory_space<vmem>>) target_semaphore(%arg26 : memref<!tpu.dma_semaphore, #tpu.memory_space<semaphore_mem>>)
    }
    %scan3A_49 = arith.constant 16 : i32
    %dma_wait3A_50 = arith.constant 0 : i32
    %dma_wait3A_51 = arith.constant 0 : i32
    %dma_wait3A_52 = tpu.memref_slice %arg3[%dma_wait3A_50, %dma_wait3A_51] : memref<100000x64xf32, #tpu.memory_space<hbm>> -> memref<256x64xf32, #tpu.memory_space<hbm>>
    %dma_wait3A_53 = arith.constant 0 : i32
    %dma_wait3A_54 = arith.constant 0 : i32
    %dma_wait3A_55 = tpu.memref_slice %arg3[%dma_wait3A_53, %dma_wait3A_54] : memref<100000x64xf32, #tpu.memory_space<hbm>> -> memref<256x64xf32, #tpu.memory_space<hbm>>
    tpu.wait_dma2 semaphore(%arg26 : memref<!tpu.dma_semaphore, #tpu.memory_space<semaphore_mem>>) src(%dma_wait3A_55 : memref<256x64xf32, #tpu.memory_space<hbm>>) dst(%arg20 : memref<256x64xf32, #tpu.memory_space<vmem>>)
    %dma_wait3A_56 = arith.constant 0 : i32
    %dma_wait3A_57 = arith.constant 0 : i32
    %dma_wait3A_58 = tpu.memref_slice %arg3[%dma_wait3A_56, %dma_wait3A_57] : memref<100000x64xf32, #tpu.memory_space<hbm>> -> memref<256x64xf32, #tpu.memory_space<hbm>>
    %dma_wait3A_59 = arith.constant 0 : i32
    %dma_wait3A_60 = arith.constant 0 : i32
    %dma_wait3A_61 = tpu.memref_slice %arg3[%dma_wait3A_59, %dma_wait3A_60] : memref<100000x64xf32, #tpu.memory_space<hbm>> -> memref<256x64xf32, #tpu.memory_space<hbm>>
    tpu.wait_dma2 semaphore(%arg26 : memref<!tpu.dma_semaphore, #tpu.memory_space<semaphore_mem>>) src(%dma_wait3A_61 : memref<256x64xf32, #tpu.memory_space<hbm>>) dst(%arg21 : memref<256x64xf32, #tpu.memory_space<vmem>>)
    %dma_wait3A_62 = arith.constant 0 : i32
    %dma_wait3A_63 = arith.constant 0 : i32
    %dma_wait3A_64 = tpu.memref_slice %arg3[%dma_wait3A_62, %dma_wait3A_63] : memref<100000x64xf32, #tpu.memory_space<hbm>> -> memref<256x64xf32, #tpu.memory_space<hbm>>
    %dma_wait3A_65 = arith.constant 0 : i32
    %dma_wait3A_66 = arith.constant 0 : i32
    %dma_wait3A_67 = tpu.memref_slice %arg3[%dma_wait3A_65, %dma_wait3A_66] : memref<100000x64xf32, #tpu.memory_space<hbm>> -> memref<256x64xf32, #tpu.memory_space<hbm>>
    tpu.wait_dma2 semaphore(%arg26 : memref<!tpu.dma_semaphore, #tpu.memory_space<semaphore_mem>>) src(%dma_wait3A_67 : memref<256x64xf32, #tpu.memory_space<hbm>>) dst(%arg22 : memref<256x64xf32, #tpu.memory_space<vmem>>)
    %dma_wait3A_68 = arith.constant 0 : i32
    %dma_wait3A_69 = tpu.memref_slice %arg5[%dma_wait3A_68] : memref<1000000xf32, #tpu.memory_space<hbm>> -> memref<1000000xf32, #tpu.memory_space<hbm>>
    tpu.wait_indirect_dma semaphore(%arg27 : memref<!tpu.dma_semaphore, #tpu.memory_space<semaphore_mem>>) src(%dma_wait3A_69 : memref<1000000xf32, #tpu.memory_space<hbm>>) dst(%arg23 : memref<256xf32, #tpu.memory_space<vmem>>)
    %dma_wait3A_70 = arith.constant 0 : i32
    %dma_wait3A_71 = tpu.memref_slice %arg6[%dma_wait3A_70] : memref<100000xf32, #tpu.memory_space<hbm>> -> memref<100000xf32, #tpu.memory_space<hbm>>
    tpu.wait_indirect_dma semaphore(%arg27 : memref<!tpu.dma_semaphore, #tpu.memory_space<semaphore_mem>>) src(%dma_wait3A_71 : memref<100000xf32, #tpu.memory_space<hbm>>) dst(%arg24 : memref<256xf32, #tpu.memory_space<vmem>>)
    %dma_wait3A_72 = arith.constant 0 : i32
    %dma_wait3A_73 = tpu.memref_slice %arg7[%dma_wait3A_72] : memref<1000xf32, #tpu.memory_space<hbm>> -> memref<1000xf32, #tpu.memory_space<hbm>>
    tpu.wait_indirect_dma semaphore(%arg27 : memref<!tpu.dma_semaphore, #tpu.memory_space<semaphore_mem>>) src(%dma_wait3A_73 : memref<1000xf32, #tpu.memory_space<hbm>>) dst(%arg25 : memref<256xf32, #tpu.memory_space<vmem>>)
    "tpu.region"() ({
      %run_scoped3A = tpu.sem_alloc : memref<!tpu.dma_semaphore, #tpu.memory_space<semaphore_mem>>
      %dma_start3A_74 = arith.constant 0 : i32
      %dma_start3A_75 = tpu.memref_slice %arg11[%add3A_38, %dma_start3A_74] : memref<16384x64xf32, #tpu.memory_space<hbm>> -> memref<256x64xf32, #tpu.memory_space<hbm>>
      %dma_start3A_76 = arith.constant 0 : i32
      %dma_start3A_77 = tpu.memref_slice %arg11[%add3A_38, %dma_start3A_76] : memref<16384x64xf32, #tpu.memory_space<hbm>> -> memref<256x64xf32, #tpu.memory_space<hbm>>
      tpu.enqueue_dma source(%arg20 : memref<256x64xf32, #tpu.memory_space<vmem>>) target(%dma_start3A_77 : memref<256x64xf32, #tpu.memory_space<hbm>>) target_semaphore(%run_scoped3A : memref<!tpu.dma_semaphore, #tpu.memory_space<semaphore_mem>>)
      %dma_wait3A_78 = arith.constant 0 : i32
      %dma_wait3A_79 = tpu.memref_slice %arg11[%add3A_38, %dma_wait3A_78] : memref<16384x64xf32, #tpu.memory_space<hbm>> -> memref<256x64xf32, #tpu.memory_space<hbm>>
      %dma_wait3A_80 = arith.constant 0 : i32
      %dma_wait3A_81 = tpu.memref_slice %arg11[%add3A_38, %dma_wait3A_80] : memref<16384x64xf32, #tpu.memory_space<hbm>> -> memref<256x64xf32, #tpu.memory_space<hbm>>
      tpu.wait_dma2 semaphore(%run_scoped3A : memref<!tpu.dma_semaphore, #tpu.memory_space<semaphore_mem>>) src(%arg20 : memref<256x64xf32, #tpu.memory_space<vmem>>) dst(%dma_wait3A_81 : memref<256x64xf32, #tpu.memory_space<hbm>>)
      tpu.yield
    }) : () -> ()
    "tpu.region"() ({
      %run_scoped3A = tpu.sem_alloc : memref<!tpu.dma_semaphore, #tpu.memory_space<semaphore_mem>>
      %dma_start3A_74 = arith.constant 0 : i32
      %dma_start3A_75 = tpu.memref_slice %arg12[%add3A_38, %dma_start3A_74] : memref<16384x64xf32, #tpu.memory_space<hbm>> -> memref<256x64xf32, #tpu.memory_space<hbm>>
      %dma_start3A_76 = arith.constant 0 : i32
      %dma_start3A_77 = tpu.memref_slice %arg12[%add3A_38, %dma_start3A_76] : memref<16384x64xf32, #tpu.memory_space<hbm>> -> memref<256x64xf32, #tpu.memory_space<hbm>>
      tpu.enqueue_dma source(%arg21 : memref<256x64xf32, #tpu.memory_space<vmem>>) target(%dma_start3A_77 : memref<256x64xf32, #tpu.memory_space<hbm>>) target_semaphore(%run_scoped3A : memref<!tpu.dma_semaphore, #tpu.memory_space<semaphore_mem>>)
      %dma_wait3A_78 = arith.constant 0 : i32
      %dma_wait3A_79 = tpu.memref_slice %arg12[%add3A_38, %dma_wait3A_78] : memref<16384x64xf32, #tpu.memory_space<hbm>> -> memref<256x64xf32, #tpu.memory_space<hbm>>
      %dma_wait3A_80 = arith.constant 0 : i32
      %dma_wait3A_81 = tpu.memref_slice %arg12[%add3A_38, %dma_wait3A_80] : memref<16384x64xf32, #tpu.memory_space<hbm>> -> memref<256x64xf32, #tpu.memory_space<hbm>>
      tpu.wait_dma2 semaphore(%run_scoped3A : memref<!tpu.dma_semaphore, #tpu.memory_space<semaphore_mem>>) src(%arg21 : memref<256x64xf32, #tpu.memory_space<vmem>>) dst(%dma_wait3A_81 : memref<256x64xf32, #tpu.memory_space<hbm>>)
      tpu.yield
    }) : () -> ()
    "tpu.region"() ({
      %run_scoped3A = tpu.sem_alloc : memref<!tpu.dma_semaphore, #tpu.memory_space<semaphore_mem>>
      %dma_start3A_74 = arith.constant 0 : i32
      %dma_start3A_75 = tpu.memref_slice %arg13[%add3A_38, %dma_start3A_74] : memref<16384x64xf32, #tpu.memory_space<hbm>> -> memref<256x64xf32, #tpu.memory_space<hbm>>
      %dma_start3A_76 = arith.constant 0 : i32
      %dma_start3A_77 = tpu.memref_slice %arg13[%add3A_38, %dma_start3A_76] : memref<16384x64xf32, #tpu.memory_space<hbm>> -> memref<256x64xf32, #tpu.memory_space<hbm>>
      tpu.enqueue_dma source(%arg22 : memref<256x64xf32, #tpu.memory_space<vmem>>) target(%dma_start3A_77 : memref<256x64xf32, #tpu.memory_space<hbm>>) target_semaphore(%run_scoped3A : memref<!tpu.dma_semaphore, #tpu.memory_space<semaphore_mem>>)
      %dma_wait3A_78 = arith.constant 0 : i32
      %dma_wait3A_79 = tpu.memref_slice %arg13[%add3A_38, %dma_wait3A_78] : memref<16384x64xf32, #tpu.memory_space<hbm>> -> memref<256x64xf32, #tpu.memory_space<hbm>>
      %dma_wait3A_80 = arith.constant 0 : i32
      %dma_wait3A_81 = tpu.memref_slice %arg13[%add3A_38, %dma_wait3A_80] : memref<16384x64xf32, #tpu.memory_space<hbm>> -> memref<256x64xf32, #tpu.memory_space<hbm>>
      tpu.wait_dma2 semaphore(%run_scoped3A : memref<!tpu.dma_semaphore, #tpu.memory_space<semaphore_mem>>) src(%arg22 : memref<256x64xf32, #tpu.memory_space<vmem>>) dst(%dma_wait3A_81 : memref<256x64xf32, #tpu.memory_space<hbm>>)
      tpu.yield
    }) : () -> ()
    "tpu.region"() ({
      %run_scoped3A = tpu.sem_alloc : memref<!tpu.dma_semaphore, #tpu.memory_space<semaphore_mem>>
      %dma_start3A_74 = tpu.memref_slice %arg14[%add3A_38] : memref<16384xf32, #tpu.memory_space<hbm>> -> memref<256xf32, #tpu.memory_space<hbm>>
      %dma_start3A_75 = tpu.memref_slice %arg14[%add3A_38] : memref<16384xf32, #tpu.memory_space<hbm>> -> memref<256xf32, #tpu.memory_space<hbm>>
      tpu.enqueue_dma source(%arg23 : memref<256xf32, #tpu.memory_space<vmem>>) target(%dma_start3A_75 : memref<256xf32, #tpu.memory_space<hbm>>) target_semaphore(%run_scoped3A : memref<!tpu.dma_semaphore, #tpu.memory_space<semaphore_mem>>)
      %dma_wait3A_76 = tpu.memref_slice %arg14[%add3A_38] : memref<16384xf32, #tpu.memory_space<hbm>> -> memref<256xf32, #tpu.memory_space<hbm>>
      %dma_wait3A_77 = tpu.memref_slice %arg14[%add3A_38] : memref<16384xf32, #tpu.memory_space<hbm>> -> memref<256xf32, #tpu.memory_space<hbm>>
      tpu.wait_dma2 semaphore(%run_scoped3A : memref<!tpu.dma_semaphore, #tpu.memory_space<semaphore_mem>>) src(%arg23 : memref<256xf32, #tpu.memory_space<vmem>>) dst(%dma_wait3A_77 : memref<256xf32, #tpu.memory_space<hbm>>)
      tpu.yield
    }) : () -> ()
    "tpu.region"() ({
      %run_scoped3A = tpu.sem_alloc : memref<!tpu.dma_semaphore, #tpu.memory_space<semaphore_mem>>
      %dma_start3A_74 = tpu.memref_slice %arg15[%add3A_38] : memref<16384xf32, #tpu.memory_space<hbm>> -> memref<256xf32, #tpu.memory_space<hbm>>
      %dma_start3A_75 = tpu.memref_slice %arg15[%add3A_38] : memref<16384xf32, #tpu.memory_space<hbm>> -> memref<256xf32, #tpu.memory_space<hbm>>
      tpu.enqueue_dma source(%arg24 : memref<256xf32, #tpu.memory_space<vmem>>) target(%dma_start3A_75 : memref<256xf32, #tpu.memory_space<hbm>>) target_semaphore(%run_scoped3A : memref<!tpu.dma_semaphore, #tpu.memory_space<semaphore_mem>>)
      %dma_wait3A_76 = tpu.memref_slice %arg15[%add3A_38] : memref<16384xf32, #tpu.memory_space<hbm>> -> memref<256xf32, #tpu.memory_space<hbm>>
      %dma_wait3A_77 = tpu.memref_slice %arg15[%add3A_38] : memref<16384xf32, #tpu.memory_space<hbm>> -> memref<256xf32, #tpu.memory_space<hbm>>
      tpu.wait_dma2 semaphore(%run_scoped3A : memref<!tpu.dma_semaphore, #tpu.memory_space<semaphore_mem>>) src(%arg24 : memref<256xf32, #tpu.memory_space<vmem>>) dst(%dma_wait3A_77 : memref<256xf32, #tpu.memory_space<hbm>>)
      tpu.yield
    }) : () -> ()
    "tpu.region"() ({
      %run_scoped3A = tpu.sem_alloc : memref<!tpu.dma_semaphore, #tpu.memory_space<semaphore_mem>>
      %dma_start3A_74 = tpu.memref_slice %arg16[%add3A_38] : memref<16384xf32, #tpu.memory_space<hbm>> -> memref<256xf32, #tpu.memory_space<hbm>>
      %dma_start3A_75 = tpu.memref_slice %arg16[%add3A_38] : memref<16384xf32, #tpu.memory_space<hbm>> -> memref<256xf32, #tpu.memory_space<hbm>>
      tpu.enqueue_dma source(%arg25 : memref<256xf32, #tpu.memory_space<vmem>>) target(%dma_start3A_75 : memref<256xf32, #tpu.memory_space<hbm>>) target_semaphore(%run_scoped3A : memref<!tpu.dma_semaphore, #tpu.memory_space<semaphore_mem>>)
      %dma_wait3A_76 = tpu.memref_slice %arg16[%add3A_38] : memref<16384xf32, #tpu.memory_space<hbm>> -> memref<256xf32, #tpu.memory_space<hbm>>
      %dma_wait3A_77 = tpu.memref_slice %arg16[%add3A_38] : memref<16384xf32, #tpu.memory_space<hbm>> -> memref<256xf32, #tpu.memory_space<hbm>>
      tpu.wait_dma2 semaphore(%run_scoped3A : memref<!tpu.dma_semaphore, #tpu.memory_space<semaphore_mem>>) src(%arg25 : memref<256xf32, #tpu.memory_space<vmem>>) dst(%dma_wait3A_77 : memref<256xf32, #tpu.memory_space<hbm>>)
      tpu.yield
    }) : () -> ()
    return
  }
}

module attributes {stable_mosaic.version = 14 : i64} {
  func.func @_tc_body(%arg0: i32, %arg1: memref<1024x64xf32, #tpu.memory_space<vmem>>, %arg2: memref<1024x64xf32, #tpu.memory_space<vmem>>, %arg3: memref<1024x64xf32, #tpu.memory_space<vmem>>, %arg4: memref<1024x1xf32, #tpu.memory_space<vmem>>, %arg5: memref<192x128xf32, #tpu.memory_space<vmem>>, %arg6: memref<1x128xf32, #tpu.memory_space<vmem>>, %arg7: memref<128x64xf32, #tpu.memory_space<vmem>>, %arg8: memref<1x64xf32, #tpu.memory_space<vmem>>, %arg9: memref<1x64xf32, #tpu.memory_space<vmem>>, %arg10: memref<1x1xf32, #tpu.memory_space<vmem>>, %arg11: memref<1024x1xf32, #tpu.memory_space<vmem>>) attributes {dimension_semantics = [#tpu.dimension_semantics<arbitrary>], iteration_bounds = array<i64: 16>, scalar_prefetch = 0 : i64, scratch_operands = 0 : i64, tpu.core_type = #tpu.core_type<tc>, window_params = [{transform_indices = @transform_0, window_bounds = array<i64: 1024, 64>}, {transform_indices = @transform_1, window_bounds = array<i64: 1024, 64>}, {transform_indices = @transform_2, window_bounds = array<i64: 1024, 64>}, {transform_indices = @transform_3, window_bounds = array<i64: 1024, 1>}, {pipeline_mode = #tpu.pipeline_mode<synchronous>, transform_indices = @transform_4, window_bounds = array<i64: 192, 128>}, {pipeline_mode = #tpu.pipeline_mode<synchronous>, transform_indices = @transform_5, window_bounds = array<i64: 1, 128>}, {pipeline_mode = #tpu.pipeline_mode<synchronous>, transform_indices = @transform_6, window_bounds = array<i64: 128, 64>}, {pipeline_mode = #tpu.pipeline_mode<synchronous>, transform_indices = @transform_7, window_bounds = array<i64: 1, 64>}, {pipeline_mode = #tpu.pipeline_mode<synchronous>, transform_indices = @transform_8, window_bounds = array<i64: 1, 64>}, {pipeline_mode = #tpu.pipeline_mode<synchronous>, transform_indices = @transform_9, window_bounds = array<i64: 1, 1>}, {transform_indices = @transform_10, window_bounds = array<i64: 1024, 1>}]} {
    %get3A = arith.constant 0 : index
    %get3A_0 = arith.constant 0 : index
    %get3A_1 = vector.load %arg1[%get3A, %get3A_0] : memref<1024x64xf32, #tpu.memory_space<vmem>>, vector<1024x64xf32>
    %get3A_2 = arith.constant 0 : index
    %get3A_3 = arith.constant 0 : index
    %get3A_4 = vector.load %arg2[%get3A_2, %get3A_3] : memref<1024x64xf32, #tpu.memory_space<vmem>>, vector<1024x64xf32>
    %get3A_5 = arith.constant 0 : index
    %get3A_6 = arith.constant 0 : index
    %get3A_7 = vector.load %arg3[%get3A_5, %get3A_6] : memref<1024x64xf32, #tpu.memory_space<vmem>>, vector<1024x64xf32>
    %add3A = arith.addf %get3A_1, %get3A_4 : vector<1024x64xf32>
    %add3A_8 = arith.addf %add3A, %get3A_7 : vector<1024x64xf32>
    %mul3A = arith.mulf %add3A_8, %add3A_8 : vector<1024x64xf32>
    %reduce_sum3A = arith.constant dense<0.000000e+00> : vector<1024xf32>
    %reduce_sum3A_9 = vector.multi_reduction <add>, %mul3A, %reduce_sum3A [1] : vector<1024x64xf32> to vector<1024xf32>
    %broadcast_in_dim3A = vector.shape_cast %reduce_sum3A_9 : vector<1024xf32> to vector<1024x1xf32>
    %mul3A_10 = arith.mulf %get3A_1, %get3A_1 : vector<1024x64xf32>
    %mul3A_11 = arith.mulf %get3A_4, %get3A_4 : vector<1024x64xf32>
    %add3A_12 = arith.addf %mul3A_10, %mul3A_11 : vector<1024x64xf32>
    %mul3A_13 = arith.mulf %get3A_7, %get3A_7 : vector<1024x64xf32>
    %add3A_14 = arith.addf %add3A_12, %mul3A_13 : vector<1024x64xf32>
    %reduce_sum3A_15 = arith.constant dense<0.000000e+00> : vector<1024xf32>
    %reduce_sum3A_16 = vector.multi_reduction <add>, %add3A_14, %reduce_sum3A_15 [1] : vector<1024x64xf32> to vector<1024xf32>
    %broadcast_in_dim3A_17 = vector.shape_cast %reduce_sum3A_16 : vector<1024xf32> to vector<1024x1xf32>
    %sub3A = arith.subf %broadcast_in_dim3A, %broadcast_in_dim3A_17 : vector<1024x1xf32>
    %mul3A_18 = arith.constant 5.000000e-01 : f32
    %mul3A_19 = vector.broadcast %mul3A_18 : f32 to vector<1024x1xf32>
    %mul3A_20 = arith.mulf %mul3A_19, %sub3A : vector<1024x1xf32>
    %get3A_21 = arith.constant 0 : index
    %get3A_22 = arith.constant 0 : index
    %get3A_23 = vector.load %arg5[%get3A_21, %get3A_22] : memref<192x128xf32, #tpu.memory_space<vmem>>, vector<192x128xf32>
    %slice3A = vector.extract_strided_slice %get3A_23 {offsets = [0, 0], sizes = [64, 128], strides = [1, 1]} : vector<192x128xf32> to vector<64x128xf32>
    %dot_general3A = arith.constant dense<0.000000e+00> : vector<1024x128xf32>
    %dot_general3A_24 = tpu.matmul %get3A_1, %slice3A, %dot_general3A {dimension_numbers = #tpu.dot_dimension_numbers<[1], [0], [0], [1], [0, 0, 1, 1], [], []>, transpose_lhs_hint = false} : vector<1024x64xf32>, vector<64x128xf32>, vector<1024x128xf32> -> vector<1024x128xf32>
    %slice3A_25 = vector.extract_strided_slice %get3A_23 {offsets = [64, 0], sizes = [64, 128], strides = [1, 1]} : vector<192x128xf32> to vector<64x128xf32>
    %dot_general3A_26 = arith.constant dense<0.000000e+00> : vector<1024x128xf32>
    %dot_general3A_27 = tpu.matmul %get3A_4, %slice3A_25, %dot_general3A_26 {dimension_numbers = #tpu.dot_dimension_numbers<[1], [0], [0], [1], [0, 0, 1, 1], [], []>, transpose_lhs_hint = false} : vector<1024x64xf32>, vector<64x128xf32>, vector<1024x128xf32> -> vector<1024x128xf32>
    %add3A_28 = arith.addf %dot_general3A_24, %dot_general3A_27 : vector<1024x128xf32>
    %slice3A_29 = vector.extract_strided_slice %get3A_23 {offsets = [128, 0], sizes = [64, 128], strides = [1, 1]} : vector<192x128xf32> to vector<64x128xf32>
    %dot_general3A_30 = arith.constant dense<0.000000e+00> : vector<1024x128xf32>
    %dot_general3A_31 = tpu.matmul %get3A_7, %slice3A_29, %dot_general3A_30 {dimension_numbers = #tpu.dot_dimension_numbers<[1], [0], [0], [1], [0, 0, 1, 1], [], []>, transpose_lhs_hint = false} : vector<1024x64xf32>, vector<64x128xf32>, vector<1024x128xf32> -> vector<1024x128xf32>
    %add3A_32 = arith.addf %add3A_28, %dot_general3A_31 : vector<1024x128xf32>
    %get3A_33 = arith.constant 0 : index
    %get3A_34 = arith.constant 0 : index
    %get3A_35 = vector.load %arg6[%get3A_33, %get3A_34] : memref<1x128xf32, #tpu.memory_space<vmem>>, vector<1x128xf32>
    %add3A_36 = vector.broadcast %get3A_35 : vector<1x128xf32> to vector<1024x128xf32>
    %add3A_37 = arith.addf %add3A_32, %add3A_36 : vector<1024x128xf32>
    %max3A = arith.constant 0.000000e+00 : f32
    %max3A_38 = vector.broadcast %max3A : f32 to vector<1024x128xf32>
    %max3A_39 = arith.maximumf %add3A_37, %max3A_38 : vector<1024x128xf32>
    %get3A_40 = arith.constant 0 : index
    %get3A_41 = arith.constant 0 : index
    %get3A_42 = vector.load %arg7[%get3A_40, %get3A_41] : memref<128x64xf32, #tpu.memory_space<vmem>>, vector<128x64xf32>
    %dot_general3A_43 = arith.constant dense<0.000000e+00> : vector<1024x64xf32>
    %dot_general3A_44 = tpu.matmul %max3A_39, %get3A_42, %dot_general3A_43 {dimension_numbers = #tpu.dot_dimension_numbers<[1], [0], [0], [1], [0, 0, 1, 1], [], []>, transpose_lhs_hint = false} : vector<1024x128xf32>, vector<128x64xf32>, vector<1024x64xf32> -> vector<1024x64xf32>
    %get3A_45 = arith.constant 0 : index
    %get3A_46 = arith.constant 0 : index
    %get3A_47 = vector.load %arg8[%get3A_45, %get3A_46] : memref<1x64xf32, #tpu.memory_space<vmem>>, vector<1x64xf32>
    %add3A_48 = vector.broadcast %get3A_47 : vector<1x64xf32> to vector<1024x64xf32>
    %add3A_49 = arith.addf %dot_general3A_44, %add3A_48 : vector<1024x64xf32>
    %max3A_50 = arith.constant 0.000000e+00 : f32
    %max3A_51 = vector.broadcast %max3A_50 : f32 to vector<1024x64xf32>
    %max3A_52 = arith.maximumf %add3A_49, %max3A_51 : vector<1024x64xf32>
    %get3A_53 = arith.constant 0 : index
    %get3A_54 = arith.constant 0 : index
    %get3A_55 = vector.load %arg9[%get3A_53, %get3A_54] : memref<1x64xf32, #tpu.memory_space<vmem>>, vector<1x64xf32>
    %mul3A_56 = vector.broadcast %get3A_55 : vector<1x64xf32> to vector<1024x64xf32>
    %mul3A_57 = arith.mulf %max3A_52, %mul3A_56 : vector<1024x64xf32>
    %reduce_sum3A_58 = arith.constant dense<0.000000e+00> : vector<1024xf32>
    %reduce_sum3A_59 = vector.multi_reduction <add>, %mul3A_57, %reduce_sum3A_58 [1] : vector<1024x64xf32> to vector<1024xf32>
    %broadcast_in_dim3A_60 = vector.shape_cast %reduce_sum3A_59 : vector<1024xf32> to vector<1024x1xf32>
    %get3A_61 = arith.constant 0 : index
    %get3A_62 = arith.constant 0 : index
    %get3A_63 = vector.load %arg10[%get3A_61, %get3A_62] : memref<1x1xf32, #tpu.memory_space<vmem>>, vector<1x1xf32>
    %get3A_64 = arith.constant 0 : index
    %get3A_65 = arith.constant 0 : index
    %get3A_66 = vector.load %arg4[%get3A_64, %get3A_65] : memref<1024x1xf32, #tpu.memory_space<vmem>>, vector<1024x1xf32>
    %add3A_67 = vector.broadcast %get3A_63 : vector<1x1xf32> to vector<1024x1xf32>
    %add3A_68 = arith.addf %add3A_67, %get3A_66 : vector<1024x1xf32>
    %add3A_69 = arith.addf %add3A_68, %mul3A_20 : vector<1024x1xf32>
    %add3A_70 = arith.addf %add3A_69, %broadcast_in_dim3A_60 : vector<1024x1xf32>
    %logistic3A = arith.negf %add3A_70 : vector<1024x1xf32>
    %logistic3A_71 = math.exp %logistic3A : vector<1024x1xf32>
    %logistic3A_72 = arith.constant 1.000000e+00 : f32
    %logistic3A_73 = vector.broadcast %logistic3A_72 : f32 to vector<1024x1xf32>
    %logistic3A_74 = arith.addf %logistic3A_73, %logistic3A_71 : vector<1024x1xf32>
    %logistic3A_75 = arith.divf %logistic3A_73, %logistic3A_74 : vector<1024x1xf32>
    %swap3A = arith.constant 0 : index
    %swap3A_76 = arith.constant 0 : index
    %swap3A_77 = vector.load %arg11[%swap3A, %swap3A_76] : memref<1024x1xf32, #tpu.memory_space<vmem>>, vector<1024x1xf32>
    tpu.vector_store %arg11[%swap3A, %swap3A_76], %logistic3A_75 {strides = array<i32>} : memref<1024x1xf32, #tpu.memory_space<vmem>>, vector<1024x1xf32>,
    return
  }
  func.func @transform_0(%arg0: i32) -> (i32, i32) {
    %c0_i32 = arith.constant 0 : i32
    %c0_i32_0 = arith.constant 0 : i32
    return %arg0, %c0_i32 : i32, i32
  }
  func.func @transform_1(%arg0: i32) -> (i32, i32) {
    %c0_i32 = arith.constant 0 : i32
    %c0_i32_0 = arith.constant 0 : i32
    return %arg0, %c0_i32 : i32, i32
  }
  func.func @transform_2(%arg0: i32) -> (i32, i32) {
    %c0_i32 = arith.constant 0 : i32
    %c0_i32_0 = arith.constant 0 : i32
    return %arg0, %c0_i32 : i32, i32
  }
  func.func @transform_3(%arg0: i32) -> (i32, i32) {
    %c0_i32 = arith.constant 0 : i32
    %c0_i32_0 = arith.constant 0 : i32
    return %arg0, %c0_i32 : i32, i32
  }
  func.func @transform_4(%arg0: i32) -> (i32, i32) {
    %c0_i32 = arith.constant 0 : i32
    %c0_i32_0 = arith.constant 0 : i32
    %c0_i32_1 = arith.constant 0 : i32
    return %c0_i32, %c0_i32_0 : i32, i32
  }
  func.func @transform_5(%arg0: i32) -> (i32, i32) {
    %c0_i32 = arith.constant 0 : i32
    %c0_i32_0 = arith.constant 0 : i32
    %c0_i32_1 = arith.constant 0 : i32
    return %c0_i32, %c0_i32_0 : i32, i32
  }
  func.func @transform_6(%arg0: i32) -> (i32, i32) {
    %c0_i32 = arith.constant 0 : i32
    %c0_i32_0 = arith.constant 0 : i32
    %c0_i32_1 = arith.constant 0 : i32
    return %c0_i32, %c0_i32_0 : i32, i32
  }
  func.func @transform_7(%arg0: i32) -> (i32, i32) {
    %c0_i32 = arith.constant 0 : i32
    %c0_i32_0 = arith.constant 0 : i32
    %c0_i32_1 = arith.constant 0 : i32
    return %c0_i32, %c0_i32_0 : i32, i32
  }
  func.func @transform_8(%arg0: i32) -> (i32, i32) {
    %c0_i32 = arith.constant 0 : i32
    %c0_i32_0 = arith.constant 0 : i32
    %c0_i32_1 = arith.constant 0 : i32
    return %c0_i32, %c0_i32_0 : i32, i32
  }
  func.func @transform_9(%arg0: i32) -> (i32, i32) {
    %c0_i32 = arith.constant 0 : i32
    %c0_i32_0 = arith.constant 0 : i32
    %c0_i32_1 = arith.constant 0 : i32
    return %c0_i32, %c0_i32_0 : i32, i32
  }
  func.func @transform_10(%arg0: i32) -> (i32, i32) {
    %c0_i32 = arith.constant 0 : i32
    %c0_i32_0 = arith.constant 0 : i32
    return %arg0, %c0_i32 : i32, i32
  }
}

</mosaic_0001>

<sc_bundles>
// kernel: kernel.4.cloned.1.call-start
scs
__scs_entry_jumppad:
0x0: {  	(pc) =	sbr.rel $0x88, $3  }
0x1: {  	(tag) =	ssettag $0x0;
	lr =	simm.s32 $0x1  }
0x2: {  	[smem:$0x3F91] =	sst lr;
	_ =	strace $0xD0000000  }
0x3: {  	_ = 	snop  }
0x4: {  	_ = 	snop  }
0x5: {  	_ = 	snop  }
0x6: {  	_ = 	snop  }
0x7: {  	_ = 	snop  }
__scs_overlays_trampoline_lowered:
0x8: {  	[smem:$0x3FA0] =	sst s0  }
0x9: {  	[smem:$0x3FA1] =	sst s1  }
0xa: {  	[smem:$0x3FA2] =	sst s2  }
0xb: {  	[smem:$0x3FA3] =	sst s3  }
0xc: {  	[smem:$0x3FA4] =	sst s4  }
0xd: {  	[smem:$0x3FA5] =	sst s5  }
0xe: {  	[smem:$0x3FA6] =	sst s6  }
0xf: {  	[smem:$0x3FA7] =	sst s7  }
0x10: {  	[smem:$0x3FA8] =	sst s8  }
0x11: {  	[smem:$0x3FA9] =	sst s9;
	s0 =	simm.s32 @!p0 $0x0  }
0x12: {  	s1 =	sld [smem:$0x3F8F];
	s0 =	simm.s32 @p0 $0x1  }
0x13: {  	[smem:$0x3FAA] =	sst s0;
	s0 =	simm.s32 @!p1 $0x0  }
0x14: {  	s2 =	sld [smem:$0x3F8E];
	s0 =	simm.s32 @p1 $0x1  }
0x15: {  	[smem:$0x3FAB] =	sst s0;
	s0 =	simm.s32 @!p2 $0x0  }
0x16: {  	s3 =	sld [smem:$0x3FDB];
	s0 =	simm.s32 @p2 $0x1  }
0x17: {  	s4 =	simm.s32 $0x1BF5;
	[smem:$0x3FAD] =	sst s0  }
0x18: {  	s0 =	sld [smem:$0x3F90];
	_ =	swait.ge [sflag:s4], $0x0  }
0x19: {  	s7 =	sld [smem:$0x3F91]  }
0x1a: {  	s8 =	sadd.s32 $0xFFFFE003, lr  }
0x1b: {  	s9 =	sadd.s32 $0xFFFFFEF7, lr;
	s5 =	simm.s32 $0xFFFFFFFF;
	p2 =	slt.u32 s8, $0xFFFFF086  }
0x1c: {  	p1 =	slt.u32 s9, $0xF7A;
	s5 =	simm.s32 @!p2 $0x0  }
0x1d: {  	s5 =	simm.s32 @p1 $0x1;
	p0 =	seq.s32 s7, s2  }
0x1e: {  	s7 =	smul.u32 @!p0 $0xF7A, s2;
	p2 =	seq.s32 @!p0 s5, $0x0  }
0x1f: {  	s9 =	smul.u32 $0xF7A, s1;
	s8 =	simm.s32 @!p0 $0x1BF5;
	p2 =	por !p2, p0  }
0x20: {  	[sflag:s8] =	ssyncset.s32 @!p0 $0xFFFFF086;
	s6 =	sadd.s32 @!p0 s3, s7;
	s7 =	simm.s32 @!p0 $0x108  }
0x21: {  	s3 =	sadd.s32 s3, s9;
	s6 =	sadd.s32 @!p0 $0x88, s6;
	s7 =	simm.s32 @p2 $0x1082  }
0x22: {  	[simem:s7], [sflag:s8] =	dma.local @!p0 [hbm:s6], $0xF7A  }
0x23: {  	s9 =	sor.u32 $0xD0000000, s2;
	s6 =	simm.s32 $0x108;
	_ =	swait.ge @!p0 [sflag:s8], $0x0  }
0x24: {  	s3 =	sadd.s32 $0x88, s3;
	s6 =	simm.s32 @!p1 $0x1082;
	[sflag:s4] =	ssyncset.s32 $0xFFFFF086  }
0x25: {  	[simem:s6], [sflag:s4] =	dma.local [hbm:s3], $0xF7A  }
0x26: {  	[smem:$0x3F91] =	sst s1;
	(tag) =	ssettag s2;
	_ =	strace s9  }
0x27: {  	s1 =	sld [smem:$0x3FA1]  }
0x28: {  	s2 =	sld [smem:$0x3FA2]  }
0x29: {  	s4 =	sld [smem:$0x3FA4]  }
0x2a: {  	p0 =	seq.s32 s5, $0x0;
	s5 =	sld [smem:$0x3FA5]  }
0x2b: {  	s6 =	sld [smem:$0x3FA6]  }
0x2c: {  	s7 =	sld [smem:$0x3FA7]  }
0x2d: {  	s3 =	simm.s32 $0x108;
	s8 =	sld [smem:$0x3FA8]  }
0x2e: {  	s3 =	simm.s32 @!p0 $0x1082;
	s9 =	sld [smem:$0x3FA9]  }
0x2f: {  	lr =	sadd.s32 s0, s3;
	s0 =	sld [smem:$0x3FA0]  }
0x30: {  	s3 =	sld [smem:$0x3FA3]  }
0x31: {  	[smem:$0x3FAC] =	sst s10  }
0x32: {  	s10 =	sld [smem:$0x3FAA];
	_ =	sdelay $0x3  }
0x33: {  	p0 =	seq.s32 s10, $0x1;
	s10 =	sld [smem:$0x3FAC];
	_ =	sdelay $0x3  }
0x34: {  	[smem:$0x3FAC] =	sst s10  }
0x35: {  	s10 =	sld [smem:$0x3FAB];
	_ =	sdelay $0x3  }
0x36: {  	p1 =	seq.s32 s10, $0x1;
	s10 =	sld [smem:$0x3FAC];
	_ =	sdelay $0x3  }
0x37: {  	[smem:$0x3FAC] =	sst s10  }
0x38: {  	s10 =	sld [smem:$0x3FAD]  }
0x39: {  	_ = 	snop;
	(pc) =	sbr.ind lr, $3  }
0x3a: {  	_ = 	snop  }
0x3b: {  	_ = 	snop  }
0x3c: {  	p2 =	seq.s32 s10, $0x1;
	s10 =	sld [smem:$0x3FAC]  }
0x3d: {  	_ =	shalt  }
0x3e: {  	_ =	shalt  }
0x3f: {  	_ =	shalt  }
0x40: {  	_ =	shalt  }
0x41: {  	_ =	shalt  }
0x42: {  	_ =	shalt  }
0x43: {  	_ =	shalt  }
0x44: {  	_ =	shalt  }
0x45: {  	_ =	shalt  }
0x46: {  	_ =	shalt  }
0x47: {  	_ =	shalt  }
0x48: {  	_ =	shalt  }
0x49: {  	_ =	shalt  }
0x4a: {  	_ =	shalt  }
0x4b: {  	_ =	shalt  }
0x4c: {  	_ =	shalt  }
0x4d: {  	_ =	shalt  }
0x4e: {  	_ =	shalt  }
0x4f: {  	_ =	shalt  }
0x50: {  	_ =	shalt  }
0x51: {  	_ =	shalt  }
0x52: {  	_ =	shalt  }
0x53: {  	_ =	shalt  }
0x54: {  	_ =	shalt  }
0x55: {  	_ =	shalt  }
0x56: {  	_ =	shalt  }
0x57: {  	_ =	shalt  }
0x58: {  	_ =	shalt  }
0x59: {  	_ =	shalt  }
0x5a: {  	_ =	shalt  }
0x5b: {  	_ =	shalt  }
0x5c: {  	_ =	shalt  }
0x5d: {  	_ =	shalt  }
0x5e: {  	_ =	shalt  }
0x5f: {  	_ =	shalt  }
0x60: {  	_ =	shalt  }
0x61: {  	_ =	shalt  }
0x62: {  	_ =	shalt  }
0x63: {  	_ =	shalt  }
0x64: {  	_ =	shalt  }
0x65: {  	_ =	shalt  }
0x66: {  	_ =	shalt  }
0x67: {  	_ =	shalt  }
0x68: {  	_ =	shalt  }
0x69: {  	_ =	shalt  }
0x6a: {  	_ =	shalt  }
0x6b: {  	_ =	shalt  }
0x6c: {  	_ =	shalt  }
0x6d: {  	_ =	shalt  }
0x6e: {  	_ =	shalt  }
0x6f: {  	_ =	shalt  }
0x70: {  	_ =	shalt  }
0x71: {  	_ =	shalt  }
0x72: {  	_ =	shalt  }
0x73: {  	_ =	shalt  }
0x74: {  	_ =	shalt  }
0x75: {  	_ =	shalt  }
0x76: {  	_ =	shalt  }
0x77: {  	_ =	shalt  }
0x78: {  	_ =	shalt  }
0x79: {  	_ =	shalt  }
0x7a: {  	_ =	shalt  }
0x7b: {  	_ =	shalt  }
0x7c: {  	_ =	shalt  }
0x7d: {  	_ =	shalt  }
0x7e: {  	_ =	shalt  }
0x7f: {  	_ =	shalt  }
0x80: {  	_ =	shalt  }
0x81: {  	_ =	shalt  }
0x82: {  	_ =	shalt  }
0x83: {  	_ =	shalt  }
0x84: {  	_ =	shalt  }
0x85: {  	_ =	shalt  }
0x86: {  	_ =	shalt  }
0x87: {  	_ =	shalt  }
.Lfunc_end0:
.L_simem_size_0:
called_computation_lowered:
.L_overlay_start_0:
0x88: {  	s2 =	sld [smem:$0x3FD9]  }
0x89: {  	s3 =	sld [smem:$0x3FFE];
	_ =	sdelay $0x1  }
0x8a: {  	s1 =	srdreg.scid  }
0x8b: {  	s0 =	sand.u32 $0x1, s1  }
0x8c: {  	s17 =	sshll.u32 s0, $0xA;
	s2 =	sadd.s32 s3, s2  }
0x8d: {  	s2 =	sadd.s32 s2, s17  }
0x8e: {  	[smem:$0x3FB8] =	sst s2  }
0x8f: {  	_ = 	snop  }
0x90: {  	s2 =	sld [smem:$0x3FC9]  }
0x91: {  	s18 =	sld [smem:$0x3FC8]  }
0x92: {  	s4 =	sld [smem:$0x3FC7]  }
0x93: {  	s5 =	sld [smem:$0x3FC4]  }
0x94: {  	s6 =	sld [smem:$0x3FD0];
	(tm) =	ssettm $0x1  }
0x95: {  	s7 =	sld [smem:$0x3FFB];
	_ =	sdelay $0x3  }
0x96: {  	_ =	strace s7  }
0x97: {  	s7 =	sld [smem:$0x3FFC];
	_ =	sdelay $0x3  }
0x98: {  	_ =	strace s7  }
0x99: {  	s7 =	sld [smem:$0x3FFD];
	_ =	sdelay $0x3  }
0x9a: {  	_ =	strace s7  }
0x9b: {  	_ =	strace $0x8FFFFFFF  }
0x9c: {  	s19 =	sld [smem:$0x3FDB];
	_ =	sdelay $0x1  }
0x9d: {  	s8 =	simm.s32 $_scs_section_size  }
0x9e: {  	s9 =	simm.s32 $_size__tile_overlayer_lowered;
	s10 =	simm.s32 $_tile_overlayer_lowered  }
0x9f: {  	s22 =	simm.s32 $0x1BFF;
	s21 =	sshll.u32 s10, $0x1;
	s7 =	sadd.s32 s8, s19  }
0xa0: {  	s11 =	simm.s32 $0x0;
	s20 =	sshll.u32 s9, $0x1;
	s9 =	sadd.s32 s21, s7  }
0xa1: {  	[timem:s11], [sflag:s22] =	dma.local [hbm:s9], s20  }
0xa2: {  	_ =	swait.ge [sflag:s22], s20  }
0xa3: {  	s8 =	ssub.s32 $0x0, s20;
	[sflag:s22] =	ssyncset.done $0x0  }
0xa4: {  	[sflag:s22] =	ssyncadd.s32 s8;
	_ =	sdelay $0x1  }
0xa5: {  	s23 =	simm.s32 $0x1B8B  }
0xa6: {  	_ =	swait.ge [sflag:s23], $0x1  }
0xa7: {  	[sflag:s23] =	ssyncset.done $0x0  }
0xa8: {  	s25 =	simm.s32 $0x1B8E;
	s24 =	sld [smem:$0x3FFE];
	[sflag:s23] =	ssyncadd.s32 $0xFFFFFFFF  }
0xa9: {  	s26 =	simm.s32 $execute0_lowered;
	[smem:$0x3FD2] =	sst s25  }
0xaa: {  	s9 =	sshll.u32 s26, $0x1;
	_ =	strace $0x80000046;
	[dreg:$0x1] =	wrdreg $0xFFFFFFFF  }
0xab: {  	s28 =	simm.s32 $_size_execute0_lowered;
	s7 =	sadd.s32 s7, s9;
	[dreg:$0x0] =	wrdreg $0x0  }
0xac: {  	s9 =	sshll.u32 s28, $0x1;
	[dreg:$0x2] =	wrdreg s7  }
0xad: {  	[dreg:$0x3] =	wrdreg s9  }
0xae: {  	[dreg:$0x4] =	wrdreg $0xC0  }
0xaf: {  	_ =	task [dreg:s11], $0x5FFFF  }
0xb0: {  	[dreg:$0x1] =	wrdreg $0xFFFFFFFF  }
0xb1: {  	[dreg:$0x0] =	wrdreg $0x60  }
0xb2: {  	[dreg:$0x2] =	wrdreg s24  }
0xb3: {  	[dreg:$0x3] =	wrdreg s5  }
0xb4: {  	[dreg:$0x4] =	wrdreg s2  }
0xb5: {  	[dreg:$0x5] =	wrdreg s18  }
0xb6: {  	[dreg:$0x6] =	wrdreg s4  }
0xb7: {  	[dreg:$0x7] =	wrdreg s6  }
0xb8: {  	[dreg:$0x8] =	wrdreg $0x9  }
0xb9: {  	_ =	task.clear_ibuf [dreg:s11], $0x9FFFF;
	_ =	strace $0x90000046  }
0xba: {  	s29 =	simm.s32 $0x9;
	_ =	strace $0x80000048  }
0xbb: {  	_ =	swait.ge [sflag:s29], $0x1  }
0xbc: {  	[sflag:s29] =	ssyncadd.s32 $0xFFFFFFFF  }
0xbd: {  	_ =	strace $0x90000048  }
0xbe: {  	_ =	sfence  }
0xbf: {  	s30 =	sld [smem:$0x0];
	_ =	sdelay $0x2  }
0xc0: {  	s31 =	sshll.u32 s1, $0xD;
	s1 =	sshrl.u32 s1, $0x2  }
0xc1: {  	s3 =	sand.u32 $0x4000, s31;
	s1 =	sadd.s32 s1, s30  }
0xc2: {  	s0 =	sor.u32 s3, s0;
	s1 =	sshll.u32 s1, $0x11  }
0xc3: {  	s0 =	sor.u32 s1, s0  }
0xc4: {  	s0 =	sadd.s32 $0x8F2B, s0  }
0xc5: {  	[sflag:s0] =	ssyncadd.remote.s32 $0x1  }
0xc6: {  	_ =	sfence.sel $0xFFFF  }
0xc7: {  	[dreg:$0x0] =	wrdreg $0xFFFFFFFF;
	(pc) =	sbr.abs _section_cstart, $3  }
0xc8: {  	[dreg:$0x1] =	wrdreg $0xFFFFFFFF  }
0xc9: {  	_ =	task.clear_ibuf [dreg:s11], $0x2FFFF;
	_ =	strace $0x9FFFFFFF  }
0xca: {  	(tm) =	ssettm $0x7FFFFFFF  }
0xcb: {  	_ =	shalt  }
tec
execute0_lowered:
.L_overlay_start_1:
0x0: {  	(tag) =	ssettag $0x1  }
0x1: {  	s0 =	rddreg [dreg:$0x0]  }
0x2: {  	s1 =	rddreg [dreg:$0x2]  }
0x3: {  	s3 =	rddreg [dreg:$0x3]  }
0x4: {  	s5 =	rddreg [dreg:$0x4]  }
0x5: {  	s6 =	rddreg [dreg:$0x5];
	s2 =	simm.s32 $0x0  }
0x6: {  	s7 =	srdreg.scid;
	s10 =	stileid.u32;
	s29 =	simm.s32 $0x3  }
0x7: {  	s30 =	simm.s32 $0x18300;
	s31 =	simm.s32 $0x18400;
	s7 =	sand.u32 $0x1, s7  }
0x8: {  	[smem:$0x7FF] =	sst s2;
	s10 =	sshll.u32 s10, $0xA;
	s11 =	sshll.u32 s7, $0x9  }
0x9: {  	s4 =	sadd.s32 $0xA00, s0;
	s8 =	sadd.s32 $0x10F0400, s0;
	s10 =	sor.u32 s11, s10  }
0xa: {  	s9 =	sadd.s32 $0x1130400, s0;
	s12 =	sadd.s32 $0x1170400, s0;
	s16 =	sshrl.u32 s10, $0x3  }
0xb: {  	s23 =	sadd.s32 $0x10EFC00, s0;
	_ =	strace $0x80000047;
	s26 =	sadd.s32 s1, s16  }
0xc: {  	s7 =	ssub.s32 $0x2, s7;
	s14 =	sadd.s32 s3, s16;
	[dreg:$0x7] =	wrdreg s26  }
0xd: {  	s17 =	sshll.u32 s10, $0x4;
	s15 =	sadd.s32 s5, s16;
	[dreg:$0x8] =	wrdreg s14  }
0xe: {  	s13 =	sshrl.u32 s7, $0x1;
	s18 =	sadd.s32 s9, s17;
	[dreg:$0x9] =	wrdreg s15  }
0xf: {  	s7 =	ssub.s32 s7, s13;
	s13 =	sadd.s32 s12, s17;
	[dreg:$0xb] =	wrdreg s18  }
0x10: {  	s11 =	sadd.s32 $0x10EF400, s0;
	s19 =	sadd.s32 s6, s16;
	[dreg:$0xc] =	wrdreg s13  }
0x11: {  	s10 =	sor.u32 $0x100, s10;
	s24 =	sadd.s32 s11, s16;
	[dreg:$0xd] =	wrdreg s19  }
0x12: {  	s20 =	sshll.u32 s10, $0x4;
	s25 =	sadd.s32 s23, s16;
	[dreg:$0x11] =	wrdreg s24  }
0x13: {  	s28 =	smax.u32 s7, $0x1;
	s14 =	sadd.s32 s8, s17;
	[dreg:$0x12] =	wrdreg s25  }
0x14: {  	s7 =	simm.s32 $0x10300;
	s8 =	sadd.s32 s8, s20;
	[dreg:$0xa] =	wrdreg s14  }
0x15: {  	s21 =	sadd.s32 s9, s20;
	s22 =	sadd.s32 s12, s20;
	[dreg:$0xe] =	wrdreg s8  }
0x16: {  	s26 =	sshrl.u32 s10, $0x3;
	s24 =	sadd.s32 $0x10C9800, s0;
	[dreg:$0xf] =	wrdreg s21  }
0x17: {  	s25 =	sadd.s32 $0x10CD800, s0;
	[dreg:$0x10] =	wrdreg s22;
	s17 =	sadd.s32 s1, s26  }
0x18: {  	s18 =	sadd.s32 s3, s26;
	s19 =	sadd.s32 s5, s26;
	s20 =	sadd.s32 s6, s26  }
0x19: {  	s21 =	sadd.s32 s11, s26;
	s22 =	sadd.s32 $0xF42E00, s0;
	s23 =	sadd.s32 s23, s26  }
0x1a: {  	s26 =	sadd.s32 $0x10EC200, s0;
	s0 =	simm.s32 $0x18500;
	s3 =	simm.s32 $0x1  }
0x1b: {  	s1 =	simm.s32 $0x2;
	s6 =	simm.s32 $0x8300;
	s8 =	simm.s32 $0x0  }
.LBB2_1:
0x1c: {  	s5 =	rddreg [dreg:$0x7]  }
0x1d: {  	[tilespmem:s2], [sflag:$0x3] =	stream.linear.gather [hbm4b:s5+s2], $0x100, $0x38;
	[tilespmem:$0x18600] =	vst v63  }
0x1e: {  	_ =	swait.ge [sflag:s29], $0x100  }
0x1f: {  	[sflag:s29] =	ssyncset.done $0x0  }
0x20: {  	s9 =	simm.s32 $0x100;
	s14 =	rddreg [dreg:$0x8];
	[sflag:s29] =	ssyncadd.s32 $0xFFFFFF00  }
0x21: {  	[tilespmem:s9], [sflag:$0x3] =	stream.linear.gather [hbm4b:s14+s2], $0x100, $0x38;
	[tilespmem:$0x18600] =	vst v63  }
0x22: {  	_ =	swait.ge [sflag:s29], $0x100  }
0x23: {  	[sflag:s29] =	ssyncset.done $0x0  }
0x24: {  	s10 =	simm.s32 $0x200;
	s15 =	rddreg [dreg:$0x9];
	[sflag:s29] =	ssyncadd.s32 $0xFFFFFF00  }
0x25: {  	[tilespmem:s10], [sflag:$0x3] =	stream.linear.gather [hbm4b:s15+s2], $0x100, $0x38;
	[tilespmem:$0x18600] =	vst v63  }
0x26: {  	_ =	swait.ge [sflag:s29], $0x100  }
0x27: {  	[sflag:s29] =	ssyncset.done $0x0  }
0x28: {  	[sflag:s29] =	ssyncadd.s32 $0xFFFFFF00  }
0x29: {  	[tilespmem:s30], [sflag:$0x2] =	stream.indirect.gather [hbm4b:s25+s9], $0x1, s2, s9, $0xb8;
	[tilespmem:$0x18600] =	vst v63  }
0x2a: {  	_ = 	snop  }
0x2b: {  	[tilespmem:s31], [sflag:$0x2] =	stream.indirect.gather [hbm4b:s26+s9], $0x1, s9, s9, $0xb8;
	[tilespmem:$0x18600] =	vst v63  }
0x2c: {  	s11 =	simm.s32 $0x0;
	s12 =	simm.s32 $0x0;
	s16 =	rddreg [dreg:$0x1]  }
0x2d: {  	[tilespmem:s0], [sflag:$0x2] =	stream.indirect.gather [hbm4b:s16+s9], $0x1, s10, s9, $0xb8;
	[tilespmem:$0x18600] =	vst v63  }
.LBB2_2:
0x2e: {  	v2 =	vld [tilespmem:s11+$0x0];
	_ =	sdelay $0x4  }
0x2f: {  	(v2sf) =	vpush v2, $0x0;
	_ =	sdelay $0x3  }
0x30: {  	v0 =	vld [tilespmem:s9+$0x0];
	_ =	sdelay $0x1  }
0x31: {  	v3 =	vld [tilespmem:s10+$0x0];
	_ =	sdelay $0x2  }
0x32: {  	v1 =	vshll.u32 v0, $0x4  }
0x33: {  	(v2sf) =	vpush v1, $0x0  }
0x34: {  	v63 =	vshll.u32 v3, $0x4  }
0x35: {  	(v2sf) =	vpush v63, $0x0;
	_ =	sdelay $0x2  }
0x36: {  	s13 =	spop (v2sf)  }
0x37: {  	s14 =	simm.s32 $0x1F85EE0;
	p0 =	sgt.s32 s13, $0x7A11F  }
0x38: {  	(v2sf) =	vpush v2, $0x1;
	s14 =	simm.s32 @!p0 $0x0  }
0x39: {  	s14 =	sadd.s32 s13, s14  }
0x3a: {  	s13 =	sshll.u32 s13, $0x7;
	s14 =	sshll.u32 s14, $0x7  }
0x3b: {  	s15 =	simm.s32 $0x7A1200;
	s13 =	sand.u32 $0x380, s13;
	s14 =	sand.u32 $0xFFFFFC00, s14  }
0x3c: {  	s15 =	simm.s32 @!p0 $0x0;
	s14 =	sor.u32 s13, s14  }
0x3d: {  	s15 =	sadd.s32 s4, s15;
	s13 =	sshra.s32 s12, $0x2;
	s14 =	sshrl.u32 s14, $0x3  }
0x3e: {  	s16 =	sadd.s32 $0x300, s13;
	s14 =	sadd.s32 s15, s14  }
0x3f: {  	[tilespmem:s16], [sflag:$0x1] =	stream.linear.gather [hbm4b:s14+s2], $0x80, $0x38;
	[tilespmem:$0x18600] =	vst v63  }
0x40: {  	s16 =	spop (v2sf)  }
0x41: {  	s14 =	sand.u32 $0x1FFFFFF0, s16  }
0x42: {  	s5 =	sadd.s32 $0x8300, s13;
	(v2sf) =	vpush v1, $0x1;
	s15 =	spop (v2sf);
	s14 =	sadd.s32 s22, s14  }
0x43: {  	[tilespmem:s5], [sflag:$0x1] =	stream.linear.gather [hbm4b:s14+s2], $0x80, $0x38;
	[tilespmem:$0x18600] =	vst v63  }
0x44: {  	(v2sf) =	vpush v63, $0x1;
	s14 =	sand.u32 $0x1FFFFFF0, s15  }
0x45: {  	s16 =	sadd.s32 $0x10300, s13;
	s14 =	sadd.s32 s24, s14  }
0x46: {  	[tilespmem:s16], [sflag:$0x1] =	stream.linear.gather [hbm4b:s14+s2], $0x80, $0x38;
	[tilespmem:$0x18600] =	vst v63  }
0x47: {  	s5 =	spop (v2sf)  }
0x48: {  	s15 =	simm.s32 $0x1F85EE0;
	p0 =	sgt.s32 s5, $0x7A11F  }
0x49: {  	(v2sf) =	vpush v2, $0x2;
	s15 =	simm.s32 @!p0 $0x0  }
0x4a: {  	s15 =	sadd.s32 s5, s15  }
0x4b: {  	s14 =	sshll.u32 s5, $0x7;
	s15 =	sshll.u32 s15, $0x7  }
0x4c: {  	s16 =	simm.s32 $0x7A1200;
	s14 =	sand.u32 $0x380, s14;
	s15 =	sand.u32 $0xFFFFFC00, s15  }
0x4d: {  	s16 =	simm.s32 @!p0 $0x0;
	s14 =	sor.u32 s14, s15  }
0x4e: {  	s16 =	sadd.s32 s4, s16;
	s14 =	sshrl.u32 s14, $0x3  }
0x4f: {  	s5 =	sadd.s32 $0x380, s13;
	s14 =	sadd.s32 s14, s16  }
0x50: {  	[tilespmem:s5], [sflag:$0x1] =	stream.linear.gather [hbm4b:s14+s2], $0x80, $0x38;
	[tilespmem:$0x18600] =	vst v63  }
0x51: {  	s16 =	spop (v2sf)  }
0x52: {  	s14 =	sand.u32 $0x1FFFFFF0, s16  }
0x53: {  	s5 =	sadd.s32 $0x8380, s13;
	(v2sf) =	vpush v1, $0x2;
	s15 =	spop (v2sf);
	s14 =	sadd.s32 s22, s14  }
0x54: {  	[tilespmem:s5], [sflag:$0x1] =	stream.linear.gather [hbm4b:s14+s2], $0x80, $0x38;
	[tilespmem:$0x18600] =	vst v63  }
0x55: {  	(v2sf) =	vpush v63, $0x2;
	s14 =	sand.u32 $0x1FFFFFF0, s15  }
0x56: {  	s16 =	sadd.s32 $0x10380, s13;
	s14 =	sadd.s32 s24, s14  }
0x57: {  	[tilespmem:s16], [sflag:$0x1] =	stream.linear.gather [hbm4b:s14+s2], $0x80, $0x38;
	[tilespmem:$0x18600] =	vst v63  }
0x58: {  	s5 =	spop (v2sf)  }
0x59: {  	s15 =	simm.s32 $0x1F85EE0;
	p0 =	sgt.s32 s5, $0x7A11F  }
0x5a: {  	(v2sf) =	vpush v2, $0x3;
	s15 =	simm.s32 @!p0 $0x0  }
0x5b: {  	s15 =	sadd.s32 s5, s15  }
0x5c: {  	s14 =	sshll.u32 s5, $0x7;
	s15 =	sshll.u32 s15, $0x7  }
0x5d: {  	s16 =	simm.s32 $0x7A1200;
	s14 =	sand.u32 $0x380, s14;
	s15 =	sand.u32 $0xFFFFFC00, s15  }
0x5e: {  	s16 =	simm.s32 @!p0 $0x0;
	s14 =	sor.u32 s14, s15  }
0x5f: {  	s16 =	sadd.s32 s4, s16;
	s14 =	sshrl.u32 s14, $0x3  }
0x60: {  	s5 =	sadd.s32 $0x400, s13;
	s14 =	sadd.s32 s14, s16  }
0x61: {  	[tilespmem:s5], [sflag:$0x1] =	stream.linear.gather [hbm4b:s14+s2], $0x80, $0x38;
	[tilespmem:$0x18600] =	vst v63  }
0x62: {  	s16 =	spop (v2sf)  }
0x63: {  	s14 =	sand.u32 $0x1FFFFFF0, s16  }
0x64: {  	s5 =	sadd.s32 $0x8400, s13;
	(v2sf) =	vpush v1, $0x3;
	s15 =	spop (v2sf);
	s14 =	sadd.s32 s22, s14  }
0x65: {  	[tilespmem:s5], [sflag:$0x1] =	stream.linear.gather [hbm4b:s14+s2], $0x80, $0x38;
	[tilespmem:$0x18600] =	vst v63  }
0x66: {  	(v2sf) =	vpush v63, $0x3;
	s14 =	sand.u32 $0x1FFFFFF0, s15  }
0x67: {  	s16 =	sadd.s32 $0x10400, s13;
	s14 =	sadd.s32 s24, s14  }
0x68: {  	[tilespmem:s16], [sflag:$0x1] =	stream.linear.gather [hbm4b:s14+s2], $0x80, $0x38;
	[tilespmem:$0x18600] =	vst v63  }
0x69: {  	s5 =	spop (v2sf)  }
0x6a: {  	s15 =	simm.s32 $0x1F85EE0;
	p0 =	sgt.s32 s5, $0x7A11F  }
0x6b: {  	(v2sf) =	vpush v2, $0x4;
	s15 =	simm.s32 @!p0 $0x0  }
0x6c: {  	s15 =	sadd.s32 s5, s15  }
0x6d: {  	s14 =	sshll.u32 s5, $0x7;
	s15 =	sshll.u32 s15, $0x7  }
0x6e: {  	s16 =	simm.s32 $0x7A1200;
	s14 =	sand.u32 $0x380, s14;
	s15 =	sand.u32 $0xFFFFFC00, s15  }
0x6f: {  	s16 =	simm.s32 @!p0 $0x0;
	s14 =	sor.u32 s14, s15  }
0x70: {  	s16 =	sadd.s32 s4, s16;
	s14 =	sshrl.u32 s14, $0x3  }
0x71: {  	s5 =	sadd.s32 $0x480, s13;
	s14 =	sadd.s32 s14, s16  }
0x72: {  	[tilespmem:s5], [sflag:$0x1] =	stream.linear.gather [hbm4b:s14+s2], $0x80, $0x38;
	[tilespmem:$0x18600] =	vst v63  }
0x73: {  	s16 =	spop (v2sf)  }
0x74: {  	s14 =	sand.u32 $0x1FFFFFF0, s16  }
0x75: {  	s5 =	sadd.s32 $0x8480, s13;
	(v2sf) =	vpush v1, $0x4;
	s15 =	spop (v2sf);
	s14 =	sadd.s32 s22, s14  }
0x76: {  	[tilespmem:s5], [sflag:$0x1] =	stream.linear.gather [hbm4b:s14+s2], $0x80, $0x38;
	[tilespmem:$0x18600] =	vst v63  }
0x77: {  	(v2sf) =	vpush v63, $0x4;
	s14 =	sand.u32 $0x1FFFFFF0, s15  }
0x78: {  	s16 =	sadd.s32 $0x10480, s13;
	s14 =	sadd.s32 s24, s14  }
0x79: {  	[tilespmem:s16], [sflag:$0x1] =	stream.linear.gather [hbm4b:s14+s2], $0x80, $0x38;
	[tilespmem:$0x18600] =	vst v63  }
0x7a: {  	s5 =	spop (v2sf)  }
0x7b: {  	s15 =	simm.s32 $0x1F85EE0;
	p0 =	sgt.s32 s5, $0x7A11F  }
0x7c: {  	(v2sf) =	vpush v2, $0x5;
	s15 =	simm.s32 @!p0 $0x0  }
0x7d: {  	s15 =	sadd.s32 s5, s15  }
0x7e: {  	s14 =	sshll.u32 s5, $0x7;
	s15 =	sshll.u32 s15, $0x7  }
0x7f: {  	s16 =	simm.s32 $0x7A1200;
	s14 =	sand.u32 $0x380, s14;
	s15 =	sand.u32 $0xFFFFFC00, s15  }
0x80: {  	s16 =	simm.s32 @!p0 $0x0;
	s14 =	sor.u32 s14, s15  }
0x81: {  	s16 =	sadd.s32 s4, s16;
	s14 =	sshrl.u32 s14, $0x3  }
0x82: {  	s5 =	sadd.s32 $0x500, s13;
	s14 =	sadd.s32 s14, s16  }
0x83: {  	[tilespmem:s5], [sflag:$0x1] =	stream.linear.gather [hbm4b:s14+s2], $0x80, $0x38;
	[tilespmem:$0x18600] =	vst v63  }
0x84: {  	s16 =	spop (v2sf)  }
0x85: {  	s14 =	sand.u32 $0x1FFFFFF0, s16  }
0x86: {  	s5 =	sadd.s32 $0x8500, s13;
	(v2sf) =	vpush v1, $0x5;
	s15 =	spop (v2sf);
	s14 =	sadd.s32 s22, s14  }
0x87: {  	[tilespmem:s5], [sflag:$0x1] =	stream.linear.gather [hbm4b:s14+s2], $0x80, $0x38;
	[tilespmem:$0x18600] =	vst v63  }
0x88: {  	(v2sf) =	vpush v63, $0x5;
	s14 =	sand.u32 $0x1FFFFFF0, s15  }
0x89: {  	s16 =	sadd.s32 $0x10500, s13;
	s14 =	sadd.s32 s24, s14  }
0x8a: {  	[tilespmem:s16], [sflag:$0x1] =	stream.linear.gather [hbm4b:s14+s2], $0x80, $0x38;
	[tilespmem:$0x18600] =	vst v63  }
0x8b: {  	s5 =	spop (v2sf)  }
0x8c: {  	s15 =	simm.s32 $0x1F85EE0;
	p0 =	sgt.s32 s5, $0x7A11F  }
0x8d: {  	(v2sf) =	vpush v2, $0x6;
	s15 =	simm.s32 @!p0 $0x0  }
0x8e: {  	s15 =	sadd.s32 s5, s15  }
0x8f: {  	s14 =	sshll.u32 s5, $0x7;
	s15 =	sshll.u32 s15, $0x7  }
0x90: {  	s16 =	simm.s32 $0x7A1200;
	s14 =	sand.u32 $0x380, s14;
	s15 =	sand.u32 $0xFFFFFC00, s15  }
0x91: {  	s16 =	simm.s32 @!p0 $0x0;
	s14 =	sor.u32 s14, s15  }
0x92: {  	s16 =	sadd.s32 s4, s16;
	s14 =	sshrl.u32 s14, $0x3  }
0x93: {  	s5 =	sadd.s32 $0x580, s13;
	s14 =	sadd.s32 s14, s16  }
0x94: {  	[tilespmem:s5], [sflag:$0x1] =	stream.linear.gather [hbm4b:s14+s2], $0x80, $0x38;
	[tilespmem:$0x18600] =	vst v63  }
0x95: {  	s16 =	spop (v2sf)  }
0x96: {  	s14 =	sand.u32 $0x1FFFFFF0, s16  }
0x97: {  	s5 =	sadd.s32 $0x8580, s13;
	(v2sf) =	vpush v1, $0x6;
	s15 =	spop (v2sf);
	s14 =	sadd.s32 s22, s14  }
0x98: {  	[tilespmem:s5], [sflag:$0x1] =	stream.linear.gather [hbm4b:s14+s2], $0x80, $0x38;
	[tilespmem:$0x18600] =	vst v63  }
0x99: {  	(v2sf) =	vpush v63, $0x6;
	s14 =	sand.u32 $0x1FFFFFF0, s15  }
0x9a: {  	s16 =	sadd.s32 $0x10580, s13;
	s14 =	sadd.s32 s24, s14  }
0x9b: {  	[tilespmem:s16], [sflag:$0x1] =	stream.linear.gather [hbm4b:s14+s2], $0x80, $0x38;
	[tilespmem:$0x18600] =	vst v63  }
0x9c: {  	s5 =	spop (v2sf)  }
0x9d: {  	s15 =	simm.s32 $0x1F85EE0;
	p0 =	sgt.s32 s5, $0x7A11F  }
0x9e: {  	(v2sf) =	vpush v2, $0x7;
	s15 =	simm.s32 @!p0 $0x0  }
0x9f: {  	s15 =	sadd.s32 s5, s15  }
0xa0: {  	s14 =	sshll.u32 s5, $0x7;
	s15 =	sshll.u32 s15, $0x7  }
0xa1: {  	s16 =	simm.s32 $0x7A1200;
	s14 =	sand.u32 $0x380, s14;
	s15 =	sand.u32 $0xFFFFFC00, s15  }
0xa2: {  	s16 =	simm.s32 @!p0 $0x0;
	s14 =	sor.u32 s14, s15  }
0xa3: {  	s16 =	sadd.s32 s4, s16;
	s14 =	sshrl.u32 s14, $0x3  }
0xa4: {  	s5 =	sadd.s32 $0x600, s13;
	s14 =	sadd.s32 s14, s16  }
0xa5: {  	[tilespmem:s5], [sflag:$0x1] =	stream.linear.gather [hbm4b:s14+s2], $0x80, $0x38;
	[tilespmem:$0x18600] =	vst v63  }
0xa6: {  	s16 =	spop (v2sf)  }
0xa7: {  	s14 =	sand.u32 $0x1FFFFFF0, s16  }
0xa8: {  	s5 =	sadd.s32 $0x8600, s13;
	(v2sf) =	vpush v1, $0x7;
	s15 =	spop (v2sf);
	s14 =	sadd.s32 s22, s14  }
0xa9: {  	[tilespmem:s5], [sflag:$0x1] =	stream.linear.gather [hbm4b:s14+s2], $0x80, $0x38;
	[tilespmem:$0x18600] =	vst v63  }
0xaa: {  	(v2sf) =	vpush v63, $0x7;
	s14 =	sand.u32 $0x1FFFFFF0, s15  }
0xab: {  	s16 =	sadd.s32 $0x10600, s13;
	s14 =	sadd.s32 s24, s14  }
0xac: {  	[tilespmem:s16], [sflag:$0x1] =	stream.linear.gather [hbm4b:s14+s2], $0x80, $0x38;
	[tilespmem:$0x18600] =	vst v63  }
0xad: {  	s5 =	spop (v2sf)  }
0xae: {  	s15 =	simm.s32 $0x1F85EE0;
	p0 =	sgt.s32 s5, $0x7A11F  }
0xaf: {  	(v2sf) =	vpush v2, $0x8;
	s15 =	simm.s32 @!p0 $0x0  }
0xb0: {  	s15 =	sadd.s32 s5, s15  }
0xb1: {  	s14 =	sshll.u32 s5, $0x7;
	s15 =	sshll.u32 s15, $0x7  }
0xb2: {  	s16 =	simm.s32 $0x7A1200;
	s14 =	sand.u32 $0x380, s14;
	s15 =	sand.u32 $0xFFFFFC00, s15  }
0xb3: {  	s16 =	simm.s32 @!p0 $0x0;
	s14 =	sor.u32 s14, s15  }
0xb4: {  	s16 =	sadd.s32 s4, s16;
	s14 =	sshrl.u32 s14, $0x3  }
0xb5: {  	s5 =	sadd.s32 $0x680, s13;
	s14 =	sadd.s32 s14, s16  }
0xb6: {  	[tilespmem:s5], [sflag:$0x1] =	stream.linear.gather [hbm4b:s14+s2], $0x80, $0x38;
	[tilespmem:$0x18600] =	vst v63  }
0xb7: {  	s16 =	spop (v2sf)  }
0xb8: {  	s14 =	sand.u32 $0x1FFFFFF0, s16  }
0xb9: {  	s5 =	sadd.s32 $0x8680, s13;
	(v2sf) =	vpush v1, $0x8;
	s15 =	spop (v2sf);
	s14 =	sadd.s32 s22, s14  }
0xba: {  	[tilespmem:s5], [sflag:$0x1] =	stream.linear.gather [hbm4b:s14+s2], $0x80, $0x38;
	[tilespmem:$0x18600] =	vst v63  }
0xbb: {  	(v2sf) =	vpush v63, $0x8;
	s14 =	sand.u32 $0x1FFFFFF0, s15  }
0xbc: {  	s16 =	sadd.s32 $0x10680, s13;
	s14 =	sadd.s32 s24, s14  }
0xbd: {  	[tilespmem:s16], [sflag:$0x1] =	stream.linear.gather [hbm4b:s14+s2], $0x80, $0x38;
	[tilespmem:$0x18600] =	vst v63  }
0xbe: {  	s5 =	spop (v2sf)  }
0xbf: {  	s15 =	simm.s32 $0x1F85EE0;
	p0 =	sgt.s32 s5, $0x7A11F  }
0xc0: {  	(v2sf) =	vpush v2, $0x9;
	s15 =	simm.s32 @!p0 $0x0  }
0xc1: {  	s15 =	sadd.s32 s5, s15  }
0xc2: {  	s14 =	sshll.u32 s5, $0x7;
	s15 =	sshll.u32 s15, $0x7  }
0xc3: {  	s16 =	simm.s32 $0x7A1200;
	s14 =	sand.u32 $0x380, s14;
	s15 =	sand.u32 $0xFFFFFC00, s15  }
0xc4: {  	s16 =	simm.s32 @!p0 $0x0;
	s14 =	sor.u32 s14, s15  }
0xc5: {  	s16 =	sadd.s32 s4, s16;
	s14 =	sshrl.u32 s14, $0x3  }
0xc6: {  	s5 =	sadd.s32 $0x700, s13;
	s14 =	sadd.s32 s14, s16  }
0xc7: {  	[tilespmem:s5], [sflag:$0x1] =	stream.linear.gather [hbm4b:s14+s2], $0x80, $0x38;
	[tilespmem:$0x18600] =	vst v63  }
0xc8: {  	s16 =	spop (v2sf)  }
0xc9: {  	s14 =	sand.u32 $0x1FFFFFF0, s16  }
0xca: {  	s5 =	sadd.s32 $0x8700, s13;
	(v2sf) =	vpush v1, $0x9;
	s15 =	spop (v2sf);
	s14 =	sadd.s32 s22, s14  }
0xcb: {  	[tilespmem:s5], [sflag:$0x1] =	stream.linear.gather [hbm4b:s14+s2], $0x80, $0x38;
	[tilespmem:$0x18600] =	vst v63  }
0xcc: {  	(v2sf) =	vpush v63, $0x9;
	s14 =	sand.u32 $0x1FFFFFF0, s15  }
0xcd: {  	s16 =	sadd.s32 $0x10700, s13;
	s14 =	sadd.s32 s24, s14  }
0xce: {  	[tilespmem:s16], [sflag:$0x1] =	stream.linear.gather [hbm4b:s14+s2], $0x80, $0x38;
	[tilespmem:$0x18600] =	vst v63  }
0xcf: {  	s5 =	spop (v2sf)  }
0xd0: {  	s15 =	simm.s32 $0x1F85EE0;
	p0 =	sgt.s32 s5, $0x7A11F  }
0xd1: {  	(v2sf) =	vpush v2, $0xA;
	s15 =	simm.s32 @!p0 $0x0  }
0xd2: {  	s15 =	sadd.s32 s5, s15  }
0xd3: {  	s14 =	sshll.u32 s5, $0x7;
	s15 =	sshll.u32 s15, $0x7  }
0xd4: {  	s16 =	simm.s32 $0x7A1200;
	s14 =	sand.u32 $0x380, s14;
	s15 =	sand.u32 $0xFFFFFC00, s15  }
0xd5: {  	s16 =	simm.s32 @!p0 $0x0;
	s14 =	sor.u32 s14, s15  }
0xd6: {  	s16 =	sadd.s32 s4, s16;
	s14 =	sshrl.u32 s14, $0x3  }
0xd7: {  	s5 =	sadd.s32 $0x780, s13;
	s14 =	sadd.s32 s14, s16  }
0xd8: {  	[tilespmem:s5], [sflag:$0x1] =	stream.linear.gather [hbm4b:s14+s2], $0x80, $0x38;
	[tilespmem:$0x18600] =	vst v63  }
0xd9: {  	s16 =	spop (v2sf)  }
0xda: {  	s14 =	sand.u32 $0x1FFFFFF0, s16  }
0xdb: {  	s5 =	sadd.s32 $0x8780, s13;
	(v2sf) =	vpush v1, $0xA;
	s15 =	spop (v2sf);
	s14 =	sadd.s32 s22, s14  }
0xdc: {  	[tilespmem:s5], [sflag:$0x1] =	stream.linear.gather [hbm4b:s14+s2], $0x80, $0x38;
	[tilespmem:$0x18600] =	vst v63  }
0xdd: {  	(v2sf) =	vpush v63, $0xA;
	s14 =	sand.u32 $0x1FFFFFF0, s15  }
0xde: {  	s16 =	sadd.s32 $0x10780, s13;
	s14 =	sadd.s32 s24, s14  }
0xdf: {  	[tilespmem:s16], [sflag:$0x1] =	stream.linear.gather [hbm4b:s14+s2], $0x80, $0x38;
	[tilespmem:$0x18600] =	vst v63  }
0xe0: {  	s5 =	spop (v2sf)  }
0xe1: {  	s15 =	simm.s32 $0x1F85EE0;
	p0 =	sgt.s32 s5, $0x7A11F  }
0xe2: {  	(v2sf) =	vpush v2, $0xB;
	s15 =	simm.s32 @!p0 $0x0  }
0xe3: {  	s15 =	sadd.s32 s5, s15  }
0xe4: {  	s14 =	sshll.u32 s5, $0x7;
	s15 =	sshll.u32 s15, $0x7  }
0xe5: {  	s16 =	simm.s32 $0x7A1200;
	s14 =	sand.u32 $0x380, s14;
	s15 =	sand.u32 $0xFFFFFC00, s15  }
0xe6: {  	s16 =	simm.s32 @!p0 $0x0;
	s14 =	sor.u32 s14, s15  }
0xe7: {  	s16 =	sadd.s32 s4, s16;
	s14 =	sshrl.u32 s14, $0x3  }
0xe8: {  	s5 =	sadd.s32 $0x800, s13;
	s14 =	sadd.s32 s14, s16  }
0xe9: {  	[tilespmem:s5], [sflag:$0x1] =	stream.linear.gather [hbm4b:s14+s2], $0x80, $0x38;
	[tilespmem:$0x18600] =	vst v63  }
0xea: {  	s16 =	spop (v2sf)  }
0xeb: {  	s14 =	sand.u32 $0x1FFFFFF0, s16  }
0xec: {  	s5 =	sadd.s32 $0x8800, s13;
	(v2sf) =	vpush v1, $0xB;
	s15 =	spop (v2sf);
	s14 =	sadd.s32 s22, s14  }
0xed: {  	[tilespmem:s5], [sflag:$0x1] =	stream.linear.gather [hbm4b:s14+s2], $0x80, $0x38;
	[tilespmem:$0x18600] =	vst v63  }
0xee: {  	(v2sf) =	vpush v63, $0xB;
	s14 =	sand.u32 $0x1FFFFFF0, s15  }
0xef: {  	s16 =	sadd.s32 $0x10800, s13;
	s14 =	sadd.s32 s24, s14  }
0xf0: {  	[tilespmem:s16], [sflag:$0x1] =	stream.linear.gather [hbm4b:s14+s2], $0x80, $0x38;
	[tilespmem:$0x18600] =	vst v63  }
0xf1: {  	s5 =	spop (v2sf)  }
0xf2: {  	s15 =	simm.s32 $0x1F85EE0;
	p0 =	sgt.s32 s5, $0x7A11F  }
0xf3: {  	(v2sf) =	vpush v2, $0xC;
	s15 =	simm.s32 @!p0 $0x0  }
0xf4: {  	s15 =	sadd.s32 s5, s15  }
0xf5: {  	s14 =	sshll.u32 s5, $0x7;
	s15 =	sshll.u32 s15, $0x7  }
0xf6: {  	s16 =	simm.s32 $0x7A1200;
	s14 =	sand.u32 $0x380, s14;
	s15 =	sand.u32 $0xFFFFFC00, s15  }
0xf7: {  	s16 =	simm.s32 @!p0 $0x0;
	s14 =	sor.u32 s14, s15  }
0xf8: {  	s16 =	sadd.s32 s4, s16;
	s14 =	sshrl.u32 s14, $0x3  }
0xf9: {  	s5 =	sadd.s32 $0x880, s13;
	s14 =	sadd.s32 s14, s16  }
0xfa: {  	[tilespmem:s5], [sflag:$0x1] =	stream.linear.gather [hbm4b:s14+s2], $0x80, $0x38;
	[tilespmem:$0x18600] =	vst v63  }
0xfb: {  	s16 =	spop (v2sf)  }
0xfc: {  	s14 =	sand.u32 $0x1FFFFFF0, s16  }
0xfd: {  	s5 =	sadd.s32 $0x8880, s13;
	(v2sf) =	vpush v1, $0xC;
	s15 =	spop (v2sf);
	s14 =	sadd.s32 s22, s14  }
0xfe: {  	[tilespmem:s5], [sflag:$0x1] =	stream.linear.gather [hbm4b:s14+s2], $0x80, $0x38;
	[tilespmem:$0x18600] =	vst v63  }
0xff: {  	(v2sf) =	vpush v63, $0xC;
	s14 =	sand.u32 $0x1FFFFFF0, s15  }
0x100: {  	s16 =	sadd.s32 $0x10880, s13;
	s14 =	sadd.s32 s24, s14  }
0x101: {  	[tilespmem:s16], [sflag:$0x1] =	stream.linear.gather [hbm4b:s14+s2], $0x80, $0x38;
	[tilespmem:$0x18600] =	vst v63  }
0x102: {  	s5 =	spop (v2sf)  }
0x103: {  	s15 =	simm.s32 $0x1F85EE0;
	p0 =	sgt.s32 s5, $0x7A11F  }
0x104: {  	(v2sf) =	vpush v2, $0xD;
	s15 =	simm.s32 @!p0 $0x0  }
0x105: {  	s15 =	sadd.s32 s5, s15  }
0x106: {  	s14 =	sshll.u32 s5, $0x7;
	s15 =	sshll.u32 s15, $0x7  }
0x107: {  	s16 =	simm.s32 $0x7A1200;
	s14 =	sand.u32 $0x380, s14;
	s15 =	sand.u32 $0xFFFFFC00, s15  }
0x108: {  	s16 =	simm.s32 @!p0 $0x0;
	s14 =	sor.u32 s14, s15  }
0x109: {  	s16 =	sadd.s32 s4, s16;
	s14 =	sshrl.u32 s14, $0x3  }
0x10a: {  	s5 =	sadd.s32 $0x900, s13;
	s14 =	sadd.s32 s14, s16  }
0x10b: {  	[tilespmem:s5], [sflag:$0x1] =	stream.linear.gather [hbm4b:s14+s2], $0x80, $0x38;
	[tilespmem:$0x18600] =	vst v63  }
0x10c: {  	s16 =	spop (v2sf)  }
0x10d: {  	s14 =	sand.u32 $0x1FFFFFF0, s16  }
0x10e: {  	s5 =	sadd.s32 $0x8900, s13;
	(v2sf) =	vpush v1, $0xD;
	s15 =	spop (v2sf);
	s14 =	sadd.s32 s22, s14  }
0x10f: {  	[tilespmem:s5], [sflag:$0x1] =	stream.linear.gather [hbm4b:s14+s2], $0x80, $0x38;
	[tilespmem:$0x18600] =	vst v63  }
0x110: {  	(v2sf) =	vpush v63, $0xD;
	s14 =	sand.u32 $0x1FFFFFF0, s15  }
0x111: {  	s16 =	sadd.s32 $0x10900, s13;
	s14 =	sadd.s32 s24, s14  }
0x112: {  	[tilespmem:s16], [sflag:$0x1] =	stream.linear.gather [hbm4b:s14+s2], $0x80, $0x38;
	[tilespmem:$0x18600] =	vst v63  }
0x113: {  	s5 =	spop (v2sf)  }
0x114: {  	s15 =	simm.s32 $0x1F85EE0;
	p0 =	sgt.s32 s5, $0x7A11F  }
0x115: {  	(v2sf) =	vpush v2, $0xE;
	s15 =	simm.s32 @!p0 $0x0  }
0x116: {  	s15 =	sadd.s32 s5, s15  }
0x117: {  	s14 =	sshll.u32 s5, $0x7;
	s15 =	sshll.u32 s15, $0x7  }
0x118: {  	s16 =	simm.s32 $0x7A1200;
	s14 =	sand.u32 $0x380, s14;
	s15 =	sand.u32 $0xFFFFFC00, s15  }
0x119: {  	s16 =	simm.s32 @!p0 $0x0;
	s14 =	sor.u32 s14, s15  }
0x11a: {  	s16 =	sadd.s32 s4, s16;
	s14 =	sshrl.u32 s14, $0x3  }
0x11b: {  	s5 =	sadd.s32 $0x980, s13;
	s14 =	sadd.s32 s14, s16  }
0x11c: {  	[tilespmem:s5], [sflag:$0x1] =	stream.linear.gather [hbm4b:s14+s2], $0x80, $0x38;
	[tilespmem:$0x18600] =	vst v63  }
0x11d: {  	s16 =	spop (v2sf)  }
0x11e: {  	s14 =	sand.u32 $0x1FFFFFF0, s16  }
0x11f: {  	s5 =	sadd.s32 $0x8980, s13;
	(v2sf) =	vpush v1, $0xE;
	s15 =	spop (v2sf);
	s14 =	sadd.s32 s22, s14  }
0x120: {  	[tilespmem:s5], [sflag:$0x1] =	stream.linear.gather [hbm4b:s14+s2], $0x80, $0x38;
	[tilespmem:$0x18600] =	vst v63  }
0x121: {  	(v2sf) =	vpush v63, $0xE;
	s14 =	sand.u32 $0x1FFFFFF0, s15  }
0x122: {  	s16 =	sadd.s32 $0x10980, s13;
	s14 =	sadd.s32 s24, s14  }
0x123: {  	[tilespmem:s16], [sflag:$0x1] =	stream.linear.gather [hbm4b:s14+s2], $0x80, $0x38;
	[tilespmem:$0x18600] =	vst v63  }
0x124: {  	s5 =	spop (v2sf)  }
0x125: {  	s15 =	simm.s32 $0x1F85EE0;
	p0 =	sgt.s32 s5, $0x7A11F  }
0x126: {  	(v2sf) =	vpush v2, $0xF;
	s15 =	simm.s32 @!p0 $0x0  }
0x127: {  	s15 =	sadd.s32 s5, s15  }
0x128: {  	s14 =	sshll.u32 s5, $0x7;
	s15 =	sshll.u32 s15, $0x7  }
0x129: {  	s16 =	simm.s32 $0x7A1200;
	s14 =	sand.u32 $0x380, s14;
	s15 =	sand.u32 $0xFFFFFC00, s15  }
0x12a: {  	s16 =	simm.s32 @!p0 $0x0;
	s14 =	sor.u32 s14, s15  }
0x12b: {  	s16 =	sadd.s32 s4, s16;
	s14 =	sshrl.u32 s14, $0x3  }
0x12c: {  	s5 =	sadd.s32 $0xA00, s13;
	s14 =	sadd.s32 s14, s16  }
0x12d: {  	[tilespmem:s5], [sflag:$0x1] =	stream.linear.gather [hbm4b:s14+s2], $0x80, $0x38;
	[tilespmem:$0x18600] =	vst v63  }
0x12e: {  	s16 =	spop (v2sf);
	(v2sf) =	vpush v1, $0xF  }
0x12f: {  	s14 =	sand.u32 $0x1FFFFFF0, s16  }
0x130: {  	s5 =	sadd.s32 $0x8A00, s13;
	s16 =	spop (v2sf);
	s14 =	sadd.s32 s22, s14  }
0x131: {  	(v2sf) =	vpush v63, $0xF;
	[tilespmem:s5], [sflag:$0x1] =	stream.linear.gather [hbm4b:s14+s2], $0x80, $0x38;
	[tilespmem:$0x18600] =	vst v63  }
0x132: {  	s14 =	sand.u32 $0x1FFFFFF0, s16  }
0x133: {  	s5 =	sadd.s32 $0x10A00, s13;
	s14 =	sadd.s32 s24, s14  }
0x134: {  	[tilespmem:s5], [sflag:$0x1] =	stream.linear.gather [hbm4b:s14+s2], $0x80, $0x38;
	[tilespmem:$0x18600] =	vst v63  }
0x135: {  	s15 =	spop (v2sf)  }
0x136: {  	s14 =	simm.s32 $0x1F85EE0;
	p0 =	sgt.s32 s15, $0x7A11F  }
0x137: {  	s14 =	simm.s32 @!p0 $0x0  }
0x138: {  	s14 =	sadd.s32 s15, s14  }
0x139: {  	s15 =	sshll.u32 s15, $0x7;
	s14 =	sshll.u32 s14, $0x7  }
0x13a: {  	s16 =	simm.s32 $0x7A1200;
	s15 =	sand.u32 $0x380, s15;
	s14 =	sand.u32 $0xFFFFFC00, s14  }
0x13b: {  	s16 =	simm.s32 @!p0 $0x0;
	s14 =	sor.u32 s15, s14  }
0x13c: {  	s11 =	sadd.s32 $0x10, s11;
	s15 =	sadd.s32 s4, s16;
	s14 =	sshrl.u32 s14, $0x3  }
0x13d: {  	s5 =	sadd.s32 $0xA80, s13;
	s14 =	sadd.s32 s14, s15;
	s16 =	spop (v2sf)  }
0x13e: {  	[tilespmem:s5], [sflag:$0x1] =	stream.linear.gather [hbm4b:s14+s2], $0x80, $0x38;
	[tilespmem:$0x18600] =	vst v63  }
0x13f: {  	p0 =	sne.s32 s12, $0x1E000;
	s15 =	sadd.s32 $0x8A80, s13;
	s14 =	sand.u32 $0x1FFFFFF0, s16  }
.Ltmp0:
0x140: {  	s16 =	spop (v2sf);
	s5 =	sadd.s32 s22, s14;
	(pc) =	sbr.rel @p0 .LBB2_2-.Ltmp0, $4  }
0x141: {  	[tilespmem:s15], [sflag:$0x1] =	stream.linear.gather [hbm4b:s5+s2], $0x80, $0x38;
	[tilespmem:$0x18600] =	vst v63  }
0x142: {  	s9 =	sadd.s32 $0x10, s9;
	s10 =	sadd.s32 $0x10, s10;
	s5 =	sand.u32 $0x1FFFFFF0, s16  }
0x143: {  	s12 =	sadd.s32 $0x2000, s12;
	s13 =	sadd.s32 $0x10A80, s13;
	s5 =	sadd.s32 s24, s5  }
0x144: {  	[tilespmem:s13], [sflag:$0x1] =	stream.linear.gather [hbm4b:s5+s2], $0x80, $0x38;
	[tilespmem:$0x18600] =	vst v63  }
0x145: {  	_ =	swait.ge [sflag:s3], $0x8000  }
0x146: {  	[sflag:s3] =	ssyncset.done $0x0  }
0x147: {  	[sflag:s3] =	ssyncadd.s32 $0xFFFF8000  }
0x148: {  	_ =	swait.ge [sflag:s3], $0x8000  }
0x149: {  	[sflag:s3] =	ssyncset.done $0x0  }
0x14a: {  	[sflag:s3] =	ssyncadd.s32 $0xFFFF8000  }
0x14b: {  	_ =	swait.ge [sflag:s3], $0x8000  }
0x14c: {  	[sflag:s3] =	ssyncset.done $0x0  }
0x14d: {  	[sflag:s3] =	ssyncadd.s32 $0xFFFF8000  }
0x14e: {  	_ =	swait.ge [sflag:s1], $0x100  }
0x14f: {  	[sflag:s1] =	ssyncset.done $0x0  }
0x150: {  	[sflag:s1] =	ssyncadd.s32 $0xFFFFFF00  }
0x151: {  	_ =	swait.ge [sflag:s1], $0x100  }
0x152: {  	[sflag:s1] =	ssyncset.done $0x0  }
0x153: {  	[sflag:s1] =	ssyncadd.s32 $0xFFFFFF00  }
0x154: {  	_ =	swait.ge [sflag:s1], $0x100  }
0x155: {  	s9 =	simm.s32 $0x0;
	[sflag:s1] =	ssyncset.done $0x0  }
0x156: {  	s10 =	simm.s32 $0x300;
	s5 =	rddreg [dreg:$0xa];
	[sflag:s1] =	ssyncadd.s32 $0xFFFFFF00  }
0x157: {  	[hbm4b:s5+s9] =	stream.linear.scatter [tilespmem:s10], [sflag:$0x3], $0x8000, $0x38;
	[tilespmem:$0x18600] =	vst v63  }
0x158: {  	_ =	swait.ge [sflag:s29], $0x8000  }
0x159: {  	[sflag:s29] =	ssyncset.done $0x0  }
0x15a: {  	s11 =	rddreg [dreg:$0xb];
	[sflag:s29] =	ssyncadd.s32 $0xFFFF8000  }
0x15b: {  	[hbm4b:s11+s9] =	stream.linear.scatter [tilespmem:s6], [sflag:$0x3], $0x8000, $0x38;
	[tilespmem:$0x18600] =	vst v63  }
0x15c: {  	_ =	swait.ge [sflag:s29], $0x8000  }
0x15d: {  	[sflag:s29] =	ssyncset.done $0x0  }
0x15e: {  	s12 =	rddreg [dreg:$0xc];
	[sflag:s29] =	ssyncadd.s32 $0xFFFF8000  }
0x15f: {  	[hbm4b:s12+s9] =	stream.linear.scatter [tilespmem:s7], [sflag:$0x3], $0x8000, $0x38;
	[tilespmem:$0x18600] =	vst v63  }
0x160: {  	_ =	swait.ge [sflag:s29], $0x8000  }
0x161: {  	[sflag:s29] =	ssyncset.done $0x0  }
0x162: {  	s13 =	rddreg [dreg:$0xd];
	[sflag:s29] =	ssyncadd.s32 $0xFFFF8000  }
0x163: {  	[hbm4b:s13+s9] =	stream.linear.scatter [tilespmem:s30], [sflag:$0x3], $0x100, $0x38;
	[tilespmem:$0x18600] =	vst v63  }
0x164: {  	_ =	swait.ge [sflag:s29], $0x100  }
0x165: {  	[sflag:s29] =	ssyncset.done $0x0  }
0x166: {  	s14 =	rddreg [dreg:$0x11];
	[sflag:s29] =	ssyncadd.s32 $0xFFFFFF00  }
0x167: {  	[hbm4b:s14+s9] =	stream.linear.scatter [tilespmem:s31], [sflag:$0x3], $0x100, $0x38;
	[tilespmem:$0x18600] =	vst v63  }
0x168: {  	_ =	swait.ge [sflag:s29], $0x100  }
0x169: {  	[sflag:s29] =	ssyncset.done $0x0  }
0x16a: {  	s15 =	rddreg [dreg:$0x12];
	[sflag:s29] =	ssyncadd.s32 $0xFFFFFF00  }
0x16b: {  	[hbm4b:s15+s9] =	stream.linear.scatter [tilespmem:s0], [sflag:$0x3], $0x100, $0x38;
	[tilespmem:$0x18600] =	vst v63  }
0x16c: {  	_ =	swait.ge [sflag:s29], $0x100  }
0x16d: {  	[sflag:s29] =	ssyncset.done $0x0  }
0x16e: {  	[sflag:s29] =	ssyncadd.s32 $0xFFFFFF00  }
0x16f: {  	[tilespmem:s9], [sflag:$0x3] =	stream.linear.gather [hbm4b:s17+s9], $0x100, $0x38;
	[tilespmem:$0x18600] =	vst v63  }
0x170: {  	_ =	swait.ge [sflag:s29], $0x100  }
0x171: {  	[sflag:s29] =	ssyncset.done $0x0  }
0x172: {  	s10 =	simm.s32 $0x100;
	[sflag:s29] =	ssyncadd.s32 $0xFFFFFF00  }
0x173: {  	[tilespmem:s10], [sflag:$0x3] =	stream.linear.gather [hbm4b:s18+s9], $0x100, $0x38;
	[tilespmem:$0x18600] =	vst v63  }
0x174: {  	_ =	swait.ge [sflag:s29], $0x100  }
0x175: {  	[sflag:s29] =	ssyncset.done $0x0  }
0x176: {  	s11 =	simm.s32 $0x200;
	[sflag:s29] =	ssyncadd.s32 $0xFFFFFF00  }
0x177: {  	[tilespmem:s11], [sflag:$0x3] =	stream.linear.gather [hbm4b:s19+s9], $0x100, $0x38;
	[tilespmem:$0x18600] =	vst v63  }
0x178: {  	_ =	swait.ge [sflag:s29], $0x100  }
0x179: {  	[sflag:s29] =	ssyncset.done $0x0  }
0x17a: {  	[sflag:s29] =	ssyncadd.s32 $0xFFFFFF00  }
0x17b: {  	[tilespmem:s30], [sflag:$0x2] =	stream.indirect.gather [hbm4b:s25+s10], $0x1, s9, s10, $0xb8;
	[tilespmem:$0x18600] =	vst v63  }
0x17c: {  	_ = 	snop  }
0x17d: {  	[tilespmem:s31], [sflag:$0x2] =	stream.indirect.gather [hbm4b:s26+s10], $0x1, s10, s10, $0xb8;
	[tilespmem:$0x18600] =	vst v63  }
0x17e: {  	s12 =	simm.s32 $0x0;
	s16 =	rddreg [dreg:$0x1]  }
0x17f: {  	[tilespmem:s0], [sflag:$0x2] =	stream.indirect.gather [hbm4b:s16+s10], $0x1, s11, s10, $0xb8;
	[tilespmem:$0x18600] =	vst v63  }
.LBB2_4:
0x180: {  	v2 =	vld [tilespmem:s9+$0x0];
	_ =	sdelay $0x4  }
0x181: {  	(v2sf) =	vpush v2, $0x0;
	_ =	sdelay $0x3  }
0x182: {  	v0 =	vld [tilespmem:s10+$0x0];
	_ =	sdelay $0x1  }
0x183: {  	v3 =	vld [tilespmem:s11+$0x0];
	_ =	sdelay $0x2  }
0x184: {  	v1 =	vshll.u32 v0, $0x4  }
0x185: {  	(v2sf) =	vpush v1, $0x0  }
0x186: {  	v63 =	vshll.u32 v3, $0x4  }
0x187: {  	(v2sf) =	vpush v63, $0x0;
	_ =	sdelay $0x2  }
0x188: {  	s5 =	spop (v2sf)  }
0x189: {  	s13 =	simm.s32 $0x1F85EE0;
	p0 =	sgt.s32 s5, $0x7A11F  }
0x18a: {  	(v2sf) =	vpush v2, $0x1;
	s13 =	simm.s32 @!p0 $0x0  }
0x18b: {  	s13 =	sadd.s32 s5, s13  }
0x18c: {  	s5 =	sshll.u32 s5, $0x7;
	s13 =	sshll.u32 s13, $0x7  }
0x18d: {  	s14 =	simm.s32 $0x7A1200;
	s5 =	sand.u32 $0x380, s5;
	s13 =	sand.u32 $0xFFFFFC00, s13  }
0x18e: {  	s14 =	simm.s32 @!p0 $0x0;
	s5 =	sor.u32 s5, s13  }
0x18f: {  	s14 =	sadd.s32 s4, s14;
	s13 =	sshra.s32 s12, $0x2;
	s5 =	sshrl.u32 s5, $0x3  }
0x190: {  	s15 =	sadd.s32 $0x300, s13;
	s5 =	sadd.s32 s14, s5  }
0x191: {  	[tilespmem:s15], [sflag:$0x1] =	stream.linear.gather [hbm4b:s5+s2], $0x80, $0x38;
	[tilespmem:$0x18600] =	vst v63  }
0x192: {  	s15 =	spop (v2sf)  }
0x193: {  	s5 =	sand.u32 $0x1FFFFFF0, s15  }
0x194: {  	s16 =	sadd.s32 $0x8300, s13;
	(v2sf) =	vpush v1, $0x1;
	s14 =	spop (v2sf);
	s5 =	sadd.s32 s22, s5  }
0x195: {  	[tilespmem:s16], [sflag:$0x1] =	stream.linear.gather [hbm4b:s5+s2], $0x80, $0x38;
	[tilespmem:$0x18600] =	vst v63  }
0x196: {  	(v2sf) =	vpush v63, $0x1;
	s5 =	sand.u32 $0x1FFFFFF0, s14  }
0x197: {  	s15 =	sadd.s32 $0x10300, s13;
	s5 =	sadd.s32 s24, s5  }
0x198: {  	[tilespmem:s15], [sflag:$0x1] =	stream.linear.gather [hbm4b:s5+s2], $0x80, $0x38;
	[tilespmem:$0x18600] =	vst v63  }
0x199: {  	s16 =	spop (v2sf)  }
0x19a: {  	s14 =	simm.s32 $0x1F85EE0;
	p0 =	sgt.s32 s16, $0x7A11F  }
0x19b: {  	(v2sf) =	vpush v2, $0x2;
	s14 =	simm.s32 @!p0 $0x0  }
0x19c: {  	s14 =	sadd.s32 s16, s14  }
0x19d: {  	s5 =	sshll.u32 s16, $0x7;
	s14 =	sshll.u32 s14, $0x7  }
0x19e: {  	s15 =	simm.s32 $0x7A1200;
	s5 =	sand.u32 $0x380, s5;
	s14 =	sand.u32 $0xFFFFFC00, s14  }
0x19f: {  	s15 =	simm.s32 @!p0 $0x0;
	s5 =	sor.u32 s5, s14  }
0x1a0: {  	s15 =	sadd.s32 s4, s15;
	s5 =	sshrl.u32 s5, $0x3  }
0x1a1: {  	s16 =	sadd.s32 $0x380, s13;
	s5 =	sadd.s32 s5, s15  }
0x1a2: {  	[tilespmem:s16], [sflag:$0x1] =	stream.linear.gather [hbm4b:s5+s2], $0x80, $0x38;
	[tilespmem:$0x18600] =	vst v63  }
0x1a3: {  	s15 =	spop (v2sf)  }
0x1a4: {  	s5 =	sand.u32 $0x1FFFFFF0, s15  }
0x1a5: {  	s16 =	sadd.s32 $0x8380, s13;
	(v2sf) =	vpush v1, $0x2;
	s14 =	spop (v2sf);
	s5 =	sadd.s32 s22, s5  }
0x1a6: {  	[tilespmem:s16], [sflag:$0x1] =	stream.linear.gather [hbm4b:s5+s2], $0x80, $0x38;
	[tilespmem:$0x18600] =	vst v63  }
0x1a7: {  	(v2sf) =	vpush v63, $0x2;
	s5 =	sand.u32 $0x1FFFFFF0, s14  }
0x1a8: {  	s15 =	sadd.s32 $0x10380, s13;
	s5 =	sadd.s32 s24, s5  }
0x1a9: {  	[tilespmem:s15], [sflag:$0x1] =	stream.linear.gather [hbm4b:s5+s2], $0x80, $0x38;
	[tilespmem:$0x18600] =	vst v63  }
0x1aa: {  	s16 =	spop (v2sf)  }
0x1ab: {  	s14 =	simm.s32 $0x1F85EE0;
	p0 =	sgt.s32 s16, $0x7A11F  }
0x1ac: {  	(v2sf) =	vpush v2, $0x3;
	s14 =	simm.s32 @!p0 $0x0  }
0x1ad: {  	s14 =	sadd.s32 s16, s14  }
0x1ae: {  	s5 =	sshll.u32 s16, $0x7;
	s14 =	sshll.u32 s14, $0x7  }
0x1af: {  	s15 =	simm.s32 $0x7A1200;
	s5 =	sand.u32 $0x380, s5;
	s14 =	sand.u32 $0xFFFFFC00, s14  }
0x1b0: {  	s15 =	simm.s32 @!p0 $0x0;
	s5 =	sor.u32 s5, s14  }
0x1b1: {  	s15 =	sadd.s32 s4, s15;
	s5 =	sshrl.u32 s5, $0x3  }
0x1b2: {  	s16 =	sadd.s32 $0x400, s13;
	s5 =	sadd.s32 s5, s15  }
0x1b3: {  	[tilespmem:s16], [sflag:$0x1] =	stream.linear.gather [hbm4b:s5+s2], $0x80, $0x38;
	[tilespmem:$0x18600] =	vst v63  }
0x1b4: {  	s15 =	spop (v2sf)  }
0x1b5: {  	s5 =	sand.u32 $0x1FFFFFF0, s15  }
0x1b6: {  	s16 =	sadd.s32 $0x8400, s13;
	(v2sf) =	vpush v1, $0x3;
	s14 =	spop (v2sf);
	s5 =	sadd.s32 s22, s5  }
0x1b7: {  	[tilespmem:s16], [sflag:$0x1] =	stream.linear.gather [hbm4b:s5+s2], $0x80, $0x38;
	[tilespmem:$0x18600] =	vst v63  }
0x1b8: {  	(v2sf) =	vpush v63, $0x3;
	s5 =	sand.u32 $0x1FFFFFF0, s14  }
0x1b9: {  	s15 =	sadd.s32 $0x10400, s13;
	s5 =	sadd.s32 s24, s5  }
0x1ba: {  	[tilespmem:s15], [sflag:$0x1] =	stream.linear.gather [hbm4b:s5+s2], $0x80, $0x38;
	[tilespmem:$0x18600] =	vst v63  }
0x1bb: {  	s16 =	spop (v2sf)  }
0x1bc: {  	s14 =	simm.s32 $0x1F85EE0;
	p0 =	sgt.s32 s16, $0x7A11F  }
0x1bd: {  	(v2sf) =	vpush v2, $0x4;
	s14 =	simm.s32 @!p0 $0x0  }
0x1be: {  	s14 =	sadd.s32 s16, s14  }
0x1bf: {  	s5 =	sshll.u32 s16, $0x7;
	s14 =	sshll.u32 s14, $0x7  }
0x1c0: {  	s15 =	simm.s32 $0x7A1200;
	s5 =	sand.u32 $0x380, s5;
	s14 =	sand.u32 $0xFFFFFC00, s14  }
0x1c1: {  	s15 =	simm.s32 @!p0 $0x0;
	s5 =	sor.u32 s5, s14  }
0x1c2: {  	s15 =	sadd.s32 s4, s15;
	s5 =	sshrl.u32 s5, $0x3  }
0x1c3: {  	s16 =	sadd.s32 $0x480, s13;
	s5 =	sadd.s32 s5, s15  }
0x1c4: {  	[tilespmem:s16], [sflag:$0x1] =	stream.linear.gather [hbm4b:s5+s2], $0x80, $0x38;
	[tilespmem:$0x18600] =	vst v63  }
0x1c5: {  	s15 =	spop (v2sf)  }
0x1c6: {  	s5 =	sand.u32 $0x1FFFFFF0, s15  }
0x1c7: {  	s16 =	sadd.s32 $0x8480, s13;
	(v2sf) =	vpush v1, $0x4;
	s14 =	spop (v2sf);
	s5 =	sadd.s32 s22, s5  }
0x1c8: {  	[tilespmem:s16], [sflag:$0x1] =	stream.linear.gather [hbm4b:s5+s2], $0x80, $0x38;
	[tilespmem:$0x18600] =	vst v63  }
0x1c9: {  	(v2sf) =	vpush v63, $0x4;
	s5 =	sand.u32 $0x1FFFFFF0, s14  }
0x1ca: {  	s15 =	sadd.s32 $0x10480, s13;
	s5 =	sadd.s32 s24, s5  }
0x1cb: {  	[tilespmem:s15], [sflag:$0x1] =	stream.linear.gather [hbm4b:s5+s2], $0x80, $0x38;
	[tilespmem:$0x18600] =	vst v63  }
0x1cc: {  	s16 =	spop (v2sf)  }
0x1cd: {  	s14 =	simm.s32 $0x1F85EE0;
	p0 =	sgt.s32 s16, $0x7A11F  }
0x1ce: {  	(v2sf) =	vpush v2, $0x5;
	s14 =	simm.s32 @!p0 $0x0  }
0x1cf: {  	s14 =	sadd.s32 s16, s14  }
0x1d0: {  	s5 =	sshll.u32 s16, $0x7;
	s14 =	sshll.u32 s14, $0x7  }
0x1d1: {  	s15 =	simm.s32 $0x7A1200;
	s5 =	sand.u32 $0x380, s5;
	s14 =	sand.u32 $0xFFFFFC00, s14  }
0x1d2: {  	s15 =	simm.s32 @!p0 $0x0;
	s5 =	sor.u32 s5, s14  }
0x1d3: {  	s15 =	sadd.s32 s4, s15;
	s5 =	sshrl.u32 s5, $0x3  }
0x1d4: {  	s16 =	sadd.s32 $0x500, s13;
	s5 =	sadd.s32 s5, s15  }
0x1d5: {  	[tilespmem:s16], [sflag:$0x1] =	stream.linear.gather [hbm4b:s5+s2], $0x80, $0x38;
	[tilespmem:$0x18600] =	vst v63  }
0x1d6: {  	s15 =	spop (v2sf)  }
0x1d7: {  	s5 =	sand.u32 $0x1FFFFFF0, s15  }
0x1d8: {  	s16 =	sadd.s32 $0x8500, s13;
	(v2sf) =	vpush v1, $0x5;
	s14 =	spop (v2sf);
	s5 =	sadd.s32 s22, s5  }
0x1d9: {  	[tilespmem:s16], [sflag:$0x1] =	stream.linear.gather [hbm4b:s5+s2], $0x80, $0x38;
	[tilespmem:$0x18600] =	vst v63  }
0x1da: {  	(v2sf) =	vpush v63, $0x5;
	s5 =	sand.u32 $0x1FFFFFF0, s14  }
0x1db: {  	s15 =	sadd.s32 $0x10500, s13;
	s5 =	sadd.s32 s24, s5  }
0x1dc: {  	[tilespmem:s15], [sflag:$0x1] =	stream.linear.gather [hbm4b:s5+s2], $0x80, $0x38;
	[tilespmem:$0x18600] =	vst v63  }
0x1dd: {  	s16 =	spop (v2sf)  }
0x1de: {  	s14 =	simm.s32 $0x1F85EE0;
	p0 =	sgt.s32 s16, $0x7A11F  }
0x1df: {  	(v2sf) =	vpush v2, $0x6;
	s14 =	simm.s32 @!p0 $0x0  }
0x1e0: {  	s14 =	sadd.s32 s16, s14  }
0x1e1: {  	s5 =	sshll.u32 s16, $0x7;
	s14 =	sshll.u32 s14, $0x7  }
0x1e2: {  	s15 =	simm.s32 $0x7A1200;
	s5 =	sand.u32 $0x380, s5;
	s14 =	sand.u32 $0xFFFFFC00, s14  }
0x1e3: {  	s15 =	simm.s32 @!p0 $0x0;
	s5 =	sor.u32 s5, s14  }
0x1e4: {  	s15 =	sadd.s32 s4, s15;
	s5 =	sshrl.u32 s5, $0x3  }
0x1e5: {  	s16 =	sadd.s32 $0x580, s13;
	s5 =	sadd.s32 s5, s15  }
0x1e6: {  	[tilespmem:s16], [sflag:$0x1] =	stream.linear.gather [hbm4b:s5+s2], $0x80, $0x38;
	[tilespmem:$0x18600] =	vst v63  }
0x1e7: {  	s15 =	spop (v2sf)  }
0x1e8: {  	s5 =	sand.u32 $0x1FFFFFF0, s15  }
0x1e9: {  	s16 =	sadd.s32 $0x8580, s13;
	(v2sf) =	vpush v1, $0x6;
	s14 =	spop (v2sf);
	s5 =	sadd.s32 s22, s5  }
0x1ea: {  	[tilespmem:s16], [sflag:$0x1] =	stream.linear.gather [hbm4b:s5+s2], $0x80, $0x38;
	[tilespmem:$0x18600] =	vst v63  }
0x1eb: {  	(v2sf) =	vpush v63, $0x6;
	s5 =	sand.u32 $0x1FFFFFF0, s14  }
0x1ec: {  	s15 =	sadd.s32 $0x10580, s13;
	s5 =	sadd.s32 s24, s5  }
0x1ed: {  	[tilespmem:s15], [sflag:$0x1] =	stream.linear.gather [hbm4b:s5+s2], $0x80, $0x38;
	[tilespmem:$0x18600] =	vst v63  }
0x1ee: {  	s16 =	spop (v2sf)  }
0x1ef: {  	s14 =	simm.s32 $0x1F85EE0;
	p0 =	sgt.s32 s16, $0x7A11F  }
0x1f0: {  	(v2sf) =	vpush v2, $0x7;
	s14 =	simm.s32 @!p0 $0x0  }
0x1f1: {  	s14 =	sadd.s32 s16, s14  }
0x1f2: {  	s5 =	sshll.u32 s16, $0x7;
	s14 =	sshll.u32 s14, $0x7  }
0x1f3: {  	s15 =	simm.s32 $0x7A1200;
	s5 =	sand.u32 $0x380, s5;
	s14 =	sand.u32 $0xFFFFFC00, s14  }
0x1f4: {  	s15 =	simm.s32 @!p0 $0x0;
	s5 =	sor.u32 s5, s14  }
0x1f5: {  	s15 =	sadd.s32 s4, s15;
	s5 =	sshrl.u32 s5, $0x3  }
0x1f6: {  	s16 =	sadd.s32 $0x600, s13;
	s5 =	sadd.s32 s5, s15  }
0x1f7: {  	[tilespmem:s16], [sflag:$0x1] =	stream.linear.gather [hbm4b:s5+s2], $0x80, $0x38;
	[tilespmem:$0x18600] =	vst v63  }
0x1f8: {  	s15 =	spop (v2sf)  }
0x1f9: {  	s5 =	sand.u32 $0x1FFFFFF0, s15  }
0x1fa: {  	s16 =	sadd.s32 $0x8600, s13;
	(v2sf) =	vpush v1, $0x7;
	s14 =	spop (v2sf);
	s5 =	sadd.s32 s22, s5  }
0x1fb: {  	[tilespmem:s16], [sflag:$0x1] =	stream.linear.gather [hbm4b:s5+s2], $0x80, $0x38;
	[tilespmem:$0x18600] =	vst v63  }
0x1fc: {  	(v2sf) =	vpush v63, $0x7;
	s5 =	sand.u32 $0x1FFFFFF0, s14  }
0x1fd: {  	s15 =	sadd.s32 $0x10600, s13;
	s5 =	sadd.s32 s24, s5  }
0x1fe: {  	[tilespmem:s15], [sflag:$0x1] =	stream.linear.gather [hbm4b:s5+s2], $0x80, $0x38;
	[tilespmem:$0x18600] =	vst v63  }
0x1ff: {  	s16 =	spop (v2sf)  }
0x200: {  	s14 =	simm.s32 $0x1F85EE0;
	p0 =	sgt.s32 s16, $0x7A11F  }
0x201: {  	(v2sf) =	vpush v2, $0x8;
	s14 =	simm.s32 @!p0 $0x0  }
0x202: {  	s14 =	sadd.s32 s16, s14  }
0x203: {  	s5 =	sshll.u32 s16, $0x7;
	s14 =	sshll.u32 s14, $0x7  }
0x204: {  	s15 =	simm.s32 $0x7A1200;
	s5 =	sand.u32 $0x380, s5;
	s14 =	sand.u32 $0xFFFFFC00, s14  }
0x205: {  	s15 =	simm.s32 @!p0 $0x0;
	s5 =	sor.u32 s5, s14  }
0x206: {  	s15 =	sadd.s32 s4, s15;
	s5 =	sshrl.u32 s5, $0x3  }
0x207: {  	s16 =	sadd.s32 $0x680, s13;
	s5 =	sadd.s32 s5, s15  }
0x208: {  	[tilespmem:s16], [sflag:$0x1] =	stream.linear.gather [hbm4b:s5+s2], $0x80, $0x38;
	[tilespmem:$0x18600] =	vst v63  }
0x209: {  	s15 =	spop (v2sf)  }
0x20a: {  	s5 =	sand.u32 $0x1FFFFFF0, s15  }
0x20b: {  	s16 =	sadd.s32 $0x8680, s13;
	(v2sf) =	vpush v1, $0x8;
	s14 =	spop (v2sf);
	s5 =	sadd.s32 s22, s5  }
0x20c: {  	[tilespmem:s16], [sflag:$0x1] =	stream.linear.gather [hbm4b:s5+s2], $0x80, $0x38;
	[tilespmem:$0x18600] =	vst v63  }
0x20d: {  	(v2sf) =	vpush v63, $0x8;
	s5 =	sand.u32 $0x1FFFFFF0, s14  }
0x20e: {  	s15 =	sadd.s32 $0x10680, s13;
	s5 =	sadd.s32 s24, s5  }
0x20f: {  	[tilespmem:s15], [sflag:$0x1] =	stream.linear.gather [hbm4b:s5+s2], $0x80, $0x38;
	[tilespmem:$0x18600] =	vst v63  }
0x210: {  	s16 =	spop (v2sf)  }
0x211: {  	s14 =	simm.s32 $0x1F85EE0;
	p0 =	sgt.s32 s16, $0x7A11F  }
0x212: {  	(v2sf) =	vpush v2, $0x9;
	s14 =	simm.s32 @!p0 $0x0  }
0x213: {  	s14 =	sadd.s32 s16, s14  }
0x214: {  	s5 =	sshll.u32 s16, $0x7;
	s14 =	sshll.u32 s14, $0x7  }
0x215: {  	s15 =	simm.s32 $0x7A1200;
	s5 =	sand.u32 $0x380, s5;
	s14 =	sand.u32 $0xFFFFFC00, s14  }
0x216: {  	s15 =	simm.s32 @!p0 $0x0;
	s5 =	sor.u32 s5, s14  }
0x217: {  	s15 =	sadd.s32 s4, s15;
	s5 =	sshrl.u32 s5, $0x3  }
0x218: {  	s16 =	sadd.s32 $0x700, s13;
	s5 =	sadd.s32 s5, s15  }
0x219: {  	[tilespmem:s16], [sflag:$0x1] =	stream.linear.gather [hbm4b:s5+s2], $0x80, $0x38;
	[tilespmem:$0x18600] =	vst v63  }
0x21a: {  	s15 =	spop (v2sf)  }
0x21b: {  	s5 =	sand.u32 $0x1FFFFFF0, s15  }
0x21c: {  	s16 =	sadd.s32 $0x8700, s13;
	(v2sf) =	vpush v1, $0x9;
	s14 =	spop (v2sf);
	s5 =	sadd.s32 s22, s5  }
0x21d: {  	[tilespmem:s16], [sflag:$0x1] =	stream.linear.gather [hbm4b:s5+s2], $0x80, $0x38;
	[tilespmem:$0x18600] =	vst v63  }
0x21e: {  	(v2sf) =	vpush v63, $0x9;
	s5 =	sand.u32 $0x1FFFFFF0, s14  }
0x21f: {  	s15 =	sadd.s32 $0x10700, s13;
	s5 =	sadd.s32 s24, s5  }
0x220: {  	[tilespmem:s15], [sflag:$0x1] =	stream.linear.gather [hbm4b:s5+s2], $0x80, $0x38;
	[tilespmem:$0x18600] =	vst v63  }
0x221: {  	s16 =	spop (v2sf)  }
0x222: {  	s14 =	simm.s32 $0x1F85EE0;
	p0 =	sgt.s32 s16, $0x7A11F  }
0x223: {  	(v2sf) =	vpush v2, $0xA;
	s14 =	simm.s32 @!p0 $0x0  }
0x224: {  	s14 =	sadd.s32 s16, s14  }
0x225: {  	s5 =	sshll.u32 s16, $0x7;
	s14 =	sshll.u32 s14, $0x7  }
0x226: {  	s15 =	simm.s32 $0x7A1200;
	s5 =	sand.u32 $0x380, s5;
	s14 =	sand.u32 $0xFFFFFC00, s14  }
0x227: {  	s15 =	simm.s32 @!p0 $0x0;
	s5 =	sor.u32 s5, s14  }
0x228: {  	s15 =	sadd.s32 s4, s15;
	s5 =	sshrl.u32 s5, $0x3  }
0x229: {  	s16 =	sadd.s32 $0x780, s13;
	s5 =	sadd.s32 s5, s15  }
0x22a: {  	[tilespmem:s16], [sflag:$0x1] =	stream.linear.gather [hbm4b:s5+s2], $0x80, $0x38;
	[tilespmem:$0x18600] =	vst v63  }
0x22b: {  	s15 =	spop (v2sf)  }
0x22c: {  	s5 =	sand.u32 $0x1FFFFFF0, s15  }
0x22d: {  	s16 =	sadd.s32 $0x8780, s13;
	(v2sf) =	vpush v1, $0xA;
	s14 =	spop (v2sf);
	s5 =	sadd.s32 s22, s5  }
0x22e: {  	[tilespmem:s16], [sflag:$0x1] =	stream.linear.gather [hbm4b:s5+s2], $0x80, $0x38;
	[tilespmem:$0x18600] =	vst v63  }
0x22f: {  	(v2sf) =	vpush v63, $0xA;
	s5 =	sand.u32 $0x1FFFFFF0, s14  }
0x230: {  	s15 =	sadd.s32 $0x10780, s13;
	s5 =	sadd.s32 s24, s5  }
0x231: {  	[tilespmem:s15], [sflag:$0x1] =	stream.linear.gather [hbm4b:s5+s2], $0x80, $0x38;
	[tilespmem:$0x18600] =	vst v63  }
0x232: {  	s16 =	spop (v2sf)  }
0x233: {  	s14 =	simm.s32 $0x1F85EE0;
	p0 =	sgt.s32 s16, $0x7A11F  }
0x234: {  	(v2sf) =	vpush v2, $0xB;
	s14 =	simm.s32 @!p0 $0x0  }
0x235: {  	s14 =	sadd.s32 s16, s14  }
0x236: {  	s5 =	sshll.u32 s16, $0x7;
	s14 =	sshll.u32 s14, $0x7  }
0x237: {  	s15 =	simm.s32 $0x7A1200;
	s5 =	sand.u32 $0x380, s5;
	s14 =	sand.u32 $0xFFFFFC00, s14  }
0x238: {  	s15 =	simm.s32 @!p0 $0x0;
	s5 =	sor.u32 s5, s14  }
0x239: {  	s15 =	sadd.s32 s4, s15;
	s5 =	sshrl.u32 s5, $0x3  }
0x23a: {  	s16 =	sadd.s32 $0x800, s13;
	s5 =	sadd.s32 s5, s15  }
0x23b: {  	[tilespmem:s16], [sflag:$0x1] =	stream.linear.gather [hbm4b:s5+s2], $0x80, $0x38;
	[tilespmem:$0x18600] =	vst v63  }
0x23c: {  	s15 =	spop (v2sf)  }
0x23d: {  	s5 =	sand.u32 $0x1FFFFFF0, s15  }
0x23e: {  	s16 =	sadd.s32 $0x8800, s13;
	(v2sf) =	vpush v1, $0xB;
	s14 =	spop (v2sf);
	s5 =	sadd.s32 s22, s5  }
0x23f: {  	[tilespmem:s16], [sflag:$0x1] =	stream.linear.gather [hbm4b:s5+s2], $0x80, $0x38;
	[tilespmem:$0x18600] =	vst v63  }
0x240: {  	(v2sf) =	vpush v63, $0xB;
	s5 =	sand.u32 $0x1FFFFFF0, s14  }
0x241: {  	s15 =	sadd.s32 $0x10800, s13;
	s5 =	sadd.s32 s24, s5  }
0x242: {  	[tilespmem:s15], [sflag:$0x1] =	stream.linear.gather [hbm4b:s5+s2], $0x80, $0x38;
	[tilespmem:$0x18600] =	vst v63  }
0x243: {  	s16 =	spop (v2sf)  }
0x244: {  	s14 =	simm.s32 $0x1F85EE0;
	p0 =	sgt.s32 s16, $0x7A11F  }
0x245: {  	(v2sf) =	vpush v2, $0xC;
	s14 =	simm.s32 @!p0 $0x0  }
0x246: {  	s14 =	sadd.s32 s16, s14  }
0x247: {  	s5 =	sshll.u32 s16, $0x7;
	s14 =	sshll.u32 s14, $0x7  }
0x248: {  	s15 =	simm.s32 $0x7A1200;
	s5 =	sand.u32 $0x380, s5;
	s14 =	sand.u32 $0xFFFFFC00, s14  }
0x249: {  	s15 =	simm.s32 @!p0 $0x0;
	s5 =	sor.u32 s5, s14  }
0x24a: {  	s15 =	sadd.s32 s4, s15;
	s5 =	sshrl.u32 s5, $0x3  }
0x24b: {  	s16 =	sadd.s32 $0x880, s13;
	s5 =	sadd.s32 s5, s15  }
0x24c: {  	[tilespmem:s16], [sflag:$0x1] =	stream.linear.gather [hbm4b:s5+s2], $0x80, $0x38;
	[tilespmem:$0x18600] =	vst v63  }
0x24d: {  	s15 =	spop (v2sf)  }
0x24e: {  	s5 =	sand.u32 $0x1FFFFFF0, s15  }
0x24f: {  	s16 =	sadd.s32 $0x8880, s13;
	(v2sf) =	vpush v1, $0xC;
	s14 =	spop (v2sf);
	s5 =	sadd.s32 s22, s5  }
0x250: {  	[tilespmem:s16], [sflag:$0x1] =	stream.linear.gather [hbm4b:s5+s2], $0x80, $0x38;
	[tilespmem:$0x18600] =	vst v63  }
0x251: {  	(v2sf) =	vpush v63, $0xC;
	s5 =	sand.u32 $0x1FFFFFF0, s14  }
0x252: {  	s15 =	sadd.s32 $0x10880, s13;
	s5 =	sadd.s32 s24, s5  }
0x253: {  	[tilespmem:s15], [sflag:$0x1] =	stream.linear.gather [hbm4b:s5+s2], $0x80, $0x38;
	[tilespmem:$0x18600] =	vst v63  }
0x254: {  	s16 =	spop (v2sf)  }
0x255: {  	s14 =	simm.s32 $0x1F85EE0;
	p0 =	sgt.s32 s16, $0x7A11F  }
0x256: {  	(v2sf) =	vpush v2, $0xD;
	s14 =	simm.s32 @!p0 $0x0  }
0x257: {  	s14 =	sadd.s32 s16, s14  }
0x258: {  	s5 =	sshll.u32 s16, $0x7;
	s14 =	sshll.u32 s14, $0x7  }
0x259: {  	s15 =	simm.s32 $0x7A1200;
	s5 =	sand.u32 $0x380, s5;
	s14 =	sand.u32 $0xFFFFFC00, s14  }
0x25a: {  	s15 =	simm.s32 @!p0 $0x0;
	s5 =	sor.u32 s5, s14  }
0x25b: {  	s15 =	sadd.s32 s4, s15;
	s5 =	sshrl.u32 s5, $0x3  }
0x25c: {  	s16 =	sadd.s32 $0x900, s13;
	s5 =	sadd.s32 s5, s15  }
0x25d: {  	[tilespmem:s16], [sflag:$0x1] =	stream.linear.gather [hbm4b:s5+s2], $0x80, $0x38;
	[tilespmem:$0x18600] =	vst v63  }
0x25e: {  	s15 =	spop (v2sf)  }
0x25f: {  	s5 =	sand.u32 $0x1FFFFFF0, s15  }
0x260: {  	s16 =	sadd.s32 $0x8900, s13;
	(v2sf) =	vpush v1, $0xD;
	s14 =	spop (v2sf);
	s5 =	sadd.s32 s22, s5  }
0x261: {  	[tilespmem:s16], [sflag:$0x1] =	stream.linear.gather [hbm4b:s5+s2], $0x80, $0x38;
	[tilespmem:$0x18600] =	vst v63  }
0x262: {  	(v2sf) =	vpush v63, $0xD;
	s5 =	sand.u32 $0x1FFFFFF0, s14  }
0x263: {  	s15 =	sadd.s32 $0x10900, s13;
	s5 =	sadd.s32 s24, s5  }
0x264: {  	[tilespmem:s15], [sflag:$0x1] =	stream.linear.gather [hbm4b:s5+s2], $0x80, $0x38;
	[tilespmem:$0x18600] =	vst v63  }
0x265: {  	s16 =	spop (v2sf)  }
0x266: {  	s14 =	simm.s32 $0x1F85EE0;
	p0 =	sgt.s32 s16, $0x7A11F  }
0x267: {  	(v2sf) =	vpush v2, $0xE;
	s14 =	simm.s32 @!p0 $0x0  }
0x268: {  	s14 =	sadd.s32 s16, s14  }
0x269: {  	s5 =	sshll.u32 s16, $0x7;
	s14 =	sshll.u32 s14, $0x7  }
0x26a: {  	s15 =	simm.s32 $0x7A1200;
	s5 =	sand.u32 $0x380, s5;
	s14 =	sand.u32 $0xFFFFFC00, s14  }
0x26b: {  	s15 =	simm.s32 @!p0 $0x0;
	s5 =	sor.u32 s5, s14  }
0x26c: {  	s15 =	sadd.s32 s4, s15;
	s5 =	sshrl.u32 s5, $0x3  }
0x26d: {  	s16 =	sadd.s32 $0x980, s13;
	s5 =	sadd.s32 s5, s15  }
0x26e: {  	[tilespmem:s16], [sflag:$0x1] =	stream.linear.gather [hbm4b:s5+s2], $0x80, $0x38;
	[tilespmem:$0x18600] =	vst v63  }
0x26f: {  	s15 =	spop (v2sf)  }
0x270: {  	s5 =	sand.u32 $0x1FFFFFF0, s15  }
0x271: {  	s16 =	sadd.s32 $0x8980, s13;
	(v2sf) =	vpush v1, $0xE;
	s14 =	spop (v2sf);
	s5 =	sadd.s32 s22, s5  }
0x272: {  	[tilespmem:s16], [sflag:$0x1] =	stream.linear.gather [hbm4b:s5+s2], $0x80, $0x38;
	[tilespmem:$0x18600] =	vst v63  }
0x273: {  	(v2sf) =	vpush v63, $0xE;
	s5 =	sand.u32 $0x1FFFFFF0, s14  }
0x274: {  	s15 =	sadd.s32 $0x10980, s13;
	s5 =	sadd.s32 s24, s5  }
0x275: {  	[tilespmem:s15], [sflag:$0x1] =	stream.linear.gather [hbm4b:s5+s2], $0x80, $0x38;
	[tilespmem:$0x18600] =	vst v63  }
0x276: {  	s16 =	spop (v2sf)  }
0x277: {  	s14 =	simm.s32 $0x1F85EE0;
	p0 =	sgt.s32 s16, $0x7A11F  }
0x278: {  	(v2sf) =	vpush v2, $0xF;
	s14 =	simm.s32 @!p0 $0x0  }
0x279: {  	s14 =	sadd.s32 s16, s14  }
0x27a: {  	s5 =	sshll.u32 s16, $0x7;
	s14 =	sshll.u32 s14, $0x7  }
0x27b: {  	s15 =	simm.s32 $0x7A1200;
	s5 =	sand.u32 $0x380, s5;
	s14 =	sand.u32 $0xFFFFFC00, s14  }
0x27c: {  	s15 =	simm.s32 @!p0 $0x0;
	s5 =	sor.u32 s5, s14  }
0x27d: {  	s15 =	sadd.s32 s4, s15;
	s5 =	sshrl.u32 s5, $0x3  }
0x27e: {  	s16 =	sadd.s32 $0xA00, s13;
	s5 =	sadd.s32 s5, s15  }
0x27f: {  	[tilespmem:s16], [sflag:$0x1] =	stream.linear.gather [hbm4b:s5+s2], $0x80, $0x38;
	[tilespmem:$0x18600] =	vst v63  }
0x280: {  	s15 =	spop (v2sf);
	(v2sf) =	vpush v1, $0xF  }
0x281: {  	s5 =	sand.u32 $0x1FFFFFF0, s15  }
0x282: {  	s16 =	sadd.s32 $0x8A00, s13;
	s15 =	spop (v2sf);
	s5 =	sadd.s32 s22, s5  }
0x283: {  	(v2sf) =	vpush v63, $0xF;
	[tilespmem:s16], [sflag:$0x1] =	stream.linear.gather [hbm4b:s5+s2], $0x80, $0x38;
	[tilespmem:$0x18600] =	vst v63  }
0x284: {  	s5 =	sand.u32 $0x1FFFFFF0, s15  }
0x285: {  	s16 =	sadd.s32 $0x10A00, s13;
	s5 =	sadd.s32 s24, s5  }
0x286: {  	[tilespmem:s16], [sflag:$0x1] =	stream.linear.gather [hbm4b:s5+s2], $0x80, $0x38;
	[tilespmem:$0x18600] =	vst v63  }
0x287: {  	s14 =	spop (v2sf)  }
0x288: {  	s5 =	simm.s32 $0x1F85EE0;
	p0 =	sgt.s32 s14, $0x7A11F  }
0x289: {  	s5 =	simm.s32 @!p0 $0x0  }
0x28a: {  	s5 =	sadd.s32 s14, s5  }
0x28b: {  	s14 =	sshll.u32 s14, $0x7;
	s5 =	sshll.u32 s5, $0x7  }
0x28c: {  	s15 =	simm.s32 $0x7A1200;
	s14 =	sand.u32 $0x380, s14;
	s5 =	sand.u32 $0xFFFFFC00, s5  }
0x28d: {  	s15 =	simm.s32 @!p0 $0x0;
	s5 =	sor.u32 s14, s5  }
0x28e: {  	s9 =	sadd.s32 $0x10, s9;
	s14 =	sadd.s32 s4, s15;
	s5 =	sshrl.u32 s5, $0x3  }
0x28f: {  	s16 =	sadd.s32 $0xA80, s13;
	s5 =	sadd.s32 s5, s14;
	s15 =	spop (v2sf)  }
0x290: {  	[tilespmem:s16], [sflag:$0x1] =	stream.linear.gather [hbm4b:s5+s2], $0x80, $0x38;
	[tilespmem:$0x18600] =	vst v63  }
0x291: {  	p0 =	sne.s32 s12, $0x1E000;
	s14 =	sand.u32 $0x1FFFFFF0, s15;
	s15 =	sadd.s32 $0x8A80, s13  }
.Ltmp1:
0x292: {  	s16 =	spop (v2sf);
	s5 =	sadd.s32 s22, s14;
	(pc) =	sbr.rel @p0 .LBB2_4-.Ltmp1, $4  }
0x293: {  	[tilespmem:s15], [sflag:$0x1] =	stream.linear.gather [hbm4b:s5+s2], $0x80, $0x38;
	[tilespmem:$0x18600] =	vst v63  }
0x294: {  	s10 =	sadd.s32 $0x10, s10;
	s11 =	sadd.s32 $0x10, s11;
	s5 =	sand.u32 $0x1FFFFFF0, s16  }
0x295: {  	s12 =	sadd.s32 $0x2000, s12;
	s13 =	sadd.s32 $0x10A80, s13;
	s5 =	sadd.s32 s24, s5  }
0x296: {  	[tilespmem:s13], [sflag:$0x1] =	stream.linear.gather [hbm4b:s5+s2], $0x80, $0x38;
	[tilespmem:$0x18600] =	vst v63  }
0x297: {  	_ =	swait.ge [sflag:s3], $0x8000  }
0x298: {  	[sflag:s3] =	ssyncset.done $0x0  }
0x299: {  	[sflag:s3] =	ssyncadd.s32 $0xFFFF8000  }
0x29a: {  	_ =	swait.ge [sflag:s3], $0x8000  }
0x29b: {  	[sflag:s3] =	ssyncset.done $0x0  }
0x29c: {  	[sflag:s3] =	ssyncadd.s32 $0xFFFF8000  }
0x29d: {  	_ =	swait.ge [sflag:s3], $0x8000  }
0x29e: {  	[sflag:s3] =	ssyncset.done $0x0  }
0x29f: {  	[sflag:s3] =	ssyncadd.s32 $0xFFFF8000  }
0x2a0: {  	_ =	swait.ge [sflag:s1], $0x100  }
0x2a1: {  	[sflag:s1] =	ssyncset.done $0x0  }
0x2a2: {  	[sflag:s1] =	ssyncadd.s32 $0xFFFFFF00  }
0x2a3: {  	_ =	swait.ge [sflag:s1], $0x100  }
0x2a4: {  	[sflag:s1] =	ssyncset.done $0x0  }
0x2a5: {  	[sflag:s1] =	ssyncadd.s32 $0xFFFFFF00  }
0x2a6: {  	_ =	swait.ge [sflag:s1], $0x100  }
0x2a7: {  	[sflag:s1] =	ssyncset.done $0x0  }
0x2a8: {  	s9 =	simm.s32 $0x300;
	s5 =	rddreg [dreg:$0xe];
	[sflag:s1] =	ssyncadd.s32 $0xFFFFFF00  }
0x2a9: {  	[hbm4b:s5+s2] =	stream.linear.scatter [tilespmem:s9], [sflag:$0x3], $0x8000, $0x38;
	[tilespmem:$0x18600] =	vst v63  }
0x2aa: {  	_ =	swait.ge [sflag:s29], $0x8000  }
0x2ab: {  	[sflag:s29] =	ssyncset.done $0x0  }
0x2ac: {  	s15 =	rddreg [dreg:$0xf];
	[sflag:s29] =	ssyncadd.s32 $0xFFFF8000  }
0x2ad: {  	[hbm4b:s15+s2] =	stream.linear.scatter [tilespmem:s6], [sflag:$0x3], $0x8000, $0x38;
	[tilespmem:$0x18600] =	vst v63  }
0x2ae: {  	_ =	swait.ge [sflag:s29], $0x8000  }
0x2af: {  	[sflag:s29] =	ssyncset.done $0x0  }
0x2b0: {  	s16 =	rddreg [dreg:$0x10];
	[sflag:s29] =	ssyncadd.s32 $0xFFFF8000  }
0x2b1: {  	[hbm4b:s16+s2] =	stream.linear.scatter [tilespmem:s7], [sflag:$0x3], $0x8000, $0x38;
	[tilespmem:$0x18600] =	vst v63  }
0x2b2: {  	_ =	swait.ge [sflag:s29], $0x8000  }
0x2b3: {  	[sflag:s29] =	ssyncset.done $0x0  }
0x2b4: {  	[sflag:s29] =	ssyncadd.s32 $0xFFFF8000  }
0x2b5: {  	[hbm4b:s20+s2] =	stream.linear.scatter [tilespmem:s30], [sflag:$0x3], $0x100, $0x38;
	[tilespmem:$0x18600] =	vst v63  }
0x2b6: {  	_ =	swait.ge [sflag:s29], $0x100  }
0x2b7: {  	[sflag:s29] =	ssyncset.done $0x0  }
0x2b8: {  	[sflag:s29] =	ssyncadd.s32 $0xFFFFFF00  }
0x2b9: {  	[hbm4b:s21+s2] =	stream.linear.scatter [tilespmem:s31], [sflag:$0x3], $0x100, $0x38;
	[tilespmem:$0x18600] =	vst v63  }
0x2ba: {  	s8 =	sadd.s32 $0x1, s8;
	_ =	swait.ge [sflag:s29], $0x100  }
0x2bb: {  	p0 =	sne.s32 s8, s28;
	[sflag:s29] =	ssyncset.done $0x0  }
.Ltmp2:
0x2bc: {  	[sflag:s29] =	ssyncadd.s32 $0xFFFFFF00;
	(pc) =	sbr.rel @p0 .LBB2_1-.Ltmp2, $4  }
0x2bd: {  	[hbm4b:s23+s2] =	stream.linear.scatter [tilespmem:s0], [sflag:$0x3], $0x100, $0x38;
	[tilespmem:$0x18600] =	vst v63  }
0x2be: {  	_ =	swait.ge [sflag:s29], $0x100  }
0x2bf: {  	[sflag:s29] =	ssyncset.done $0x0  }
0x2c0: {  	[sflag:s29] =	ssyncadd.s32 $0xFFFFFF00  }
0x2c1: {  	_ =	sfence.sel $0x180000  }
0x2c2: {  	[bflag:$0x0] =	sbarrier.arrive $0xFFFF  }
0x2c3: {  	_ =	strace $0x90000047  }
0x2c4: {  	s0 =	stileid.u32;
	[bflag:$0x2] =	sbarrier.arrive $0xFFFF  }
0x2c5: {  	p0 =	sne.s32 s0, $0x0;
	s0 =	rddreg [dreg:$0x6]  }
0x2c6: {  	s0 =	sadd.s32 @!p0 $0x100000, s0  }
0x2c7: {  	[sflag:s0] =	ssyncadd.tile.s32 @!p0 $0x1;
	_ =	shalt  }
.Lfunc_end2:
_tile_overlayer_lowered:
.L_overlay_start_2:
0x2c8: {  	(tag) =	ssettag $0x2  }
0x2c9: {  	s0 =	rddreg [dreg:$0x0];
	s2 =	stileid.u32  }
0x2ca: {  	s1 =	rddreg [dreg:$0x1];
	p0 =	sne.s32 s2, $0x0  }
0x2cb: {  	s3 =	rddreg [dreg:$0x2];
	[bflag:$0x3] =	sbarrier.arrive $0xFFFF;
	s2 =	simm.s32 @!p0 $0x1C03  }
0x2cc: {  	[timem:s3], [sflag:s2] =	dma.local @!p0 [hbm:s0], s1  }
0x2cd: {  	s0 =	simm.s32 @!p0 $0x3  }
0x2ce: {  	_ =	swait.ge @!p0 [sflag:s0], s1  }
0x2cf: {  	s1 =	ssub.s32 @!p0 $0x0, s1;
	[sflag:s0] =	ssyncset.done @!p0 $0x0  }
0x2d0: {  	[sflag:s0] =	ssyncadd.s32 @!p0 s1  }
0x2d1: {  	[bflag:$0x3] =	sbarrier.arrive $0xFFFF  }
0x2d2: {  	_ =	shalt  }

</sc_bundles>
